<compile_context>
chip_gen: v7x
topology: tpu7x:2x2x1
jax: 0.10.2.dev20260603
libtpu: 0.0.44.dev20260713+nightly
codegen_flags: <defaults>
</compile_context>

<pallas_src>
import functools

import jax
import jax.numpy as jnp
from jax import lax
from jax.experimental import pallas as pl
from jax.experimental.pallas import tpu as pltpu
from jax.experimental.pallas import tpu_sc as plsc

N = 10000
E = 320000
F = 128
K1 = 5000
K2 = 2500

NP = 10240
NPR = NP // 128
NC = 2
NS = 16
NW = NC * NS
CH = 128
NCHUNK = 79
EPT = CH * NCHUNK
ERT = 10000
TSC = 88
TSTRIDE = CH * TSC
EP = TSTRIDE * NW
EPC = EP // CH
TPR = NP // NS

_SC_MESH = plsc.VectorSubcoreMesh(core_axis_name="c", subcore_axis_name="s")



@functools.partial(
    pl.kernel,
    out_type=(jax.ShapeDtypeStruct((NW, NP), jnp.float32),
              jax.ShapeDtypeStruct((NW, NP), jnp.float32)),
    mesh=_SC_MESH,
    compiler_params=pltpu.CompilerParams(needs_layout_passes=False),
    scratch_types=[
        pltpu.VMEM((NP,), jnp.float32),
        pltpu.VMEM((EPT,), jnp.int32),
        pltpu.VMEM((EPT,), jnp.int32),
        pltpu.VMEM((NP,), jnp.float32),
        pltpu.VMEM((NP,), jnp.float32),
    ],
)
def _deg_kernel(m_hbm, src_hbm, dst_hbm, dout_hbm, din_hbm,
                m_v, src_v, dst_v, ho_v, hi_v):
    c = lax.axis_index("c")
    s = lax.axis_index("s")
    wid = s * NC + c
    pltpu.sync_copy(m_hbm, m_v)
    base = wid * TSTRIDE
    pltpu.sync_copy(src_hbm.at[pl.ds(base, EPT)], src_v)
    pltpu.sync_copy(dst_hbm.at[pl.ds(base, EPT)], dst_v)

    zero16 = jnp.zeros((16,), jnp.float32)

    def zbody(j, carry):
        ho_v[pl.ds(j * 16, 16)] = zero16
        hi_v[pl.ds(j * 16, 16)] = zero16
        return carry

    lax.fori_loop(0, NP // 16, zbody, 0)

    def ebody(j, carry):
        isrc = src_v[pl.ds(j * 16, 16)]
        idst = dst_v[pl.ds(j * 16, 16)]
        ms = plsc.load_gather(m_v, [isrc])
        md = plsc.load_gather(m_v, [idst])
        v = ms * md
        plsc.addupdate_scatter(ho_v, [isrc], v)
        plsc.addupdate_scatter(hi_v, [idst], v)
        return carry

    lax.fori_loop(0, EPT // 16, ebody, 0)
    pltpu.sync_copy(ho_v, dout_hbm.at[wid])
    pltpu.sync_copy(hi_v, din_hbm.at[wid])


@functools.partial(
    pl.kernel,
    out_type=jax.ShapeDtypeStruct((NC, NP, F), jnp.float32),
    mesh=_SC_MESH,
    compiler_params=pltpu.CompilerParams(needs_layout_passes=False),
    scratch_types=[
        pltpu.VMEM((NCHUNK + 1, CH), jnp.int32),
        pltpu.VMEM((CH,), jnp.int32),
        pltpu.VMEM((CH,), jnp.int32),
        pltpu.VMEM((CH, F), jnp.float32),
        pltpu.VMEM((CH, F), jnp.float32),
        pltpu.VMEM_SHARED((NP, F), jnp.float32),
        pltpu.SemaphoreType.DMA,
        pltpu.SemaphoreType.DMA,
        pltpu.SemaphoreType.DMA,
    ],
)
def _edge_kernel(s_hbm, src_hbm, dst_hbm, z_hbm, out_hbm,
                 dstv, srcc0, srcc1, rows0, rows1, acc, gsem, ssem, isem):
    c = lax.axis_index("c")
    s = lax.axis_index("s")
    wid = s * NC + c
    pltpu.sync_copy(dst_hbm.at[pl.ds(wid * TSC, NCHUNK + 1)], dstv)
    pltpu.sync_copy(z_hbm, acc.at[pl.ds(s * TPR, TPR)])
    plsc.subcore_barrier()

    rows = (rows0, rows1)
    srcc = (srcc0, srcc1)
    ebase = wid * TSTRIDE
    pltpu.sync_copy(src_hbm.at[pl.ds(ebase, CH)], srcc0)
    pltpu.async_copy(s_hbm.at[srcc0], rows0, gsem).wait()
    pltpu.async_copy(src_hbm.at[pl.ds(ebase + CH, CH)], srcc1, isem)

    def outer(i, carry):
        for b in (0, 1):
            g = 2 * i + b
            gn2 = jnp.where(g + 2 < NCHUNK, g + 2, 0)
            pltpu.make_async_copy(
                src_hbm.at[pl.ds(ebase, CH)], srcc[1 - b], isem).wait()
            gd = pltpu.async_copy(s_hbm.at[srcc[1 - b]], rows[1 - b], gsem)
            pltpu.async_copy(src_hbm.at[pl.ds(ebase + gn2 * CH, CH)],
                             srcc[b], isem)
            sd = pltpu.async_copy(rows[b], acc.at[dstv.at[g]], ssem, add=True)
            sd.wait()
            gd.wait()
        return carry

    lax.fori_loop(0, NCHUNK // 2, outer, 0)
    pltpu.sync_copy(rows0, acc.at[dstv.at[NCHUNK - 1]], add=True)
    pltpu.make_async_copy(src_hbm.at[pl.ds(ebase, CH)], srcc1, isem).wait()
    plsc.subcore_barrier()
    pltpu.sync_copy(acc.at[pl.ds(s * TPR, TPR)],
                    out_hbm.at[c, pl.ds(s * TPR, TPR)])



def _mm_body(x_ref, w_ref, dout_ref, o_ref):
    deg = jnp.sum(dout_ref[...], axis=0)
    scale = lax.rsqrt(jnp.maximum(deg, 1.0))
    o_ref[...] = jnp.dot(x_ref[...], w_ref[...],
                         preferred_element_type=jnp.float32) * scale[:, None]


def _mm(x, w, dout):
    return pl.pallas_call(
        _mm_body,
        out_shape=jax.ShapeDtypeStruct((NP, F), jnp.float32),
    )(x, w, dout)


def _act_body(a0_ref, a1_ref, din_ref, b_ref, p_ref, h_ref, s_ref):
    deg = jnp.sum(din_ref[...], axis=0)
    scale = lax.rsqrt(jnp.maximum(deg, 1.0))
    h = jnp.maximum((a0_ref[...] + a1_ref[...]) * scale[:, None] + b_ref[...],
                    0.0)
    h_ref[...] = h
    pn = lax.rsqrt(jnp.sum(p_ref[...] * p_ref[...]))
    s_ref[...] = jnp.tanh(
        jnp.dot(h, p_ref[...], preferred_element_type=jnp.float32) * pn)


def _act(a0, a1, din, b, p):
    return pl.pallas_call(
        _act_body,
        out_shape=(jax.ShapeDtypeStruct((NP, F), jnp.float32),
                   jax.ShapeDtypeStruct((NP, 1), jnp.float32)),
    )(a0, a1, din, b, p)


def _mask_body(s_ref, mprev_ref, m_ref, *, k):
    sb = s_ref[...] + 0.0
    bi = lax.bitcast_convert_type(sb, jnp.int32)
    mag = bi ^ jnp.int32(-2147483648)
    key = jnp.where(bi >= 0, bi, -mag)
    sent = jnp.int32(-1065353217)
    key = jnp.where(mprev_ref[...] > 0, key, sent)
    kk = jnp.int32(k)

    def vbody(_, lh):
        lo, hi = lh
        mid = (lo + hi + jnp.int32(1)) >> 1
        cnt = jnp.sum((key >= mid).astype(jnp.int32))
        pred = cnt >= kk
        return jnp.where(pred, mid, lo), jnp.where(pred, hi, mid - 1)

    v, _ = lax.fori_loop(0, 32, vbody, (sent, jnp.int32(1065353216)))

    cgt = jnp.sum((key > v).astype(jnp.int32))
    r = kk - cgt
    tie = key == v
    idx = (lax.broadcasted_iota(jnp.int32, (NPR, 128), 0) * 128
           + lax.broadcasted_iota(jnp.int32, (NPR, 128), 1))

    def ibody(_, lh):
        lo, hi = lh
        mid = (lo + hi) >> 1
        cnt = jnp.sum((tie & (idx < mid)).astype(jnp.int32))
        pred = cnt >= r
        return jnp.where(pred, lo, mid + 1), jnp.where(pred, mid, hi)

    i_thr, _ = lax.fori_loop(0, 14, ibody, (jnp.int32(0), jnp.int32(NP)))
    m_ref[...] = ((key > v) | (tie & (idx < i_thr))).astype(jnp.float32)


def _mask(score2d, mprev2d, k):
    return pl.pallas_call(
        functools.partial(_mask_body, k=k),
        out_shape=jax.ShapeDtypeStruct((NPR, 128), jnp.float32),
    )(score2d, mprev2d)


def _pool_body(h_ref, s_ref, m_ref, xn_ref, gmp_ref, gap_ref, *, k):
    xn = h_ref[...] * s_ref[...] * m_ref[...]
    xn_ref[...] = xn
    neg = jnp.float32(-3.4e38)
    gmp_ref[...] = jnp.max(jnp.where(m_ref[...] > 0, xn, neg),
                           axis=0, keepdims=True)
    gap_ref[...] = jnp.sum(xn, axis=0, keepdims=True) * jnp.float32(1.0 / k)


def _pool(h, s, m, k):
    return pl.pallas_call(
        functools.partial(_pool_body, k=k),
        out_shape=(jax.ShapeDtypeStruct((NP, F), jnp.float32),
                   jax.ShapeDtypeStruct((1, F), jnp.float32),
                   jax.ShapeDtypeStruct((1, F), jnp.float32)),
    )(h, s, m)


def _final_body(h_ref, m_ref, g1_ref, a1_ref, g2_ref, a2_ref, o_ref):
    m = m_ref[...]
    h = h_ref[...]
    neg = jnp.float32(-3.4e38)
    gmp3 = jnp.max(jnp.where(m > 0, h, neg), axis=0, keepdims=True)
    gap3 = jnp.sum(h * m, axis=0, keepdims=True) * jnp.float32(1.0 / K2)
    o_ref[...] = jnp.concatenate(
        [g1_ref[...] + g2_ref[...] + gmp3,
         a1_ref[...] + a2_ref[...] + gap3], axis=1)


def _final(h3, m2, gmp1, gap1, gmp2, gap2):
    return pl.pallas_call(
        _final_body,
        out_shape=jax.ShapeDtypeStruct((1, 2 * F), jnp.float32),
    )(h3, m2, gmp1, gap1, gmp2, gap2)



def kernel(x, edge_index, batch, W1, b1, W2, b2, W3, b3, p1, p2):
    del batch
    f32 = jnp.float32
    xp = jnp.pad(x.astype(f32), ((0, NP - N), (0, 0)))
    src = jnp.pad(edge_index[0].reshape(NW, ERT),
                  ((0, 0), (0, TSTRIDE - ERT)),
                  constant_values=NP - 1).reshape(-1)
    dst = jnp.pad(edge_index[1].reshape(NW, ERT),
                  ((0, 0), (0, TSTRIDE - ERT)),
                  constant_values=NP - 1).reshape(-1)
    m0 = (jnp.arange(NP, dtype=jnp.int32) < N).astype(f32)
    zb = jnp.zeros((TPR, F), f32)

    dst2d = dst.reshape(EPC, CH)

    def layer(X, m, W, b, p):
        dout, din = _deg_kernel(m, src, dst)
        s_mat = _mm(X, W, dout)
        acc = _edge_kernel(s_mat, src, dst2d, zb)
        return _act(acc[0], acc[1], din, b.reshape(1, F), p.reshape(F, 1))

    h1, s1 = layer(xp, m0, W1, b1, p1)
    m1_2d = _mask(s1.reshape(NPR, 128), m0.reshape(NPR, 128), K1)
    m1 = m1_2d.reshape(NP, 1)
    X2, gmp1, gap1 = _pool(h1, s1, m1, K1)

    h2, s2 = layer(X2, m1.reshape(NP), W2, b2, p2)
    m2_2d = _mask(s2.reshape(NPR, 128), m1_2d, K2)
    m2 = m2_2d.reshape(NP, 1)
    X3, gmp2, gap2 = _pool(h2, s2, m2, K2)

    h3, _ = layer(X3, m2.reshape(NP), W3, b3, p2)
    return _final(h3, m2, gmp1, gap1, gmp2, gap2)

# --- scband reference (transcript-rebuilt; emitter-appended) ---
"""Pipeline reference for scband-gcn-34969623724071 (READ-ONLY COPY).

The authoritative reference and input builder live on the scoring server;
editing this copy changes nothing except your own understanding.
"""

import jax, jax.numpy as jnp
import numpy as np

N = 10000
E = 320000
NFEAT = 128
NHID = 128
K1 = 5000  # ceil(0.5 * N)
K2 = 2500  # ceil(0.5 * K1)


def setup_inputs(seed: int = 0) -> dict:
    key = jax.random.key(seed)
    ks = jax.random.split(key, 12)
    x = jax.random.normal(ks[0], (N, NFEAT), dtype=jnp.float32)
    edge_index = jax.random.randint(ks[1], (2, E), 0, N, dtype=jnp.int32)
    batch = jnp.zeros((N,), dtype=jnp.int32)
    s1 = 1.0 / np.sqrt(NFEAT)
    s2 = 1.0 / np.sqrt(NHID)
    W1 = jax.random.normal(ks[2], (NFEAT, NHID), dtype=jnp.float32) * s1
    b1 = jnp.zeros((NHID,), dtype=jnp.float32)
    W2 = jax.random.normal(ks[3], (NHID, NHID), dtype=jnp.float32) * s2
    b2 = jnp.zeros((NHID,), dtype=jnp.float32)
    W3 = jax.random.normal(ks[4], (NHID, NHID), dtype=jnp.float32) * s2
    b3 = jnp.zeros((NHID,), dtype=jnp.float32)
    p1 = jax.random.normal(ks[5], (NHID,), dtype=jnp.float32)
    p2 = jax.random.normal(ks[6], (NHID,), dtype=jnp.float32)
    return {"x": x, "edge_index": edge_index, "batch": batch,
            "W1": W1, "b1": b1, "W2": W2, "b2": b2, "W3": W3, "b3": b3,
            "p1": p1, "p2": p2}


def gcn_conv(x, W, b, src, dst, edge_mask, n):
    # GraphConvolution: support = x @ W, symmetric-degree-normalized scatter-add over edges
    support = x @ W
    deg_in = jax.ops.segment_sum(edge_mask, dst, num_segments=n)
    deg_out = jax.ops.segment_sum(edge_mask, src, num_segments=n)
    norm = edge_mask / jnp.sqrt(jnp.maximum(deg_out[src], 1.0) * jnp.maximum(deg_in[dst], 1.0))
    msgs = jnp.take(support, src, axis=0) * norm[:, None]
    out = jax.ops.segment_sum(msgs, dst, num_segments=n)
    return out + b


def topk_pool(x, edge_index, edge_mask, p, k):
    # TopKPooling (ratio=0.5): score = tanh(x.p/||p||), keep top-k nodes, x' = x[perm]*score[perm]
    n = x.shape[0]
    score = jnp.tanh((x @ p) / jnp.linalg.norm(p))
    vals, perm = jax.lax.top_k(score, k)
    x_new = jnp.take(x, perm, axis=0) * vals[:, None]
    mapping = jnp.full((n,), -1, dtype=jnp.int32).at[perm].set(jnp.arange(k, dtype=jnp.int32))
    nsrc = mapping[edge_index[0]]
    ndst = mapping[edge_index[1]]
    valid = (nsrc >= 0) & (ndst >= 0) & (edge_mask > 0)
    new_ei = jnp.where(valid[None, :], jnp.stack([nsrc, ndst]), 0)
    return x_new, new_ei, valid.astype(x.dtype)


def readout(x):
    # gmp || gap over the single-graph batch (batch vector is all zeros)
    gmp = jnp.max(x, axis=0)
    gap = jnp.mean(x, axis=0)
    return jnp.concatenate([gmp, gap])[None, :]


def reference(x, edge_index, batch, W1, b1, W2, b2, W3, b3, p1, p2):
    mask = jnp.ones((edge_index.shape[1],), dtype=x.dtype)
    src, dst = edge_index[0], edge_index[1]
    h = jax.nn.relu(gcn_conv(x, W1, b1, src, dst, mask, x.shape[0]))
    # dropout is identity in eval mode
    h, ei, mask = topk_pool(h, edge_index, mask, p1, K1)
    x1 = readout(h)
    h = jax.nn.relu(gcn_conv(h, W2, b2, ei[0], ei[1], mask, K1))
    h, ei, mask = topk_pool(h, ei, mask, p2, K2)
    x2 = readout(h)
    h = jax.nn.relu(gcn_conv(h, W3, b3, ei[0], ei[1], mask, K2))
    x3 = readout(h)
    return x1 + x2 + x3

if __name__ == "__main__":
    import jax
    _d = setup_inputs()
    print(jax.jit(kernel)(*tuple(_d.values())))

</pallas_src>

<mosaic_0001>
#map = affine_map<(d0, d1) -> (0, 0)>
#map1 = affine_map<(d0, d1) -> (0)>
#map2 = affine_map<(d0, d1) -> (0, 0, 0)>
module attributes {stable_mosaic.version = 14 : i64} {
  func.func @_edge_kernel(%arg0: i32, %arg1: i32, %arg2: memref<10240x128xf32, #tpu.memory_space<hbm>>, %arg3: memref<360448xi32, #tpu.memory_space<hbm>>, %arg4: memref<2816x128xi32, #tpu.memory_space<hbm>>, %arg5: memref<640x128xf32, #tpu.memory_space<hbm>>, %arg6: memref<2x10240x128xf32, #tpu.memory_space<hbm>>, %arg7: memref<80x128xi32, #tpu.memory_space<vmem>>, %arg8: memref<128xi32, #tpu.memory_space<vmem>>, %arg9: memref<128xi32, #tpu.memory_space<vmem>>, %arg10: memref<128x128xf32, #tpu.memory_space<vmem>>, %arg11: memref<128x128xf32, #tpu.memory_space<vmem>>, %arg12: memref<10240x128xf32, #tpu.memory_space<vmem_shared>>, %arg13: memref<!tpu.dma_semaphore, #tpu.memory_space<semaphore_mem>>, %arg14: memref<!tpu.dma_semaphore, #tpu.memory_space<semaphore_mem>>, %arg15: memref<!tpu.dma_semaphore, #tpu.memory_space<semaphore_mem>>) attributes {dimension_semantics = [#tpu.dimension_semantics<core_parallel>, #tpu.dimension_semantics<subcore_parallel>], iteration_bounds = array<i64: 2, 16>, scalar_prefetch = 0 : i64, scratch_operands = 9 : i64, tpu.core_type = #tpu.core_type<sc_vector_subcore>, window_params = [{transform_indices = #map}, {transform_indices = #map1}, {transform_indices = #map}, {transform_indices = #map}, {transform_indices = #map2}]} {
    %mul3A = arith.constant 2 : i32
    %mul3A_0 = arith.muli %arg1, %mul3A : i32
    %add3A = arith.addi %mul3A_0, %arg0 : i32
    %mul3A_1 = arith.constant 88 : i32
    %mul3A_2 = arith.muli %add3A, %mul3A_1 : i32
    "tpu.region"() ({
      %run_scoped3A_27 = tpu.sem_alloc : memref<!tpu.dma_semaphore, #tpu.memory_space<semaphore_mem>>
      %dma_start3A_28 = arith.constant 0 : i32
      %dma_start3A_29 = tpu.memref_slice %arg4[%mul3A_2, %dma_start3A_28] : memref<2816x128xi32, #tpu.memory_space<hbm>> -> memref<80x128xi32, #tpu.memory_space<hbm>>
      %dma_start3A_30 = arith.constant 0 : i32
      %dma_start3A_31 = tpu.memref_slice %arg4[%mul3A_2, %dma_start3A_30] : memref<2816x128xi32, #tpu.memory_space<hbm>> -> memref<80x128xi32, #tpu.memory_space<hbm>>
      tpu.enqueue_dma source(%dma_start3A_31 : memref<80x128xi32, #tpu.memory_space<hbm>>) target(%arg7 : memref<80x128xi32, #tpu.memory_space<vmem>>) target_semaphore(%run_scoped3A_27 : memref<!tpu.dma_semaphore, #tpu.memory_space<semaphore_mem>>)
      %dma_wait3A_32 = arith.constant 0 : i32
      %dma_wait3A_33 = tpu.memref_slice %arg4[%mul3A_2, %dma_wait3A_32] : memref<2816x128xi32, #tpu.memory_space<hbm>> -> memref<80x128xi32, #tpu.memory_space<hbm>>
      %dma_wait3A_34 = arith.constant 0 : i32
      %dma_wait3A_35 = tpu.memref_slice %arg4[%mul3A_2, %dma_wait3A_34] : memref<2816x128xi32, #tpu.memory_space<hbm>> -> memref<80x128xi32, #tpu.memory_space<hbm>>
      tpu.wait_dma2 semaphore(%run_scoped3A_27 : memref<!tpu.dma_semaphore, #tpu.memory_space<semaphore_mem>>) src(%dma_wait3A_35 : memref<80x128xi32, #tpu.memory_space<hbm>>) dst(%arg7 : memref<80x128xi32, #tpu.memory_space<vmem>>)
      tpu.yield
    }) : () -> ()
    %mul3A_3 = arith.constant 640 : i32
    %mul3A_4 = arith.muli %arg1, %mul3A_3 : i32
    "tpu.region"() ({
      %run_scoped3A_27 = tpu.sem_alloc : memref<!tpu.dma_semaphore, #tpu.memory_space<semaphore_mem>>
      %dma_start3A_28 = arith.constant 0 : i32
      %dma_start3A_29 = tpu.memref_slice %arg12[%mul3A_4, %dma_start3A_28] : memref<10240x128xf32, #tpu.memory_space<vmem_shared>> -> memref<640x128xf32, #tpu.memory_space<vmem_shared>>
      tpu.enqueue_dma source(%arg5 : memref<640x128xf32, #tpu.memory_space<hbm>>) target(%dma_start3A_29 : memref<640x128xf32, #tpu.memory_space<vmem_shared>>) target_semaphore(%run_scoped3A_27 : memref<!tpu.dma_semaphore, #tpu.memory_space<semaphore_mem>>)
      %dma_wait3A_30 = arith.constant 0 : i32
      %dma_wait3A_31 = tpu.memref_slice %arg12[%mul3A_4, %dma_wait3A_30] : memref<10240x128xf32, #tpu.memory_space<vmem_shared>> -> memref<640x128xf32, #tpu.memory_space<vmem_shared>>
      tpu.wait_dma2 semaphore(%run_scoped3A_27 : memref<!tpu.dma_semaphore, #tpu.memory_space<semaphore_mem>>) src(%arg5 : memref<640x128xf32, #tpu.memory_space<hbm>>) dst(%dma_wait3A_31 : memref<640x128xf32, #tpu.memory_space<vmem_shared>>)
      tpu.yield
    }) : () -> ()
    %barrier3A = arith.constant 0 : index
    tpu.barrier barrier_id(%barrier3A)
    %mul3A_5 = arith.constant 11264 : i32
    %mul3A_6 = arith.muli %add3A, %mul3A_5 : i32
    "tpu.region"() ({
      %run_scoped3A_27 = tpu.sem_alloc : memref<!tpu.dma_semaphore, #tpu.memory_space<semaphore_mem>>
      %dma_start3A_28 = tpu.memref_slice %arg3[%mul3A_6] : memref<360448xi32, #tpu.memory_space<hbm>> -> memref<128xi32, #tpu.memory_space<hbm>>
      %dma_start3A_29 = tpu.memref_slice %arg3[%mul3A_6] : memref<360448xi32, #tpu.memory_space<hbm>> -> memref<128xi32, #tpu.memory_space<hbm>>
      tpu.enqueue_dma source(%dma_start3A_29 : memref<128xi32, #tpu.memory_space<hbm>>) target(%arg8 : memref<128xi32, #tpu.memory_space<vmem>>) target_semaphore(%run_scoped3A_27 : memref<!tpu.dma_semaphore, #tpu.memory_space<semaphore_mem>>)
      %dma_wait3A_30 = tpu.memref_slice %arg3[%mul3A_6] : memref<360448xi32, #tpu.memory_space<hbm>> -> memref<128xi32, #tpu.memory_space<hbm>>
      %dma_wait3A_31 = tpu.memref_slice %arg3[%mul3A_6] : memref<360448xi32, #tpu.memory_space<hbm>> -> memref<128xi32, #tpu.memory_space<hbm>>
      tpu.wait_dma2 semaphore(%run_scoped3A_27 : memref<!tpu.dma_semaphore, #tpu.memory_space<semaphore_mem>>) src(%dma_wait3A_31 : memref<128xi32, #tpu.memory_space<hbm>>) dst(%arg8 : memref<128xi32, #tpu.memory_space<vmem>>)
      tpu.yield
    }) : () -> ()
    %dma_start3A = arith.constant 0 : i32
    %dma_start3A_7 = arith.constant 0 : i32
    %dma_start3A_8 = tpu.memref_slice %arg2[%dma_start3A, %dma_start3A_7] : memref<10240x128xf32, #tpu.memory_space<hbm>> -> memref<10240x128xf32, #tpu.memory_space<hbm>>
    tpu.enqueue_indirect_dma source(%dma_start3A_8 : memref<10240x128xf32, #tpu.memory_space<hbm>>) target(%arg10 : memref<128x128xf32, #tpu.memory_space<vmem>>) offsets(%arg8 : memref<128xi32, #tpu.memory_space<vmem>>) semaphore(%arg13 : memref<!tpu.dma_semaphore, #tpu.memory_space<semaphore_mem>>)
    %dma_wait3A = arith.constant 0 : i32
    %dma_wait3A_9 = arith.constant 0 : i32
    %dma_wait3A_10 = tpu.memref_slice %arg2[%dma_wait3A, %dma_wait3A_9] : memref<10240x128xf32, #tpu.memory_space<hbm>> -> memref<10240x128xf32, #tpu.memory_space<hbm>>
    tpu.wait_indirect_dma semaphore(%arg13 : memref<!tpu.dma_semaphore, #tpu.memory_space<semaphore_mem>>) src(%dma_wait3A_10 : memref<10240x128xf32, #tpu.memory_space<hbm>>) dst(%arg10 : memref<128x128xf32, #tpu.memory_space<vmem>>)
    %add3A_11 = arith.constant 128 : i32
    %add3A_12 = arith.addi %mul3A_6, %add3A_11 : i32
    %dma_start3A_13 = tpu.memref_slice %arg3[%add3A_12] : memref<360448xi32, #tpu.memory_space<hbm>> -> memref<128xi32, #tpu.memory_space<hbm>>
    %dma_start3A_14 = tpu.memref_slice %arg3[%add3A_12] : memref<360448xi32, #tpu.memory_space<hbm>> -> memref<128xi32, #tpu.memory_space<hbm>>
    tpu.enqueue_dma source(%dma_start3A_14 : memref<128xi32, #tpu.memory_space<hbm>>) target(%arg9 : memref<128xi32, #tpu.memory_space<vmem>>) target_semaphore(%arg15 : memref<!tpu.dma_semaphore, #tpu.memory_space<semaphore_mem>>)
    %scan3A = arith.constant 0 : i32
    %scan3A_15 = arith.constant 0 : i32
    %scan3A_16 = arith.constant 39 : i32
    %scan3A_17 = arith.addi %scan3A_15, %scan3A_16 : i32
    %scan3A_18 = arith.constant 1 : i32
    scf.for %scan3A_27 = %scan3A_15 to %scan3A_17 step %scan3A_18  : i32 {
      %mul3A_28 = arith.constant 2 : i32
      %mul3A_29 = arith.muli %mul3A_28, %scan3A_27 : i32
      %add3A_30 = arith.constant 0 : i32
      %add3A_31 = arith.addi %mul3A_29, %add3A_30 : i32
      %add3A_32 = arith.constant 2 : i32
      %add3A_33 = arith.addi %add3A_31, %add3A_32 : i32
      %lt3A = arith.constant 79 : i32
      %lt3A_34 = arith.cmpi slt, %add3A_33, %lt3A : i32
      %add3A_35 = arith.constant 2 : i32
      %add3A_36 = arith.addi %add3A_31, %add3A_35 : i32
      %jit3A = arith.constant 0 : i32
      %select_n3A = arith.select %lt3A_34, %add3A_36, %jit3A : i32
      %dma_wait3A_37 = tpu.memref_slice %arg3[%mul3A_6] : memref<360448xi32, #tpu.memory_space<hbm>> -> memref<128xi32, #tpu.memory_space<hbm>>
      %dma_wait3A_38 = tpu.memref_slice %arg3[%mul3A_6] : memref<360448xi32, #tpu.memory_space<hbm>> -> memref<128xi32, #tpu.memory_space<hbm>>
      tpu.wait_dma2 semaphore(%arg15 : memref<!tpu.dma_semaphore, #tpu.memory_space<semaphore_mem>>) src(%dma_wait3A_38 : memref<128xi32, #tpu.memory_space<hbm>>) dst(%arg9 : memref<128xi32, #tpu.memory_space<vmem>>)
      %dma_start3A_39 = arith.constant 0 : i32
      %dma_start3A_40 = arith.constant 0 : i32
      %dma_start3A_41 = tpu.memref_slice %arg2[%dma_start3A_39, %dma_start3A_40] : memref<10240x128xf32, #tpu.memory_space<hbm>> -> memref<10240x128xf32, #tpu.memory_space<hbm>>
      tpu.enqueue_indirect_dma source(%dma_start3A_41 : memref<10240x128xf32, #tpu.memory_space<hbm>>) target(%arg11 : memref<128x128xf32, #tpu.memory_space<vmem>>) offsets(%arg9 : memref<128xi32, #tpu.memory_space<vmem>>) semaphore(%arg13 : memref<!tpu.dma_semaphore, #tpu.memory_space<semaphore_mem>>)
      %mul3A_42 = arith.constant 128 : i32
      %mul3A_43 = arith.muli %select_n3A, %mul3A_42 : i32
      %add3A_44 = arith.addi %mul3A_6, %mul3A_43 : i32
      %dma_start3A_45 = tpu.memref_slice %arg3[%add3A_44] : memref<360448xi32, #tpu.memory_space<hbm>> -> memref<128xi32, #tpu.memory_space<hbm>>
      %dma_start3A_46 = tpu.memref_slice %arg3[%add3A_44] : memref<360448xi32, #tpu.memory_space<hbm>> -> memref<128xi32, #tpu.memory_space<hbm>>
      tpu.enqueue_dma source(%dma_start3A_46 : memref<128xi32, #tpu.memory_space<hbm>>) target(%arg8 : memref<128xi32, #tpu.memory_space<vmem>>) target_semaphore(%arg15 : memref<!tpu.dma_semaphore, #tpu.memory_space<semaphore_mem>>)
      %dma_start3A_47 = arith.constant 0 : i32
      %dma_start3A_48 = tpu.memref_slice %arg7[%add3A_31, %dma_start3A_47] : memref<80x128xi32, #tpu.memory_space<vmem>> -> memref<1x128xi32, #tpu.memory_space<vmem>>
      %dma_start3A_49 = tpu.memref_squeeze %dma_start3A_48 : memref<1x128xi32, #tpu.memory_space<vmem>> -> memref<128xi32, #tpu.memory_space<vmem>>
      %dma_start3A_50 = arith.constant 0 : i32
      %dma_start3A_51 = arith.constant 0 : i32
      %dma_start3A_52 = tpu.memref_slice %arg12[%dma_start3A_50, %dma_start3A_51] : memref<10240x128xf32, #tpu.memory_space<vmem_shared>> -> memref<10240x128xf32, #tpu.memory_space<vmem_shared>>
      tpu.enqueue_indirect_dma source(%arg10 : memref<128x128xf32, #tpu.memory_space<vmem>>) target(%dma_start3A_52 : memref<10240x128xf32, #tpu.memory_space<vmem_shared>>) offsets(%dma_start3A_49 : memref<128xi32, #tpu.memory_space<vmem>>) semaphore(%arg14 : memref<!tpu.dma_semaphore, #tpu.memory_space<semaphore_mem>>) {add = true}
      %dma_wait3A_53 = arith.constant 0 : i32
      %dma_wait3A_54 = tpu.memref_slice %arg7[%add3A_31, %dma_wait3A_53] : memref<80x128xi32, #tpu.memory_space<vmem>> -> memref<1x128xi32, #tpu.memory_space<vmem>>
      %dma_wait3A_55 = tpu.memref_squeeze %dma_wait3A_54 : memref<1x128xi32, #tpu.memory_space<vmem>> -> memref<128xi32, #tpu.memory_space<vmem>>
      %dma_wait3A_56 = arith.constant 0 : i32
      %dma_wait3A_57 = arith.constant 0 : i32
      %dma_wait3A_58 = tpu.memref_slice %arg12[%dma_wait3A_56, %dma_wait3A_57] : memref<10240x128xf32, #tpu.memory_space<vmem_shared>> -> memref<10240x128xf32, #tpu.memory_space<vmem_shared>>
      tpu.wait_indirect_dma semaphore(%arg14 : memref<!tpu.dma_semaphore, #tpu.memory_space<semaphore_mem>>) src(%arg10 : memref<128x128xf32, #tpu.memory_space<vmem>>) dst(%dma_wait3A_58 : memref<10240x128xf32, #tpu.memory_space<vmem_shared>>)
      %dma_wait3A_59 = arith.constant 0 : i32
      %dma_wait3A_60 = arith.constant 0 : i32
      %dma_wait3A_61 = tpu.memref_slice %arg2[%dma_wait3A_59, %dma_wait3A_60] : memref<10240x128xf32, #tpu.memory_space<hbm>> -> memref<10240x128xf32, #tpu.memory_space<hbm>>
      tpu.wait_indirect_dma semaphore(%arg13 : memref<!tpu.dma_semaphore, #tpu.memory_space<semaphore_mem>>) src(%dma_wait3A_61 : memref<10240x128xf32, #tpu.memory_space<hbm>>) dst(%arg11 : memref<128x128xf32, #tpu.memory_space<vmem>>)
      %mul3A_62 = arith.constant 2 : i32
      %mul3A_63 = arith.muli %mul3A_62, %scan3A_27 : i32
      %add3A_64 = arith.constant 1 : i32
      %add3A_65 = arith.addi %mul3A_63, %add3A_64 : i32
      %add3A_66 = arith.constant 2 : i32
      %add3A_67 = arith.addi %add3A_65, %add3A_66 : i32
      %lt3A_68 = arith.constant 79 : i32
      %lt3A_69 = arith.cmpi slt, %add3A_67, %lt3A_68 : i32
      %add3A_70 = arith.constant 2 : i32
      %add3A_71 = arith.addi %add3A_65, %add3A_70 : i32
      %jit3A_72 = arith.constant 0 : i32
      %select_n3A_73 = arith.select %lt3A_69, %add3A_71, %jit3A_72 : i32
      %dma_wait3A_74 = tpu.memref_slice %arg3[%mul3A_6] : memref<360448xi32, #tpu.memory_space<hbm>> -> memref<128xi32, #tpu.memory_space<hbm>>
      %dma_wait3A_75 = tpu.memref_slice %arg3[%mul3A_6] : memref<360448xi32, #tpu.memory_space<hbm>> -> memref<128xi32, #tpu.memory_space<hbm>>
      tpu.wait_dma2 semaphore(%arg15 : memref<!tpu.dma_semaphore, #tpu.memory_space<semaphore_mem>>) src(%dma_wait3A_75 : memref<128xi32, #tpu.memory_space<hbm>>) dst(%arg8 : memref<128xi32, #tpu.memory_space<vmem>>)
      %dma_start3A_76 = arith.constant 0 : i32
      %dma_start3A_77 = arith.constant 0 : i32
      %dma_start3A_78 = tpu.memref_slice %arg2[%dma_start3A_76, %dma_start3A_77] : memref<10240x128xf32, #tpu.memory_space<hbm>> -> memref<10240x128xf32, #tpu.memory_space<hbm>>
      tpu.enqueue_indirect_dma source(%dma_start3A_78 : memref<10240x128xf32, #tpu.memory_space<hbm>>) target(%arg10 : memref<128x128xf32, #tpu.memory_space<vmem>>) offsets(%arg8 : memref<128xi32, #tpu.memory_space<vmem>>) semaphore(%arg13 : memref<!tpu.dma_semaphore, #tpu.memory_space<semaphore_mem>>)
      %mul3A_79 = arith.constant 128 : i32
      %mul3A_80 = arith.muli %select_n3A_73, %mul3A_79 : i32
      %add3A_81 = arith.addi %mul3A_6, %mul3A_80 : i32
      %dma_start3A_82 = tpu.memref_slice %arg3[%add3A_81] : memref<360448xi32, #tpu.memory_space<hbm>> -> memref<128xi32, #tpu.memory_space<hbm>>
      %dma_start3A_83 = tpu.memref_slice %arg3[%add3A_81] : memref<360448xi32, #tpu.memory_space<hbm>> -> memref<128xi32, #tpu.memory_space<hbm>>
      tpu.enqueue_dma source(%dma_start3A_83 : memref<128xi32, #tpu.memory_space<hbm>>) target(%arg9 : memref<128xi32, #tpu.memory_space<vmem>>) target_semaphore(%arg15 : memref<!tpu.dma_semaphore, #tpu.memory_space<semaphore_mem>>)
      %dma_start3A_84 = arith.constant 0 : i32
      %dma_start3A_85 = tpu.memref_slice %arg7[%add3A_65, %dma_start3A_84] : memref<80x128xi32, #tpu.memory_space<vmem>> -> memref<1x128xi32, #tpu.memory_space<vmem>>
      %dma_start3A_86 = tpu.memref_squeeze %dma_start3A_85 : memref<1x128xi32, #tpu.memory_space<vmem>> -> memref<128xi32, #tpu.memory_space<vmem>>
      %dma_start3A_87 = arith.constant 0 : i32
      %dma_start3A_88 = arith.constant 0 : i32
      %dma_start3A_89 = tpu.memref_slice %arg12[%dma_start3A_87, %dma_start3A_88] : memref<10240x128xf32, #tpu.memory_space<vmem_shared>> -> memref<10240x128xf32, #tpu.memory_space<vmem_shared>>
      tpu.enqueue_indirect_dma source(%arg11 : memref<128x128xf32, #tpu.memory_space<vmem>>) target(%dma_start3A_89 : memref<10240x128xf32, #tpu.memory_space<vmem_shared>>) offsets(%dma_start3A_86 : memref<128xi32, #tpu.memory_space<vmem>>) semaphore(%arg14 : memref<!tpu.dma_semaphore, #tpu.memory_space<semaphore_mem>>) {add = true}
      %dma_wait3A_90 = arith.constant 0 : i32
      %dma_wait3A_91 = tpu.memref_slice %arg7[%add3A_65, %dma_wait3A_90] : memref<80x128xi32, #tpu.memory_space<vmem>> -> memref<1x128xi32, #tpu.memory_space<vmem>>
      %dma_wait3A_92 = tpu.memref_squeeze %dma_wait3A_91 : memref<1x128xi32, #tpu.memory_space<vmem>> -> memref<128xi32, #tpu.memory_space<vmem>>
      %dma_wait3A_93 = arith.constant 0 : i32
      %dma_wait3A_94 = arith.constant 0 : i32
      %dma_wait3A_95 = tpu.memref_slice %arg12[%dma_wait3A_93, %dma_wait3A_94] : memref<10240x128xf32, #tpu.memory_space<vmem_shared>> -> memref<10240x128xf32, #tpu.memory_space<vmem_shared>>
      tpu.wait_indirect_dma semaphore(%arg14 : memref<!tpu.dma_semaphore, #tpu.memory_space<semaphore_mem>>) src(%arg11 : memref<128x128xf32, #tpu.memory_space<vmem>>) dst(%dma_wait3A_95 : memref<10240x128xf32, #tpu.memory_space<vmem_shared>>)
      %dma_wait3A_96 = arith.constant 0 : i32
      %dma_wait3A_97 = arith.constant 0 : i32
      %dma_wait3A_98 = tpu.memref_slice %arg2[%dma_wait3A_96, %dma_wait3A_97] : memref<10240x128xf32, #tpu.memory_space<hbm>> -> memref<10240x128xf32, #tpu.memory_space<hbm>>
      tpu.wait_indirect_dma semaphore(%arg13 : memref<!tpu.dma_semaphore, #tpu.memory_space<semaphore_mem>>) src(%dma_wait3A_98 : memref<10240x128xf32, #tpu.memory_space<hbm>>) dst(%arg10 : memref<128x128xf32, #tpu.memory_space<vmem>>)
    }
    %scan3A_19 = arith.constant 39 : i32
    %run_scoped3A = arith.constant 78 : i32
    "tpu.region"() ({
      %run_scoped3A_27 = tpu.sem_alloc : memref<!tpu.dma_semaphore, #tpu.memory_space<semaphore_mem>>
      %dma_start3A_28 = arith.constant 0 : i32
      %dma_start3A_29 = tpu.memref_slice %arg7[%run_scoped3A, %dma_start3A_28] : memref<80x128xi32, #tpu.memory_space<vmem>> -> memref<1x128xi32, #tpu.memory_space<vmem>>
      %dma_start3A_30 = tpu.memref_squeeze %dma_start3A_29 : memref<1x128xi32, #tpu.memory_space<vmem>> -> memref<128xi32, #tpu.memory_space<vmem>>
      %dma_start3A_31 = arith.constant 0 : i32
      %dma_start3A_32 = arith.constant 0 : i32
      %dma_start3A_33 = tpu.memref_slice %arg12[%dma_start3A_31, %dma_start3A_32] : memref<10240x128xf32, #tpu.memory_space<vmem_shared>> -> memref<10240x128xf32, #tpu.memory_space<vmem_shared>>
      tpu.enqueue_indirect_dma source(%arg10 : memref<128x128xf32, #tpu.memory_space<vmem>>) target(%dma_start3A_33 : memref<10240x128xf32, #tpu.memory_space<vmem_shared>>) offsets(%dma_start3A_30 : memref<128xi32, #tpu.memory_space<vmem>>) semaphore(%run_scoped3A_27 : memref<!tpu.dma_semaphore, #tpu.memory_space<semaphore_mem>>) {add = true}
      %dma_wait3A_34 = arith.constant 0 : i32
      %dma_wait3A_35 = tpu.memref_slice %arg7[%run_scoped3A, %dma_wait3A_34] : memref<80x128xi32, #tpu.memory_space<vmem>> -> memref<1x128xi32, #tpu.memory_space<vmem>>
      %dma_wait3A_36 = tpu.memref_squeeze %dma_wait3A_35 : memref<1x128xi32, #tpu.memory_space<vmem>> -> memref<128xi32, #tpu.memory_space<vmem>>
      %dma_wait3A_37 = arith.constant 0 : i32
      %dma_wait3A_38 = arith.constant 0 : i32
      %dma_wait3A_39 = tpu.memref_slice %arg12[%dma_wait3A_37, %dma_wait3A_38] : memref<10240x128xf32, #tpu.memory_space<vmem_shared>> -> memref<10240x128xf32, #tpu.memory_space<vmem_shared>>
      tpu.wait_indirect_dma semaphore(%run_scoped3A_27 : memref<!tpu.dma_semaphore, #tpu.memory_space<semaphore_mem>>) src(%arg10 : memref<128x128xf32, #tpu.memory_space<vmem>>) dst(%dma_wait3A_39 : memref<10240x128xf32, #tpu.memory_space<vmem_shared>>)
      tpu.yield
    }) : () -> ()
    %dma_wait3A_20 = tpu.memref_slice %arg3[%mul3A_6] : memref<360448xi32, #tpu.memory_space<hbm>> -> memref<128xi32, #tpu.memory_space<hbm>>
    %dma_wait3A_21 = tpu.memref_slice %arg3[%mul3A_6] : memref<360448xi32, #tpu.memory_space<hbm>> -> memref<128xi32, #tpu.memory_space<hbm>>
    tpu.wait_dma2 semaphore(%arg15 : memref<!tpu.dma_semaphore, #tpu.memory_space<semaphore_mem>>) src(%dma_wait3A_21 : memref<128xi32, #tpu.memory_space<hbm>>) dst(%arg9 : memref<128xi32, #tpu.memory_space<vmem>>)
    %barrier3A_22 = arith.constant 0 : index
    tpu.barrier barrier_id(%barrier3A_22)
    %mul3A_23 = arith.constant 640 : i32
    %mul3A_24 = arith.muli %arg1, %mul3A_23 : i32
    %mul3A_25 = arith.constant 640 : i32
    %mul3A_26 = arith.muli %arg1, %mul3A_25 : i32
    "tpu.region"() ({
      %run_scoped3A_27 = tpu.sem_alloc : memref<!tpu.dma_semaphore, #tpu.memory_space<semaphore_mem>>
      %dma_start3A_28 = arith.constant 0 : i32
      %dma_start3A_29 = tpu.memref_slice %arg6[%arg0, %mul3A_26, %dma_start3A_28] : memref<2x10240x128xf32, #tpu.memory_space<hbm>> -> memref<1x640x128xf32, #tpu.memory_space<hbm>>
      %dma_start3A_30 = tpu.memref_squeeze %dma_start3A_29 : memref<1x640x128xf32, #tpu.memory_space<hbm>> -> memref<640x128xf32, #tpu.memory_space<hbm>>
      %dma_start3A_31 = arith.constant 0 : i32
      %dma_start3A_32 = tpu.memref_slice %arg12[%mul3A_24, %dma_start3A_31] : memref<10240x128xf32, #tpu.memory_space<vmem_shared>> -> memref<640x128xf32, #tpu.memory_space<vmem_shared>>
      tpu.enqueue_dma source(%dma_start3A_32 : memref<640x128xf32, #tpu.memory_space<vmem_shared>>) target(%dma_start3A_30 : memref<640x128xf32, #tpu.memory_space<hbm>>) target_semaphore(%run_scoped3A_27 : memref<!tpu.dma_semaphore, #tpu.memory_space<semaphore_mem>>)
      %dma_wait3A_33 = arith.constant 0 : i32
      %dma_wait3A_34 = tpu.memref_slice %arg6[%arg0, %mul3A_26, %dma_wait3A_33] : memref<2x10240x128xf32, #tpu.memory_space<hbm>> -> memref<1x640x128xf32, #tpu.memory_space<hbm>>
      %dma_wait3A_35 = tpu.memref_squeeze %dma_wait3A_34 : memref<1x640x128xf32, #tpu.memory_space<hbm>> -> memref<640x128xf32, #tpu.memory_space<hbm>>
      %dma_wait3A_36 = arith.constant 0 : i32
      %dma_wait3A_37 = tpu.memref_slice %arg12[%mul3A_24, %dma_wait3A_36] : memref<10240x128xf32, #tpu.memory_space<vmem_shared>> -> memref<640x128xf32, #tpu.memory_space<vmem_shared>>
      tpu.wait_dma2 semaphore(%run_scoped3A_27 : memref<!tpu.dma_semaphore, #tpu.memory_space<semaphore_mem>>) src(%dma_wait3A_37 : memref<640x128xf32, #tpu.memory_space<vmem_shared>>) dst(%dma_wait3A_35 : memref<640x128xf32, #tpu.memory_space<hbm>>)
      tpu.yield
    }) : () -> ()
    return
  }
}

#map = affine_map<(d0, d1) -> (0)>
#map1 = affine_map<(d0, d1) -> (0, 0)>
module attributes {stable_mosaic.version = 14 : i64} {
  func.func @_deg_kernel(%arg0: i32, %arg1: i32, %arg2: memref<10240xf32, #tpu.memory_space<hbm>>, %arg3: memref<360448xi32, #tpu.memory_space<hbm>>, %arg4: memref<360448xi32, #tpu.memory_space<hbm>>, %arg5: memref<32x10240xf32, #tpu.memory_space<hbm>>, %arg6: memref<32x10240xf32, #tpu.memory_space<hbm>>, %arg7: memref<10240xf32, #tpu.memory_space<vmem>>, %arg8: memref<10112xi32, #tpu.memory_space<vmem>>, %arg9: memref<10112xi32, #tpu.memory_space<vmem>>, %arg10: memref<10240xf32, #tpu.memory_space<vmem>>, %arg11: memref<10240xf32, #tpu.memory_space<vmem>>) attributes {dimension_semantics = [#tpu.dimension_semantics<core_parallel>, #tpu.dimension_semantics<subcore_parallel>], iteration_bounds = array<i64: 2, 16>, scalar_prefetch = 0 : i64, scratch_operands = 5 : i64, tpu.core_type = #tpu.core_type<sc_vector_subcore>, window_params = [{transform_indices = #map}, {transform_indices = #map}, {transform_indices = #map}, {transform_indices = #map1}, {transform_indices = #map1}]} {
    %mul3A = arith.constant 2 : i32
    %mul3A_0 = arith.muli %arg1, %mul3A : i32
    %add3A = arith.addi %mul3A_0, %arg0 : i32
    "tpu.region"() ({
      %run_scoped3A = tpu.sem_alloc : memref<!tpu.dma_semaphore, #tpu.memory_space<semaphore_mem>>
      tpu.enqueue_dma source(%arg2 : memref<10240xf32, #tpu.memory_space<hbm>>) target(%arg7 : memref<10240xf32, #tpu.memory_space<vmem>>) target_semaphore(%run_scoped3A : memref<!tpu.dma_semaphore, #tpu.memory_space<semaphore_mem>>)
      tpu.wait_dma2 semaphore(%run_scoped3A : memref<!tpu.dma_semaphore, #tpu.memory_space<semaphore_mem>>) src(%arg2 : memref<10240xf32, #tpu.memory_space<hbm>>) dst(%arg7 : memref<10240xf32, #tpu.memory_space<vmem>>)
      tpu.yield
    }) : () -> ()
    %mul3A_1 = arith.constant 11264 : i32
    %mul3A_2 = arith.muli %add3A, %mul3A_1 : i32
    "tpu.region"() ({
      %run_scoped3A = tpu.sem_alloc : memref<!tpu.dma_semaphore, #tpu.memory_space<semaphore_mem>>
      %dma_start3A = tpu.memref_slice %arg3[%mul3A_2] : memref<360448xi32, #tpu.memory_space<hbm>> -> memref<10112xi32, #tpu.memory_space<hbm>>
      %dma_start3A_15 = tpu.memref_slice %arg3[%mul3A_2] : memref<360448xi32, #tpu.memory_space<hbm>> -> memref<10112xi32, #tpu.memory_space<hbm>>
      tpu.enqueue_dma source(%dma_start3A_15 : memref<10112xi32, #tpu.memory_space<hbm>>) target(%arg8 : memref<10112xi32, #tpu.memory_space<vmem>>) target_semaphore(%run_scoped3A : memref<!tpu.dma_semaphore, #tpu.memory_space<semaphore_mem>>)
      %dma_wait3A = tpu.memref_slice %arg3[%mul3A_2] : memref<360448xi32, #tpu.memory_space<hbm>> -> memref<10112xi32, #tpu.memory_space<hbm>>
      %dma_wait3A_16 = tpu.memref_slice %arg3[%mul3A_2] : memref<360448xi32, #tpu.memory_space<hbm>> -> memref<10112xi32, #tpu.memory_space<hbm>>
      tpu.wait_dma2 semaphore(%run_scoped3A : memref<!tpu.dma_semaphore, #tpu.memory_space<semaphore_mem>>) src(%dma_wait3A_16 : memref<10112xi32, #tpu.memory_space<hbm>>) dst(%arg8 : memref<10112xi32, #tpu.memory_space<vmem>>)
      tpu.yield
    }) : () -> ()
    "tpu.region"() ({
      %run_scoped3A = tpu.sem_alloc : memref<!tpu.dma_semaphore, #tpu.memory_space<semaphore_mem>>
      %dma_start3A = tpu.memref_slice %arg4[%mul3A_2] : memref<360448xi32, #tpu.memory_space<hbm>> -> memref<10112xi32, #tpu.memory_space<hbm>>
      %dma_start3A_15 = tpu.memref_slice %arg4[%mul3A_2] : memref<360448xi32, #tpu.memory_space<hbm>> -> memref<10112xi32, #tpu.memory_space<hbm>>
      tpu.enqueue_dma source(%dma_start3A_15 : memref<10112xi32, #tpu.memory_space<hbm>>) target(%arg9 : memref<10112xi32, #tpu.memory_space<vmem>>) target_semaphore(%run_scoped3A : memref<!tpu.dma_semaphore, #tpu.memory_space<semaphore_mem>>)
      %dma_wait3A = tpu.memref_slice %arg4[%mul3A_2] : memref<360448xi32, #tpu.memory_space<hbm>> -> memref<10112xi32, #tpu.memory_space<hbm>>
      %dma_wait3A_16 = tpu.memref_slice %arg4[%mul3A_2] : memref<360448xi32, #tpu.memory_space<hbm>> -> memref<10112xi32, #tpu.memory_space<hbm>>
      tpu.wait_dma2 semaphore(%run_scoped3A : memref<!tpu.dma_semaphore, #tpu.memory_space<semaphore_mem>>) src(%dma_wait3A_16 : memref<10112xi32, #tpu.memory_space<hbm>>) dst(%arg9 : memref<10112xi32, #tpu.memory_space<vmem>>)
      tpu.yield
    }) : () -> ()
    %broadcast_in_dim3A = arith.constant 0.000000e+00 : f32
    %broadcast_in_dim3A_3 = vector.broadcast %broadcast_in_dim3A : f32 to vector<16xf32>
    %scan3A = arith.constant 0 : i32
    %scan3A_4 = arith.constant 0 : i32
    %scan3A_5 = arith.constant 640 : i32
    %scan3A_6 = arith.addi %scan3A_4, %scan3A_5 : i32
    %scan3A_7 = arith.constant 1 : i32
    scf.for %scan3A_15 = %scan3A_4 to %scan3A_6 step %scan3A_7  : i32 {
      %mul3A_16 = arith.constant 16 : i32
      %mul3A_17 = arith.muli %scan3A_15, %mul3A_16 : i32
      %swap3A = arith.index_cast %mul3A_17 : i32 to index
      %swap3A_18 = tpu.vector_load %arg10[%swap3A] {strides = array<i32>} : memref<10240xf32, #tpu.memory_space<vmem>>, vector<16xf32>,
      tpu.vector_store %arg10[%swap3A], %broadcast_in_dim3A_3 {strides = array<i32>} : memref<10240xf32, #tpu.memory_space<vmem>>, vector<16xf32>,
      %mul3A_19 = arith.constant 16 : i32
      %mul3A_20 = arith.muli %scan3A_15, %mul3A_19 : i32
      %swap3A_21 = arith.index_cast %mul3A_20 : i32 to index
      %swap3A_22 = tpu.vector_load %arg11[%swap3A_21] {strides = array<i32>} : memref<10240xf32, #tpu.memory_space<vmem>>, vector<16xf32>,
      tpu.vector_store %arg11[%swap3A_21], %broadcast_in_dim3A_3 {strides = array<i32>} : memref<10240xf32, #tpu.memory_space<vmem>>, vector<16xf32>,
    }
    %scan3A_8 = arith.constant 640 : i32
    %scan3A_9 = arith.constant 0 : i32
    %scan3A_10 = arith.constant 0 : i32
    %scan3A_11 = arith.constant 632 : i32
    %scan3A_12 = arith.addi %scan3A_10, %scan3A_11 : i32
    %scan3A_13 = arith.constant 1 : i32
    scf.for %scan3A_15 = %scan3A_10 to %scan3A_12 step %scan3A_13  : i32 {
      %mul3A_16 = arith.constant 16 : i32
      %mul3A_17 = arith.muli %scan3A_15, %mul3A_16 : i32
      %get3A = arith.index_cast %mul3A_17 : i32 to index
      %get3A_18 = tpu.vector_load %arg8[%get3A] {strides = array<i32>} : memref<10112xi32, #tpu.memory_space<vmem>>, vector<16xi32>,
      %mul3A_19 = arith.constant 16 : i32
      %mul3A_20 = arith.muli %scan3A_15, %mul3A_19 : i32
      %get3A_21 = arith.index_cast %mul3A_20 : i32 to index
      %get3A_22 = tpu.vector_load %arg9[%get3A_21] {strides = array<i32>} : memref<10112xi32, #tpu.memory_space<vmem>>, vector<16xi32>,
      %gather3A = tpu.vector_load_idx %arg7[%get3A_18] : memref<10240xf32, #tpu.memory_space<vmem>>[vector<16xi32>], vector<16xf32>,
      %gather3A_23 = tpu.vector_load_idx %arg7[%get3A_22] : memref<10240xf32, #tpu.memory_space<vmem>>[vector<16xi32>], vector<16xf32>,
      %mul3A_24 = arith.mulf %gather3A, %gather3A_23 : vector<16xf32>
      tpu.vector_store_idx %arg10[%get3A_18], %mul3A_24 {add = true} : memref<10240xf32, #tpu.memory_space<vmem>>[vector<16xi32>], vector<16xf32>,
      tpu.vector_store_idx %arg11[%get3A_22], %mul3A_24 {add = true} : memref<10240xf32, #tpu.memory_space<vmem>>[vector<16xi32>], vector<16xf32>,
    }
    %scan3A_14 = arith.constant 632 : i32
    "tpu.region"() ({
      %run_scoped3A = tpu.sem_alloc : memref<!tpu.dma_semaphore, #tpu.memory_space<semaphore_mem>>
      %dma_start3A = arith.constant 0 : i32
      %dma_start3A_15 = tpu.memref_slice %arg5[%add3A, %dma_start3A] : memref<32x10240xf32, #tpu.memory_space<hbm>> -> memref<1x10240xf32, #tpu.memory_space<hbm>>
      %dma_start3A_16 = tpu.memref_squeeze %dma_start3A_15 : memref<1x10240xf32, #tpu.memory_space<hbm>> -> memref<10240xf32, #tpu.memory_space<hbm>>
      %dma_start3A_17 = arith.constant 0 : i32
      %dma_start3A_18 = tpu.memref_slice %arg5[%add3A, %dma_start3A_17] : memref<32x10240xf32, #tpu.memory_space<hbm>> -> memref<1x10240xf32, #tpu.memory_space<hbm>>
      %dma_start3A_19 = tpu.memref_squeeze %dma_start3A_18 : memref<1x10240xf32, #tpu.memory_space<hbm>> -> memref<10240xf32, #tpu.memory_space<hbm>>
      tpu.enqueue_dma source(%arg10 : memref<10240xf32, #tpu.memory_space<vmem>>) target(%dma_start3A_19 : memref<10240xf32, #tpu.memory_space<hbm>>) target_semaphore(%run_scoped3A : memref<!tpu.dma_semaphore, #tpu.memory_space<semaphore_mem>>)
      %dma_wait3A = arith.constant 0 : i32
      %dma_wait3A_20 = tpu.memref_slice %arg5[%add3A, %dma_wait3A] : memref<32x10240xf32, #tpu.memory_space<hbm>> -> memref<1x10240xf32, #tpu.memory_space<hbm>>
      %dma_wait3A_21 = tpu.memref_squeeze %dma_wait3A_20 : memref<1x10240xf32, #tpu.memory_space<hbm>> -> memref<10240xf32, #tpu.memory_space<hbm>>
      %dma_wait3A_22 = arith.constant 0 : i32
      %dma_wait3A_23 = tpu.memref_slice %arg5[%add3A, %dma_wait3A_22] : memref<32x10240xf32, #tpu.memory_space<hbm>> -> memref<1x10240xf32, #tpu.memory_space<hbm>>
      %dma_wait3A_24 = tpu.memref_squeeze %dma_wait3A_23 : memref<1x10240xf32, #tpu.memory_space<hbm>> -> memref<10240xf32, #tpu.memory_space<hbm>>
      tpu.wait_dma2 semaphore(%run_scoped3A : memref<!tpu.dma_semaphore, #tpu.memory_space<semaphore_mem>>) src(%arg10 : memref<10240xf32, #tpu.memory_space<vmem>>) dst(%dma_wait3A_24 : memref<10240xf32, #tpu.memory_space<hbm>>)
      tpu.yield
    }) : () -> ()
    "tpu.region"() ({
      %run_scoped3A = tpu.sem_alloc : memref<!tpu.dma_semaphore, #tpu.memory_space<semaphore_mem>>
      %dma_start3A = arith.constant 0 : i32
      %dma_start3A_15 = tpu.memref_slice %arg6[%add3A, %dma_start3A] : memref<32x10240xf32, #tpu.memory_space<hbm>> -> memref<1x10240xf32, #tpu.memory_space<hbm>>
      %dma_start3A_16 = tpu.memref_squeeze %dma_start3A_15 : memref<1x10240xf32, #tpu.memory_space<hbm>> -> memref<10240xf32, #tpu.memory_space<hbm>>
      %dma_start3A_17 = arith.constant 0 : i32
      %dma_start3A_18 = tpu.memref_slice %arg6[%add3A, %dma_start3A_17] : memref<32x10240xf32, #tpu.memory_space<hbm>> -> memref<1x10240xf32, #tpu.memory_space<hbm>>
      %dma_start3A_19 = tpu.memref_squeeze %dma_start3A_18 : memref<1x10240xf32, #tpu.memory_space<hbm>> -> memref<10240xf32, #tpu.memory_space<hbm>>
      tpu.enqueue_dma source(%arg11 : memref<10240xf32, #tpu.memory_space<vmem>>) target(%dma_start3A_19 : memref<10240xf32, #tpu.memory_space<hbm>>) target_semaphore(%run_scoped3A : memref<!tpu.dma_semaphore, #tpu.memory_space<semaphore_mem>>)
      %dma_wait3A = arith.constant 0 : i32
      %dma_wait3A_20 = tpu.memref_slice %arg6[%add3A, %dma_wait3A] : memref<32x10240xf32, #tpu.memory_space<hbm>> -> memref<1x10240xf32, #tpu.memory_space<hbm>>
      %dma_wait3A_21 = tpu.memref_squeeze %dma_wait3A_20 : memref<1x10240xf32, #tpu.memory_space<hbm>> -> memref<10240xf32, #tpu.memory_space<hbm>>
      %dma_wait3A_22 = arith.constant 0 : i32
      %dma_wait3A_23 = tpu.memref_slice %arg6[%add3A, %dma_wait3A_22] : memref<32x10240xf32, #tpu.memory_space<hbm>> -> memref<1x10240xf32, #tpu.memory_space<hbm>>
      %dma_wait3A_24 = tpu.memref_squeeze %dma_wait3A_23 : memref<1x10240xf32, #tpu.memory_space<hbm>> -> memref<10240xf32, #tpu.memory_space<hbm>>
      tpu.wait_dma2 semaphore(%run_scoped3A : memref<!tpu.dma_semaphore, #tpu.memory_space<semaphore_mem>>) src(%arg11 : memref<10240xf32, #tpu.memory_space<vmem>>) dst(%dma_wait3A_24 : memref<10240xf32, #tpu.memory_space<hbm>>)
      tpu.yield
    }) : () -> ()
    return
  }
}

#map = affine_map<(d0, d1) -> (0)>
#map1 = affine_map<(d0, d1) -> (0, 0)>
module attributes {stable_mosaic.version = 14 : i64} {
  func.func @_deg_kernel(%arg0: i32, %arg1: i32, %arg2: memref<10240xf32, #tpu.memory_space<hbm>>, %arg3: memref<360448xi32, #tpu.memory_space<hbm>>, %arg4: memref<360448xi32, #tpu.memory_space<hbm>>, %arg5: memref<32x10240xf32, #tpu.memory_space<hbm>>, %arg6: memref<32x10240xf32, #tpu.memory_space<hbm>>, %arg7: memref<10240xf32, #tpu.memory_space<vmem>>, %arg8: memref<10112xi32, #tpu.memory_space<vmem>>, %arg9: memref<10112xi32, #tpu.memory_space<vmem>>, %arg10: memref<10240xf32, #tpu.memory_space<vmem>>, %arg11: memref<10240xf32, #tpu.memory_space<vmem>>) attributes {dimension_semantics = [#tpu.dimension_semantics<core_parallel>, #tpu.dimension_semantics<subcore_parallel>], iteration_bounds = array<i64: 2, 16>, scalar_prefetch = 0 : i64, scratch_operands = 5 : i64, tpu.core_type = #tpu.core_type<sc_vector_subcore>, window_params = [{transform_indices = #map}, {transform_indices = #map}, {transform_indices = #map}, {transform_indices = #map1}, {transform_indices = #map1}]} {
    %mul3A = arith.constant 2 : i32
    %mul3A_0 = arith.muli %arg1, %mul3A : i32
    %add3A = arith.addi %mul3A_0, %arg0 : i32
    "tpu.region"() ({
      %run_scoped3A = tpu.sem_alloc : memref<!tpu.dma_semaphore, #tpu.memory_space<semaphore_mem>>
      tpu.enqueue_dma source(%arg2 : memref<10240xf32, #tpu.memory_space<hbm>>) target(%arg7 : memref<10240xf32, #tpu.memory_space<vmem>>) target_semaphore(%run_scoped3A : memref<!tpu.dma_semaphore, #tpu.memory_space<semaphore_mem>>)
      tpu.wait_dma2 semaphore(%run_scoped3A : memref<!tpu.dma_semaphore, #tpu.memory_space<semaphore_mem>>) src(%arg2 : memref<10240xf32, #tpu.memory_space<hbm>>) dst(%arg7 : memref<10240xf32, #tpu.memory_space<vmem>>)
      tpu.yield
    }) : () -> ()
    %mul3A_1 = arith.constant 11264 : i32
    %mul3A_2 = arith.muli %add3A, %mul3A_1 : i32
    "tpu.region"() ({
      %run_scoped3A = tpu.sem_alloc : memref<!tpu.dma_semaphore, #tpu.memory_space<semaphore_mem>>
      %dma_start3A = tpu.memref_slice %arg3[%mul3A_2] : memref<360448xi32, #tpu.memory_space<hbm>> -> memref<10112xi32, #tpu.memory_space<hbm>>
      %dma_start3A_15 = tpu.memref_slice %arg3[%mul3A_2] : memref<360448xi32, #tpu.memory_space<hbm>> -> memref<10112xi32, #tpu.memory_space<hbm>>
      tpu.enqueue_dma source(%dma_start3A_15 : memref<10112xi32, #tpu.memory_space<hbm>>) target(%arg8 : memref<10112xi32, #tpu.memory_space<vmem>>) target_semaphore(%run_scoped3A : memref<!tpu.dma_semaphore, #tpu.memory_space<semaphore_mem>>)
      %dma_wait3A = tpu.memref_slice %arg3[%mul3A_2] : memref<360448xi32, #tpu.memory_space<hbm>> -> memref<10112xi32, #tpu.memory_space<hbm>>
      %dma_wait3A_16 = tpu.memref_slice %arg3[%mul3A_2] : memref<360448xi32, #tpu.memory_space<hbm>> -> memref<10112xi32, #tpu.memory_space<hbm>>
      tpu.wait_dma2 semaphore(%run_scoped3A : memref<!tpu.dma_semaphore, #tpu.memory_space<semaphore_mem>>) src(%dma_wait3A_16 : memref<10112xi32, #tpu.memory_space<hbm>>) dst(%arg8 : memref<10112xi32, #tpu.memory_space<vmem>>)
      tpu.yield
    }) : () -> ()
    "tpu.region"() ({
      %run_scoped3A = tpu.sem_alloc : memref<!tpu.dma_semaphore, #tpu.memory_space<semaphore_mem>>
      %dma_start3A = tpu.memref_slice %arg4[%mul3A_2] : memref<360448xi32, #tpu.memory_space<hbm>> -> memref<10112xi32, #tpu.memory_space<hbm>>
      %dma_start3A_15 = tpu.memref_slice %arg4[%mul3A_2] : memref<360448xi32, #tpu.memory_space<hbm>> -> memref<10112xi32, #tpu.memory_space<hbm>>
      tpu.enqueue_dma source(%dma_start3A_15 : memref<10112xi32, #tpu.memory_space<hbm>>) target(%arg9 : memref<10112xi32, #tpu.memory_space<vmem>>) target_semaphore(%run_scoped3A : memref<!tpu.dma_semaphore, #tpu.memory_space<semaphore_mem>>)
      %dma_wait3A = tpu.memref_slice %arg4[%mul3A_2] : memref<360448xi32, #tpu.memory_space<hbm>> -> memref<10112xi32, #tpu.memory_space<hbm>>
      %dma_wait3A_16 = tpu.memref_slice %arg4[%mul3A_2] : memref<360448xi32, #tpu.memory_space<hbm>> -> memref<10112xi32, #tpu.memory_space<hbm>>
      tpu.wait_dma2 semaphore(%run_scoped3A : memref<!tpu.dma_semaphore, #tpu.memory_space<semaphore_mem>>) src(%dma_wait3A_16 : memref<10112xi32, #tpu.memory_space<hbm>>) dst(%arg9 : memref<10112xi32, #tpu.memory_space<vmem>>)
      tpu.yield
    }) : () -> ()
    %broadcast_in_dim3A = arith.constant 0.000000e+00 : f32
    %broadcast_in_dim3A_3 = vector.broadcast %broadcast_in_dim3A : f32 to vector<16xf32>
    %scan3A = arith.constant 0 : i32
    %scan3A_4 = arith.constant 0 : i32
    %scan3A_5 = arith.constant 640 : i32
    %scan3A_6 = arith.addi %scan3A_4, %scan3A_5 : i32
    %scan3A_7 = arith.constant 1 : i32
    scf.for %scan3A_15 = %scan3A_4 to %scan3A_6 step %scan3A_7  : i32 {
      %mul3A_16 = arith.constant 16 : i32
      %mul3A_17 = arith.muli %scan3A_15, %mul3A_16 : i32
      %swap3A = arith.index_cast %mul3A_17 : i32 to index
      %swap3A_18 = tpu.vector_load %arg10[%swap3A] {strides = array<i32>} : memref<10240xf32, #tpu.memory_space<vmem>>, vector<16xf32>,
      tpu.vector_store %arg10[%swap3A], %broadcast_in_dim3A_3 {strides = array<i32>} : memref<10240xf32, #tpu.memory_space<vmem>>, vector<16xf32>,
      %mul3A_19 = arith.constant 16 : i32
      %mul3A_20 = arith.muli %scan3A_15, %mul3A_19 : i32
      %swap3A_21 = arith.index_cast %mul3A_20 : i32 to index
      %swap3A_22 = tpu.vector_load %arg11[%swap3A_21] {strides = array<i32>} : memref<10240xf32, #tpu.memory_space<vmem>>, vector<16xf32>,
      tpu.vector_store %arg11[%swap3A_21], %broadcast_in_dim3A_3 {strides = array<i32>} : memref<10240xf32, #tpu.memory_space<vmem>>, vector<16xf32>,
    }
    %scan3A_8 = arith.constant 640 : i32
    %scan3A_9 = arith.constant 0 : i32
    %scan3A_10 = arith.constant 0 : i32
    %scan3A_11 = arith.constant 632 : i32
    %scan3A_12 = arith.addi %scan3A_10, %scan3A_11 : i32
    %scan3A_13 = arith.constant 1 : i32
    scf.for %scan3A_15 = %scan3A_10 to %scan3A_12 step %scan3A_13  : i32 {
      %mul3A_16 = arith.constant 16 : i32
      %mul3A_17 = arith.muli %scan3A_15, %mul3A_16 : i32
      %get3A = arith.index_cast %mul3A_17 : i32 to index
      %get3A_18 = tpu.vector_load %arg8[%get3A] {strides = array<i32>} : memref<10112xi32, #tpu.memory_space<vmem>>, vector<16xi32>,
      %mul3A_19 = arith.constant 16 : i32
      %mul3A_20 = arith.muli %scan3A_15, %mul3A_19 : i32
      %get3A_21 = arith.index_cast %mul3A_20 : i32 to index
      %get3A_22 = tpu.vector_load %arg9[%get3A_21] {strides = array<i32>} : memref<10112xi32, #tpu.memory_space<vmem>>, vector<16xi32>,
      %gather3A = tpu.vector_load_idx %arg7[%get3A_18] : memref<10240xf32, #tpu.memory_space<vmem>>[vector<16xi32>], vector<16xf32>,
      %gather3A_23 = tpu.vector_load_idx %arg7[%get3A_22] : memref<10240xf32, #tpu.memory_space<vmem>>[vector<16xi32>], vector<16xf32>,
      %mul3A_24 = arith.mulf %gather3A, %gather3A_23 : vector<16xf32>
      tpu.vector_store_idx %arg10[%get3A_18], %mul3A_24 {add = true} : memref<10240xf32, #tpu.memory_space<vmem>>[vector<16xi32>], vector<16xf32>,
      tpu.vector_store_idx %arg11[%get3A_22], %mul3A_24 {add = true} : memref<10240xf32, #tpu.memory_space<vmem>>[vector<16xi32>], vector<16xf32>,
    }
    %scan3A_14 = arith.constant 632 : i32
    "tpu.region"() ({
      %run_scoped3A = tpu.sem_alloc : memref<!tpu.dma_semaphore, #tpu.memory_space<semaphore_mem>>
      %dma_start3A = arith.constant 0 : i32
      %dma_start3A_15 = tpu.memref_slice %arg5[%add3A, %dma_start3A] : memref<32x10240xf32, #tpu.memory_space<hbm>> -> memref<1x10240xf32, #tpu.memory_space<hbm>>
      %dma_start3A_16 = tpu.memref_squeeze %dma_start3A_15 : memref<1x10240xf32, #tpu.memory_space<hbm>> -> memref<10240xf32, #tpu.memory_space<hbm>>
      %dma_start3A_17 = arith.constant 0 : i32
      %dma_start3A_18 = tpu.memref_slice %arg5[%add3A, %dma_start3A_17] : memref<32x10240xf32, #tpu.memory_space<hbm>> -> memref<1x10240xf32, #tpu.memory_space<hbm>>
      %dma_start3A_19 = tpu.memref_squeeze %dma_start3A_18 : memref<1x10240xf32, #tpu.memory_space<hbm>> -> memref<10240xf32, #tpu.memory_space<hbm>>
      tpu.enqueue_dma source(%arg10 : memref<10240xf32, #tpu.memory_space<vmem>>) target(%dma_start3A_19 : memref<10240xf32, #tpu.memory_space<hbm>>) target_semaphore(%run_scoped3A : memref<!tpu.dma_semaphore, #tpu.memory_space<semaphore_mem>>)
      %dma_wait3A = arith.constant 0 : i32
      %dma_wait3A_20 = tpu.memref_slice %arg5[%add3A, %dma_wait3A] : memref<32x10240xf32, #tpu.memory_space<hbm>> -> memref<1x10240xf32, #tpu.memory_space<hbm>>
      %dma_wait3A_21 = tpu.memref_squeeze %dma_wait3A_20 : memref<1x10240xf32, #tpu.memory_space<hbm>> -> memref<10240xf32, #tpu.memory_space<hbm>>
      %dma_wait3A_22 = arith.constant 0 : i32
      %dma_wait3A_23 = tpu.memref_slice %arg5[%add3A, %dma_wait3A_22] : memref<32x10240xf32, #tpu.memory_space<hbm>> -> memref<1x10240xf32, #tpu.memory_space<hbm>>
      %dma_wait3A_24 = tpu.memref_squeeze %dma_wait3A_23 : memref<1x10240xf32, #tpu.memory_space<hbm>> -> memref<10240xf32, #tpu.memory_space<hbm>>
      tpu.wait_dma2 semaphore(%run_scoped3A : memref<!tpu.dma_semaphore, #tpu.memory_space<semaphore_mem>>) src(%arg10 : memref<10240xf32, #tpu.memory_space<vmem>>) dst(%dma_wait3A_24 : memref<10240xf32, #tpu.memory_space<hbm>>)
      tpu.yield
    }) : () -> ()
    "tpu.region"() ({
      %run_scoped3A = tpu.sem_alloc : memref<!tpu.dma_semaphore, #tpu.memory_space<semaphore_mem>>
      %dma_start3A = arith.constant 0 : i32
      %dma_start3A_15 = tpu.memref_slice %arg6[%add3A, %dma_start3A] : memref<32x10240xf32, #tpu.memory_space<hbm>> -> memref<1x10240xf32, #tpu.memory_space<hbm>>
      %dma_start3A_16 = tpu.memref_squeeze %dma_start3A_15 : memref<1x10240xf32, #tpu.memory_space<hbm>> -> memref<10240xf32, #tpu.memory_space<hbm>>
      %dma_start3A_17 = arith.constant 0 : i32
      %dma_start3A_18 = tpu.memref_slice %arg6[%add3A, %dma_start3A_17] : memref<32x10240xf32, #tpu.memory_space<hbm>> -> memref<1x10240xf32, #tpu.memory_space<hbm>>
      %dma_start3A_19 = tpu.memref_squeeze %dma_start3A_18 : memref<1x10240xf32, #tpu.memory_space<hbm>> -> memref<10240xf32, #tpu.memory_space<hbm>>
      tpu.enqueue_dma source(%arg11 : memref<10240xf32, #tpu.memory_space<vmem>>) target(%dma_start3A_19 : memref<10240xf32, #tpu.memory_space<hbm>>) target_semaphore(%run_scoped3A : memref<!tpu.dma_semaphore, #tpu.memory_space<semaphore_mem>>)
      %dma_wait3A = arith.constant 0 : i32
      %dma_wait3A_20 = tpu.memref_slice %arg6[%add3A, %dma_wait3A] : memref<32x10240xf32, #tpu.memory_space<hbm>> -> memref<1x10240xf32, #tpu.memory_space<hbm>>
      %dma_wait3A_21 = tpu.memref_squeeze %dma_wait3A_20 : memref<1x10240xf32, #tpu.memory_space<hbm>> -> memref<10240xf32, #tpu.memory_space<hbm>>
      %dma_wait3A_22 = arith.constant 0 : i32
      %dma_wait3A_23 = tpu.memref_slice %arg6[%add3A, %dma_wait3A_22] : memref<32x10240xf32, #tpu.memory_space<hbm>> -> memref<1x10240xf32, #tpu.memory_space<hbm>>
      %dma_wait3A_24 = tpu.memref_squeeze %dma_wait3A_23 : memref<1x10240xf32, #tpu.memory_space<hbm>> -> memref<10240xf32, #tpu.memory_space<hbm>>
      tpu.wait_dma2 semaphore(%run_scoped3A : memref<!tpu.dma_semaphore, #tpu.memory_space<semaphore_mem>>) src(%arg11 : memref<10240xf32, #tpu.memory_space<vmem>>) dst(%dma_wait3A_24 : memref<10240xf32, #tpu.memory_space<hbm>>)
      tpu.yield
    }) : () -> ()
    return
  }
}

#map = affine_map<(d0, d1) -> (0, 0)>
#map1 = affine_map<(d0, d1) -> (0)>
#map2 = affine_map<(d0, d1) -> (0, 0, 0)>
module attributes {stable_mosaic.version = 14 : i64} {
  func.func @_edge_kernel(%arg0: i32, %arg1: i32, %arg2: memref<10240x128xf32, #tpu.memory_space<hbm>>, %arg3: memref<360448xi32, #tpu.memory_space<hbm>>, %arg4: memref<2816x128xi32, #tpu.memory_space<hbm>>, %arg5: memref<640x128xf32, #tpu.memory_space<hbm>>, %arg6: memref<2x10240x128xf32, #tpu.memory_space<hbm>>, %arg7: memref<80x128xi32, #tpu.memory_space<vmem>>, %arg8: memref<128xi32, #tpu.memory_space<vmem>>, %arg9: memref<128xi32, #tpu.memory_space<vmem>>, %arg10: memref<128x128xf32, #tpu.memory_space<vmem>>, %arg11: memref<128x128xf32, #tpu.memory_space<vmem>>, %arg12: memref<10240x128xf32, #tpu.memory_space<vmem_shared>>, %arg13: memref<!tpu.dma_semaphore, #tpu.memory_space<semaphore_mem>>, %arg14: memref<!tpu.dma_semaphore, #tpu.memory_space<semaphore_mem>>, %arg15: memref<!tpu.dma_semaphore, #tpu.memory_space<semaphore_mem>>) attributes {dimension_semantics = [#tpu.dimension_semantics<core_parallel>, #tpu.dimension_semantics<subcore_parallel>], iteration_bounds = array<i64: 2, 16>, scalar_prefetch = 0 : i64, scratch_operands = 9 : i64, tpu.core_type = #tpu.core_type<sc_vector_subcore>, window_params = [{transform_indices = #map}, {transform_indices = #map1}, {transform_indices = #map}, {transform_indices = #map}, {transform_indices = #map2}]} {
    %mul3A = arith.constant 2 : i32
    %mul3A_0 = arith.muli %arg1, %mul3A : i32
    %add3A = arith.addi %mul3A_0, %arg0 : i32
    %mul3A_1 = arith.constant 88 : i32
    %mul3A_2 = arith.muli %add3A, %mul3A_1 : i32
    "tpu.region"() ({
      %run_scoped3A_27 = tpu.sem_alloc : memref<!tpu.dma_semaphore, #tpu.memory_space<semaphore_mem>>
      %dma_start3A_28 = arith.constant 0 : i32
      %dma_start3A_29 = tpu.memref_slice %arg4[%mul3A_2, %dma_start3A_28] : memref<2816x128xi32, #tpu.memory_space<hbm>> -> memref<80x128xi32, #tpu.memory_space<hbm>>
      %dma_start3A_30 = arith.constant 0 : i32
      %dma_start3A_31 = tpu.memref_slice %arg4[%mul3A_2, %dma_start3A_30] : memref<2816x128xi32, #tpu.memory_space<hbm>> -> memref<80x128xi32, #tpu.memory_space<hbm>>
      tpu.enqueue_dma source(%dma_start3A_31 : memref<80x128xi32, #tpu.memory_space<hbm>>) target(%arg7 : memref<80x128xi32, #tpu.memory_space<vmem>>) target_semaphore(%run_scoped3A_27 : memref<!tpu.dma_semaphore, #tpu.memory_space<semaphore_mem>>)
      %dma_wait3A_32 = arith.constant 0 : i32
      %dma_wait3A_33 = tpu.memref_slice %arg4[%mul3A_2, %dma_wait3A_32] : memref<2816x128xi32, #tpu.memory_space<hbm>> -> memref<80x128xi32, #tpu.memory_space<hbm>>
      %dma_wait3A_34 = arith.constant 0 : i32
      %dma_wait3A_35 = tpu.memref_slice %arg4[%mul3A_2, %dma_wait3A_34] : memref<2816x128xi32, #tpu.memory_space<hbm>> -> memref<80x128xi32, #tpu.memory_space<hbm>>
      tpu.wait_dma2 semaphore(%run_scoped3A_27 : memref<!tpu.dma_semaphore, #tpu.memory_space<semaphore_mem>>) src(%dma_wait3A_35 : memref<80x128xi32, #tpu.memory_space<hbm>>) dst(%arg7 : memref<80x128xi32, #tpu.memory_space<vmem>>)
      tpu.yield
    }) : () -> ()
    %mul3A_3 = arith.constant 640 : i32
    %mul3A_4 = arith.muli %arg1, %mul3A_3 : i32
    "tpu.region"() ({
      %run_scoped3A_27 = tpu.sem_alloc : memref<!tpu.dma_semaphore, #tpu.memory_space<semaphore_mem>>
      %dma_start3A_28 = arith.constant 0 : i32
      %dma_start3A_29 = tpu.memref_slice %arg12[%mul3A_4, %dma_start3A_28] : memref<10240x128xf32, #tpu.memory_space<vmem_shared>> -> memref<640x128xf32, #tpu.memory_space<vmem_shared>>
      tpu.enqueue_dma source(%arg5 : memref<640x128xf32, #tpu.memory_space<hbm>>) target(%dma_start3A_29 : memref<640x128xf32, #tpu.memory_space<vmem_shared>>) target_semaphore(%run_scoped3A_27 : memref<!tpu.dma_semaphore, #tpu.memory_space<semaphore_mem>>)
      %dma_wait3A_30 = arith.constant 0 : i32
      %dma_wait3A_31 = tpu.memref_slice %arg12[%mul3A_4, %dma_wait3A_30] : memref<10240x128xf32, #tpu.memory_space<vmem_shared>> -> memref<640x128xf32, #tpu.memory_space<vmem_shared>>
      tpu.wait_dma2 semaphore(%run_scoped3A_27 : memref<!tpu.dma_semaphore, #tpu.memory_space<semaphore_mem>>) src(%arg5 : memref<640x128xf32, #tpu.memory_space<hbm>>) dst(%dma_wait3A_31 : memref<640x128xf32, #tpu.memory_space<vmem_shared>>)
      tpu.yield
    }) : () -> ()
    %barrier3A = arith.constant 0 : index
    tpu.barrier barrier_id(%barrier3A)
    %mul3A_5 = arith.constant 11264 : i32
    %mul3A_6 = arith.muli %add3A, %mul3A_5 : i32
    "tpu.region"() ({
      %run_scoped3A_27 = tpu.sem_alloc : memref<!tpu.dma_semaphore, #tpu.memory_space<semaphore_mem>>
      %dma_start3A_28 = tpu.memref_slice %arg3[%mul3A_6] : memref<360448xi32, #tpu.memory_space<hbm>> -> memref<128xi32, #tpu.memory_space<hbm>>
      %dma_start3A_29 = tpu.memref_slice %arg3[%mul3A_6] : memref<360448xi32, #tpu.memory_space<hbm>> -> memref<128xi32, #tpu.memory_space<hbm>>
      tpu.enqueue_dma source(%dma_start3A_29 : memref<128xi32, #tpu.memory_space<hbm>>) target(%arg8 : memref<128xi32, #tpu.memory_space<vmem>>) target_semaphore(%run_scoped3A_27 : memref<!tpu.dma_semaphore, #tpu.memory_space<semaphore_mem>>)
      %dma_wait3A_30 = tpu.memref_slice %arg3[%mul3A_6] : memref<360448xi32, #tpu.memory_space<hbm>> -> memref<128xi32, #tpu.memory_space<hbm>>
      %dma_wait3A_31 = tpu.memref_slice %arg3[%mul3A_6] : memref<360448xi32, #tpu.memory_space<hbm>> -> memref<128xi32, #tpu.memory_space<hbm>>
      tpu.wait_dma2 semaphore(%run_scoped3A_27 : memref<!tpu.dma_semaphore, #tpu.memory_space<semaphore_mem>>) src(%dma_wait3A_31 : memref<128xi32, #tpu.memory_space<hbm>>) dst(%arg8 : memref<128xi32, #tpu.memory_space<vmem>>)
      tpu.yield
    }) : () -> ()
    %dma_start3A = arith.constant 0 : i32
    %dma_start3A_7 = arith.constant 0 : i32
    %dma_start3A_8 = tpu.memref_slice %arg2[%dma_start3A, %dma_start3A_7] : memref<10240x128xf32, #tpu.memory_space<hbm>> -> memref<10240x128xf32, #tpu.memory_space<hbm>>
    tpu.enqueue_indirect_dma source(%dma_start3A_8 : memref<10240x128xf32, #tpu.memory_space<hbm>>) target(%arg10 : memref<128x128xf32, #tpu.memory_space<vmem>>) offsets(%arg8 : memref<128xi32, #tpu.memory_space<vmem>>) semaphore(%arg13 : memref<!tpu.dma_semaphore, #tpu.memory_space<semaphore_mem>>)
    %dma_wait3A = arith.constant 0 : i32
    %dma_wait3A_9 = arith.constant 0 : i32
    %dma_wait3A_10 = tpu.memref_slice %arg2[%dma_wait3A, %dma_wait3A_9] : memref<10240x128xf32, #tpu.memory_space<hbm>> -> memref<10240x128xf32, #tpu.memory_space<hbm>>
    tpu.wait_indirect_dma semaphore(%arg13 : memref<!tpu.dma_semaphore, #tpu.memory_space<semaphore_mem>>) src(%dma_wait3A_10 : memref<10240x128xf32, #tpu.memory_space<hbm>>) dst(%arg10 : memref<128x128xf32, #tpu.memory_space<vmem>>)
    %add3A_11 = arith.constant 128 : i32
    %add3A_12 = arith.addi %mul3A_6, %add3A_11 : i32
    %dma_start3A_13 = tpu.memref_slice %arg3[%add3A_12] : memref<360448xi32, #tpu.memory_space<hbm>> -> memref<128xi32, #tpu.memory_space<hbm>>
    %dma_start3A_14 = tpu.memref_slice %arg3[%add3A_12] : memref<360448xi32, #tpu.memory_space<hbm>> -> memref<128xi32, #tpu.memory_space<hbm>>
    tpu.enqueue_dma source(%dma_start3A_14 : memref<128xi32, #tpu.memory_space<hbm>>) target(%arg9 : memref<128xi32, #tpu.memory_space<vmem>>) target_semaphore(%arg15 : memref<!tpu.dma_semaphore, #tpu.memory_space<semaphore_mem>>)
    %scan3A = arith.constant 0 : i32
    %scan3A_15 = arith.constant 0 : i32
    %scan3A_16 = arith.constant 39 : i32
    %scan3A_17 = arith.addi %scan3A_15, %scan3A_16 : i32
    %scan3A_18 = arith.constant 1 : i32
    scf.for %scan3A_27 = %scan3A_15 to %scan3A_17 step %scan3A_18  : i32 {
      %mul3A_28 = arith.constant 2 : i32
      %mul3A_29 = arith.muli %mul3A_28, %scan3A_27 : i32
      %add3A_30 = arith.constant 0 : i32
      %add3A_31 = arith.addi %mul3A_29, %add3A_30 : i32
      %add3A_32 = arith.constant 2 : i32
      %add3A_33 = arith.addi %add3A_31, %add3A_32 : i32
      %lt3A = arith.constant 79 : i32
      %lt3A_34 = arith.cmpi slt, %add3A_33, %lt3A : i32
      %add3A_35 = arith.constant 2 : i32
      %add3A_36 = arith.addi %add3A_31, %add3A_35 : i32
      %jit3A = arith.constant 0 : i32
      %select_n3A = arith.select %lt3A_34, %add3A_36, %jit3A : i32
      %dma_wait3A_37 = tpu.memref_slice %arg3[%mul3A_6] : memref<360448xi32, #tpu.memory_space<hbm>> -> memref<128xi32, #tpu.memory_space<hbm>>
      %dma_wait3A_38 = tpu.memref_slice %arg3[%mul3A_6] : memref<360448xi32, #tpu.memory_space<hbm>> -> memref<128xi32, #tpu.memory_space<hbm>>
      tpu.wait_dma2 semaphore(%arg15 : memref<!tpu.dma_semaphore, #tpu.memory_space<semaphore_mem>>) src(%dma_wait3A_38 : memref<128xi32, #tpu.memory_space<hbm>>) dst(%arg9 : memref<128xi32, #tpu.memory_space<vmem>>)
      %dma_start3A_39 = arith.constant 0 : i32
      %dma_start3A_40 = arith.constant 0 : i32
      %dma_start3A_41 = tpu.memref_slice %arg2[%dma_start3A_39, %dma_start3A_40] : memref<10240x128xf32, #tpu.memory_space<hbm>> -> memref<10240x128xf32, #tpu.memory_space<hbm>>
      tpu.enqueue_indirect_dma source(%dma_start3A_41 : memref<10240x128xf32, #tpu.memory_space<hbm>>) target(%arg11 : memref<128x128xf32, #tpu.memory_space<vmem>>) offsets(%arg9 : memref<128xi32, #tpu.memory_space<vmem>>) semaphore(%arg13 : memref<!tpu.dma_semaphore, #tpu.memory_space<semaphore_mem>>)
      %mul3A_42 = arith.constant 128 : i32
      %mul3A_43 = arith.muli %select_n3A, %mul3A_42 : i32
      %add3A_44 = arith.addi %mul3A_6, %mul3A_43 : i32
      %dma_start3A_45 = tpu.memref_slice %arg3[%add3A_44] : memref<360448xi32, #tpu.memory_space<hbm>> -> memref<128xi32, #tpu.memory_space<hbm>>
      %dma_start3A_46 = tpu.memref_slice %arg3[%add3A_44] : memref<360448xi32, #tpu.memory_space<hbm>> -> memref<128xi32, #tpu.memory_space<hbm>>
      tpu.enqueue_dma source(%dma_start3A_46 : memref<128xi32, #tpu.memory_space<hbm>>) target(%arg8 : memref<128xi32, #tpu.memory_space<vmem>>) target_semaphore(%arg15 : memref<!tpu.dma_semaphore, #tpu.memory_space<semaphore_mem>>)
      %dma_start3A_47 = arith.constant 0 : i32
      %dma_start3A_48 = tpu.memref_slice %arg7[%add3A_31, %dma_start3A_47] : memref<80x128xi32, #tpu.memory_space<vmem>> -> memref<1x128xi32, #tpu.memory_space<vmem>>
      %dma_start3A_49 = tpu.memref_squeeze %dma_start3A_48 : memref<1x128xi32, #tpu.memory_space<vmem>> -> memref<128xi32, #tpu.memory_space<vmem>>
      %dma_start3A_50 = arith.constant 0 : i32
      %dma_start3A_51 = arith.constant 0 : i32
      %dma_start3A_52 = tpu.memref_slice %arg12[%dma_start3A_50, %dma_start3A_51] : memref<10240x128xf32, #tpu.memory_space<vmem_shared>> -> memref<10240x128xf32, #tpu.memory_space<vmem_shared>>
      tpu.enqueue_indirect_dma source(%arg10 : memref<128x128xf32, #tpu.memory_space<vmem>>) target(%dma_start3A_52 : memref<10240x128xf32, #tpu.memory_space<vmem_shared>>) offsets(%dma_start3A_49 : memref<128xi32, #tpu.memory_space<vmem>>) semaphore(%arg14 : memref<!tpu.dma_semaphore, #tpu.memory_space<semaphore_mem>>) {add = true}
      %dma_wait3A_53 = arith.constant 0 : i32
      %dma_wait3A_54 = tpu.memref_slice %arg7[%add3A_31, %dma_wait3A_53] : memref<80x128xi32, #tpu.memory_space<vmem>> -> memref<1x128xi32, #tpu.memory_space<vmem>>
      %dma_wait3A_55 = tpu.memref_squeeze %dma_wait3A_54 : memref<1x128xi32, #tpu.memory_space<vmem>> -> memref<128xi32, #tpu.memory_space<vmem>>
      %dma_wait3A_56 = arith.constant 0 : i32
      %dma_wait3A_57 = arith.constant 0 : i32
      %dma_wait3A_58 = tpu.memref_slice %arg12[%dma_wait3A_56, %dma_wait3A_57] : memref<10240x128xf32, #tpu.memory_space<vmem_shared>> -> memref<10240x128xf32, #tpu.memory_space<vmem_shared>>
      tpu.wait_indirect_dma semaphore(%arg14 : memref<!tpu.dma_semaphore, #tpu.memory_space<semaphore_mem>>) src(%arg10 : memref<128x128xf32, #tpu.memory_space<vmem>>) dst(%dma_wait3A_58 : memref<10240x128xf32, #tpu.memory_space<vmem_shared>>)
      %dma_wait3A_59 = arith.constant 0 : i32
      %dma_wait3A_60 = arith.constant 0 : i32
      %dma_wait3A_61 = tpu.memref_slice %arg2[%dma_wait3A_59, %dma_wait3A_60] : memref<10240x128xf32, #tpu.memory_space<hbm>> -> memref<10240x128xf32, #tpu.memory_space<hbm>>
      tpu.wait_indirect_dma semaphore(%arg13 : memref<!tpu.dma_semaphore, #tpu.memory_space<semaphore_mem>>) src(%dma_wait3A_61 : memref<10240x128xf32, #tpu.memory_space<hbm>>) dst(%arg11 : memref<128x128xf32, #tpu.memory_space<vmem>>)
      %mul3A_62 = arith.constant 2 : i32
      %mul3A_63 = arith.muli %mul3A_62, %scan3A_27 : i32
      %add3A_64 = arith.constant 1 : i32
      %add3A_65 = arith.addi %mul3A_63, %add3A_64 : i32
      %add3A_66 = arith.constant 2 : i32
      %add3A_67 = arith.addi %add3A_65, %add3A_66 : i32
      %lt3A_68 = arith.constant 79 : i32
      %lt3A_69 = arith.cmpi slt, %add3A_67, %lt3A_68 : i32
      %add3A_70 = arith.constant 2 : i32
      %add3A_71 = arith.addi %add3A_65, %add3A_70 : i32
      %jit3A_72 = arith.constant 0 : i32
      %select_n3A_73 = arith.select %lt3A_69, %add3A_71, %jit3A_72 : i32
      %dma_wait3A_74 = tpu.memref_slice %arg3[%mul3A_6] : memref<360448xi32, #tpu.memory_space<hbm>> -> memref<128xi32, #tpu.memory_space<hbm>>
      %dma_wait3A_75 = tpu.memref_slice %arg3[%mul3A_6] : memref<360448xi32, #tpu.memory_space<hbm>> -> memref<128xi32, #tpu.memory_space<hbm>>
      tpu.wait_dma2 semaphore(%arg15 : memref<!tpu.dma_semaphore, #tpu.memory_space<semaphore_mem>>) src(%dma_wait3A_75 : memref<128xi32, #tpu.memory_space<hbm>>) dst(%arg8 : memref<128xi32, #tpu.memory_space<vmem>>)
      %dma_start3A_76 = arith.constant 0 : i32
      %dma_start3A_77 = arith.constant 0 : i32
      %dma_start3A_78 = tpu.memref_slice %arg2[%dma_start3A_76, %dma_start3A_77] : memref<10240x128xf32, #tpu.memory_space<hbm>> -> memref<10240x128xf32, #tpu.memory_space<hbm>>
      tpu.enqueue_indirect_dma source(%dma_start3A_78 : memref<10240x128xf32, #tpu.memory_space<hbm>>) target(%arg10 : memref<128x128xf32, #tpu.memory_space<vmem>>) offsets(%arg8 : memref<128xi32, #tpu.memory_space<vmem>>) semaphore(%arg13 : memref<!tpu.dma_semaphore, #tpu.memory_space<semaphore_mem>>)
      %mul3A_79 = arith.constant 128 : i32
      %mul3A_80 = arith.muli %select_n3A_73, %mul3A_79 : i32
      %add3A_81 = arith.addi %mul3A_6, %mul3A_80 : i32
      %dma_start3A_82 = tpu.memref_slice %arg3[%add3A_81] : memref<360448xi32, #tpu.memory_space<hbm>> -> memref<128xi32, #tpu.memory_space<hbm>>
      %dma_start3A_83 = tpu.memref_slice %arg3[%add3A_81] : memref<360448xi32, #tpu.memory_space<hbm>> -> memref<128xi32, #tpu.memory_space<hbm>>
      tpu.enqueue_dma source(%dma_start3A_83 : memref<128xi32, #tpu.memory_space<hbm>>) target(%arg9 : memref<128xi32, #tpu.memory_space<vmem>>) target_semaphore(%arg15 : memref<!tpu.dma_semaphore, #tpu.memory_space<semaphore_mem>>)
      %dma_start3A_84 = arith.constant 0 : i32
      %dma_start3A_85 = tpu.memref_slice %arg7[%add3A_65, %dma_start3A_84] : memref<80x128xi32, #tpu.memory_space<vmem>> -> memref<1x128xi32, #tpu.memory_space<vmem>>
      %dma_start3A_86 = tpu.memref_squeeze %dma_start3A_85 : memref<1x128xi32, #tpu.memory_space<vmem>> -> memref<128xi32, #tpu.memory_space<vmem>>
      %dma_start3A_87 = arith.constant 0 : i32
      %dma_start3A_88 = arith.constant 0 : i32
      %dma_start3A_89 = tpu.memref_slice %arg12[%dma_start3A_87, %dma_start3A_88] : memref<10240x128xf32, #tpu.memory_space<vmem_shared>> -> memref<10240x128xf32, #tpu.memory_space<vmem_shared>>
      tpu.enqueue_indirect_dma source(%arg11 : memref<128x128xf32, #tpu.memory_space<vmem>>) target(%dma_start3A_89 : memref<10240x128xf32, #tpu.memory_space<vmem_shared>>) offsets(%dma_start3A_86 : memref<128xi32, #tpu.memory_space<vmem>>) semaphore(%arg14 : memref<!tpu.dma_semaphore, #tpu.memory_space<semaphore_mem>>) {add = true}
      %dma_wait3A_90 = arith.constant 0 : i32
      %dma_wait3A_91 = tpu.memref_slice %arg7[%add3A_65, %dma_wait3A_90] : memref<80x128xi32, #tpu.memory_space<vmem>> -> memref<1x128xi32, #tpu.memory_space<vmem>>
      %dma_wait3A_92 = tpu.memref_squeeze %dma_wait3A_91 : memref<1x128xi32, #tpu.memory_space<vmem>> -> memref<128xi32, #tpu.memory_space<vmem>>
      %dma_wait3A_93 = arith.constant 0 : i32
      %dma_wait3A_94 = arith.constant 0 : i32
      %dma_wait3A_95 = tpu.memref_slice %arg12[%dma_wait3A_93, %dma_wait3A_94] : memref<10240x128xf32, #tpu.memory_space<vmem_shared>> -> memref<10240x128xf32, #tpu.memory_space<vmem_shared>>
      tpu.wait_indirect_dma semaphore(%arg14 : memref<!tpu.dma_semaphore, #tpu.memory_space<semaphore_mem>>) src(%arg11 : memref<128x128xf32, #tpu.memory_space<vmem>>) dst(%dma_wait3A_95 : memref<10240x128xf32, #tpu.memory_space<vmem_shared>>)
      %dma_wait3A_96 = arith.constant 0 : i32
      %dma_wait3A_97 = arith.constant 0 : i32
      %dma_wait3A_98 = tpu.memref_slice %arg2[%dma_wait3A_96, %dma_wait3A_97] : memref<10240x128xf32, #tpu.memory_space<hbm>> -> memref<10240x128xf32, #tpu.memory_space<hbm>>
      tpu.wait_indirect_dma semaphore(%arg13 : memref<!tpu.dma_semaphore, #tpu.memory_space<semaphore_mem>>) src(%dma_wait3A_98 : memref<10240x128xf32, #tpu.memory_space<hbm>>) dst(%arg10 : memref<128x128xf32, #tpu.memory_space<vmem>>)
    }
    %scan3A_19 = arith.constant 39 : i32
    %run_scoped3A = arith.constant 78 : i32
    "tpu.region"() ({
      %run_scoped3A_27 = tpu.sem_alloc : memref<!tpu.dma_semaphore, #tpu.memory_space<semaphore_mem>>
      %dma_start3A_28 = arith.constant 0 : i32
      %dma_start3A_29 = tpu.memref_slice %arg7[%run_scoped3A, %dma_start3A_28] : memref<80x128xi32, #tpu.memory_space<vmem>> -> memref<1x128xi32, #tpu.memory_space<vmem>>
      %dma_start3A_30 = tpu.memref_squeeze %dma_start3A_29 : memref<1x128xi32, #tpu.memory_space<vmem>> -> memref<128xi32, #tpu.memory_space<vmem>>
      %dma_start3A_31 = arith.constant 0 : i32
      %dma_start3A_32 = arith.constant 0 : i32
      %dma_start3A_33 = tpu.memref_slice %arg12[%dma_start3A_31, %dma_start3A_32] : memref<10240x128xf32, #tpu.memory_space<vmem_shared>> -> memref<10240x128xf32, #tpu.memory_space<vmem_shared>>
      tpu.enqueue_indirect_dma source(%arg10 : memref<128x128xf32, #tpu.memory_space<vmem>>) target(%dma_start3A_33 : memref<10240x128xf32, #tpu.memory_space<vmem_shared>>) offsets(%dma_start3A_30 : memref<128xi32, #tpu.memory_space<vmem>>) semaphore(%run_scoped3A_27 : memref<!tpu.dma_semaphore, #tpu.memory_space<semaphore_mem>>) {add = true}
      %dma_wait3A_34 = arith.constant 0 : i32
      %dma_wait3A_35 = tpu.memref_slice %arg7[%run_scoped3A, %dma_wait3A_34] : memref<80x128xi32, #tpu.memory_space<vmem>> -> memref<1x128xi32, #tpu.memory_space<vmem>>
      %dma_wait3A_36 = tpu.memref_squeeze %dma_wait3A_35 : memref<1x128xi32, #tpu.memory_space<vmem>> -> memref<128xi32, #tpu.memory_space<vmem>>
      %dma_wait3A_37 = arith.constant 0 : i32
      %dma_wait3A_38 = arith.constant 0 : i32
      %dma_wait3A_39 = tpu.memref_slice %arg12[%dma_wait3A_37, %dma_wait3A_38] : memref<10240x128xf32, #tpu.memory_space<vmem_shared>> -> memref<10240x128xf32, #tpu.memory_space<vmem_shared>>
      tpu.wait_indirect_dma semaphore(%run_scoped3A_27 : memref<!tpu.dma_semaphore, #tpu.memory_space<semaphore_mem>>) src(%arg10 : memref<128x128xf32, #tpu.memory_space<vmem>>) dst(%dma_wait3A_39 : memref<10240x128xf32, #tpu.memory_space<vmem_shared>>)
      tpu.yield
    }) : () -> ()
    %dma_wait3A_20 = tpu.memref_slice %arg3[%mul3A_6] : memref<360448xi32, #tpu.memory_space<hbm>> -> memref<128xi32, #tpu.memory_space<hbm>>
    %dma_wait3A_21 = tpu.memref_slice %arg3[%mul3A_6] : memref<360448xi32, #tpu.memory_space<hbm>> -> memref<128xi32, #tpu.memory_space<hbm>>
    tpu.wait_dma2 semaphore(%arg15 : memref<!tpu.dma_semaphore, #tpu.memory_space<semaphore_mem>>) src(%dma_wait3A_21 : memref<128xi32, #tpu.memory_space<hbm>>) dst(%arg9 : memref<128xi32, #tpu.memory_space<vmem>>)
    %barrier3A_22 = arith.constant 0 : index
    tpu.barrier barrier_id(%barrier3A_22)
    %mul3A_23 = arith.constant 640 : i32
    %mul3A_24 = arith.muli %arg1, %mul3A_23 : i32
    %mul3A_25 = arith.constant 640 : i32
    %mul3A_26 = arith.muli %arg1, %mul3A_25 : i32
    "tpu.region"() ({
      %run_scoped3A_27 = tpu.sem_alloc : memref<!tpu.dma_semaphore, #tpu.memory_space<semaphore_mem>>
      %dma_start3A_28 = arith.constant 0 : i32
      %dma_start3A_29 = tpu.memref_slice %arg6[%arg0, %mul3A_26, %dma_start3A_28] : memref<2x10240x128xf32, #tpu.memory_space<hbm>> -> memref<1x640x128xf32, #tpu.memory_space<hbm>>
      %dma_start3A_30 = tpu.memref_squeeze %dma_start3A_29 : memref<1x640x128xf32, #tpu.memory_space<hbm>> -> memref<640x128xf32, #tpu.memory_space<hbm>>
      %dma_start3A_31 = arith.constant 0 : i32
      %dma_start3A_32 = tpu.memref_slice %arg12[%mul3A_24, %dma_start3A_31] : memref<10240x128xf32, #tpu.memory_space<vmem_shared>> -> memref<640x128xf32, #tpu.memory_space<vmem_shared>>
      tpu.enqueue_dma source(%dma_start3A_32 : memref<640x128xf32, #tpu.memory_space<vmem_shared>>) target(%dma_start3A_30 : memref<640x128xf32, #tpu.memory_space<hbm>>) target_semaphore(%run_scoped3A_27 : memref<!tpu.dma_semaphore, #tpu.memory_space<semaphore_mem>>)
      %dma_wait3A_33 = arith.constant 0 : i32
      %dma_wait3A_34 = tpu.memref_slice %arg6[%arg0, %mul3A_26, %dma_wait3A_33] : memref<2x10240x128xf32, #tpu.memory_space<hbm>> -> memref<1x640x128xf32, #tpu.memory_space<hbm>>
      %dma_wait3A_35 = tpu.memref_squeeze %dma_wait3A_34 : memref<1x640x128xf32, #tpu.memory_space<hbm>> -> memref<640x128xf32, #tpu.memory_space<hbm>>
      %dma_wait3A_36 = arith.constant 0 : i32
      %dma_wait3A_37 = tpu.memref_slice %arg12[%mul3A_24, %dma_wait3A_36] : memref<10240x128xf32, #tpu.memory_space<vmem_shared>> -> memref<640x128xf32, #tpu.memory_space<vmem_shared>>
      tpu.wait_dma2 semaphore(%run_scoped3A_27 : memref<!tpu.dma_semaphore, #tpu.memory_space<semaphore_mem>>) src(%dma_wait3A_37 : memref<640x128xf32, #tpu.memory_space<vmem_shared>>) dst(%dma_wait3A_35 : memref<640x128xf32, #tpu.memory_space<hbm>>)
      tpu.yield
    }) : () -> ()
    return
  }
}

#map = affine_map<(d0, d1) -> (0)>
#map1 = affine_map<(d0, d1) -> (0, 0)>
module attributes {stable_mosaic.version = 14 : i64} {
  func.func @_deg_kernel(%arg0: i32, %arg1: i32, %arg2: memref<10240xf32, #tpu.memory_space<hbm>>, %arg3: memref<360448xi32, #tpu.memory_space<hbm>>, %arg4: memref<360448xi32, #tpu.memory_space<hbm>>, %arg5: memref<32x10240xf32, #tpu.memory_space<hbm>>, %arg6: memref<32x10240xf32, #tpu.memory_space<hbm>>, %arg7: memref<10240xf32, #tpu.memory_space<vmem>>, %arg8: memref<10112xi32, #tpu.memory_space<vmem>>, %arg9: memref<10112xi32, #tpu.memory_space<vmem>>, %arg10: memref<10240xf32, #tpu.memory_space<vmem>>, %arg11: memref<10240xf32, #tpu.memory_space<vmem>>) attributes {dimension_semantics = [#tpu.dimension_semantics<core_parallel>, #tpu.dimension_semantics<subcore_parallel>], iteration_bounds = array<i64: 2, 16>, scalar_prefetch = 0 : i64, scratch_operands = 5 : i64, tpu.core_type = #tpu.core_type<sc_vector_subcore>, window_params = [{transform_indices = #map}, {transform_indices = #map}, {transform_indices = #map}, {transform_indices = #map1}, {transform_indices = #map1}]} {
    %mul3A = arith.constant 2 : i32
    %mul3A_0 = arith.muli %arg1, %mul3A : i32
    %add3A = arith.addi %mul3A_0, %arg0 : i32
    "tpu.region"() ({
      %run_scoped3A = tpu.sem_alloc : memref<!tpu.dma_semaphore, #tpu.memory_space<semaphore_mem>>
      tpu.enqueue_dma source(%arg2 : memref<10240xf32, #tpu.memory_space<hbm>>) target(%arg7 : memref<10240xf32, #tpu.memory_space<vmem>>) target_semaphore(%run_scoped3A : memref<!tpu.dma_semaphore, #tpu.memory_space<semaphore_mem>>)
      tpu.wait_dma2 semaphore(%run_scoped3A : memref<!tpu.dma_semaphore, #tpu.memory_space<semaphore_mem>>) src(%arg2 : memref<10240xf32, #tpu.memory_space<hbm>>) dst(%arg7 : memref<10240xf32, #tpu.memory_space<vmem>>)
      tpu.yield
    }) : () -> ()
    %mul3A_1 = arith.constant 11264 : i32
    %mul3A_2 = arith.muli %add3A, %mul3A_1 : i32
    "tpu.region"() ({
      %run_scoped3A = tpu.sem_alloc : memref<!tpu.dma_semaphore, #tpu.memory_space<semaphore_mem>>
      %dma_start3A = tpu.memref_slice %arg3[%mul3A_2] : memref<360448xi32, #tpu.memory_space<hbm>> -> memref<10112xi32, #tpu.memory_space<hbm>>
      %dma_start3A_15 = tpu.memref_slice %arg3[%mul3A_2] : memref<360448xi32, #tpu.memory_space<hbm>> -> memref<10112xi32, #tpu.memory_space<hbm>>
      tpu.enqueue_dma source(%dma_start3A_15 : memref<10112xi32, #tpu.memory_space<hbm>>) target(%arg8 : memref<10112xi32, #tpu.memory_space<vmem>>) target_semaphore(%run_scoped3A : memref<!tpu.dma_semaphore, #tpu.memory_space<semaphore_mem>>)
      %dma_wait3A = tpu.memref_slice %arg3[%mul3A_2] : memref<360448xi32, #tpu.memory_space<hbm>> -> memref<10112xi32, #tpu.memory_space<hbm>>
      %dma_wait3A_16 = tpu.memref_slice %arg3[%mul3A_2] : memref<360448xi32, #tpu.memory_space<hbm>> -> memref<10112xi32, #tpu.memory_space<hbm>>
      tpu.wait_dma2 semaphore(%run_scoped3A : memref<!tpu.dma_semaphore, #tpu.memory_space<semaphore_mem>>) src(%dma_wait3A_16 : memref<10112xi32, #tpu.memory_space<hbm>>) dst(%arg8 : memref<10112xi32, #tpu.memory_space<vmem>>)
      tpu.yield
    }) : () -> ()
    "tpu.region"() ({
      %run_scoped3A = tpu.sem_alloc : memref<!tpu.dma_semaphore, #tpu.memory_space<semaphore_mem>>
      %dma_start3A = tpu.memref_slice %arg4[%mul3A_2] : memref<360448xi32, #tpu.memory_space<hbm>> -> memref<10112xi32, #tpu.memory_space<hbm>>
      %dma_start3A_15 = tpu.memref_slice %arg4[%mul3A_2] : memref<360448xi32, #tpu.memory_space<hbm>> -> memref<10112xi32, #tpu.memory_space<hbm>>
      tpu.enqueue_dma source(%dma_start3A_15 : memref<10112xi32, #tpu.memory_space<hbm>>) target(%arg9 : memref<10112xi32, #tpu.memory_space<vmem>>) target_semaphore(%run_scoped3A : memref<!tpu.dma_semaphore, #tpu.memory_space<semaphore_mem>>)
      %dma_wait3A = tpu.memref_slice %arg4[%mul3A_2] : memref<360448xi32, #tpu.memory_space<hbm>> -> memref<10112xi32, #tpu.memory_space<hbm>>
      %dma_wait3A_16 = tpu.memref_slice %arg4[%mul3A_2] : memref<360448xi32, #tpu.memory_space<hbm>> -> memref<10112xi32, #tpu.memory_space<hbm>>
      tpu.wait_dma2 semaphore(%run_scoped3A : memref<!tpu.dma_semaphore, #tpu.memory_space<semaphore_mem>>) src(%dma_wait3A_16 : memref<10112xi32, #tpu.memory_space<hbm>>) dst(%arg9 : memref<10112xi32, #tpu.memory_space<vmem>>)
      tpu.yield
    }) : () -> ()
    %broadcast_in_dim3A = arith.constant 0.000000e+00 : f32
    %broadcast_in_dim3A_3 = vector.broadcast %broadcast_in_dim3A : f32 to vector<16xf32>
    %scan3A = arith.constant 0 : i32
    %scan3A_4 = arith.constant 0 : i32
    %scan3A_5 = arith.constant 640 : i32
    %scan3A_6 = arith.addi %scan3A_4, %scan3A_5 : i32
    %scan3A_7 = arith.constant 1 : i32
    scf.for %scan3A_15 = %scan3A_4 to %scan3A_6 step %scan3A_7  : i32 {
      %mul3A_16 = arith.constant 16 : i32
      %mul3A_17 = arith.muli %scan3A_15, %mul3A_16 : i32
      %swap3A = arith.index_cast %mul3A_17 : i32 to index
      %swap3A_18 = tpu.vector_load %arg10[%swap3A] {strides = array<i32>} : memref<10240xf32, #tpu.memory_space<vmem>>, vector<16xf32>,
      tpu.vector_store %arg10[%swap3A], %broadcast_in_dim3A_3 {strides = array<i32>} : memref<10240xf32, #tpu.memory_space<vmem>>, vector<16xf32>,
      %mul3A_19 = arith.constant 16 : i32
      %mul3A_20 = arith.muli %scan3A_15, %mul3A_19 : i32
      %swap3A_21 = arith.index_cast %mul3A_20 : i32 to index
      %swap3A_22 = tpu.vector_load %arg11[%swap3A_21] {strides = array<i32>} : memref<10240xf32, #tpu.memory_space<vmem>>, vector<16xf32>,
      tpu.vector_store %arg11[%swap3A_21], %broadcast_in_dim3A_3 {strides = array<i32>} : memref<10240xf32, #tpu.memory_space<vmem>>, vector<16xf32>,
    }
    %scan3A_8 = arith.constant 640 : i32
    %scan3A_9 = arith.constant 0 : i32
    %scan3A_10 = arith.constant 0 : i32
    %scan3A_11 = arith.constant 632 : i32
    %scan3A_12 = arith.addi %scan3A_10, %scan3A_11 : i32
    %scan3A_13 = arith.constant 1 : i32
    scf.for %scan3A_15 = %scan3A_10 to %scan3A_12 step %scan3A_13  : i32 {
      %mul3A_16 = arith.constant 16 : i32
      %mul3A_17 = arith.muli %scan3A_15, %mul3A_16 : i32
      %get3A = arith.index_cast %mul3A_17 : i32 to index
      %get3A_18 = tpu.vector_load %arg8[%get3A] {strides = array<i32>} : memref<10112xi32, #tpu.memory_space<vmem>>, vector<16xi32>,
      %mul3A_19 = arith.constant 16 : i32
      %mul3A_20 = arith.muli %scan3A_15, %mul3A_19 : i32
      %get3A_21 = arith.index_cast %mul3A_20 : i32 to index
      %get3A_22 = tpu.vector_load %arg9[%get3A_21] {strides = array<i32>} : memref<10112xi32, #tpu.memory_space<vmem>>, vector<16xi32>,
      %gather3A = tpu.vector_load_idx %arg7[%get3A_18] : memref<10240xf32, #tpu.memory_space<vmem>>[vector<16xi32>], vector<16xf32>,
      %gather3A_23 = tpu.vector_load_idx %arg7[%get3A_22] : memref<10240xf32, #tpu.memory_space<vmem>>[vector<16xi32>], vector<16xf32>,
      %mul3A_24 = arith.mulf %gather3A, %gather3A_23 : vector<16xf32>
      tpu.vector_store_idx %arg10[%get3A_18], %mul3A_24 {add = true} : memref<10240xf32, #tpu.memory_space<vmem>>[vector<16xi32>], vector<16xf32>,
      tpu.vector_store_idx %arg11[%get3A_22], %mul3A_24 {add = true} : memref<10240xf32, #tpu.memory_space<vmem>>[vector<16xi32>], vector<16xf32>,
    }
    %scan3A_14 = arith.constant 632 : i32
    "tpu.region"() ({
      %run_scoped3A = tpu.sem_alloc : memref<!tpu.dma_semaphore, #tpu.memory_space<semaphore_mem>>
      %dma_start3A = arith.constant 0 : i32
      %dma_start3A_15 = tpu.memref_slice %arg5[%add3A, %dma_start3A] : memref<32x10240xf32, #tpu.memory_space<hbm>> -> memref<1x10240xf32, #tpu.memory_space<hbm>>
      %dma_start3A_16 = tpu.memref_squeeze %dma_start3A_15 : memref<1x10240xf32, #tpu.memory_space<hbm>> -> memref<10240xf32, #tpu.memory_space<hbm>>
      %dma_start3A_17 = arith.constant 0 : i32
      %dma_start3A_18 = tpu.memref_slice %arg5[%add3A, %dma_start3A_17] : memref<32x10240xf32, #tpu.memory_space<hbm>> -> memref<1x10240xf32, #tpu.memory_space<hbm>>
      %dma_start3A_19 = tpu.memref_squeeze %dma_start3A_18 : memref<1x10240xf32, #tpu.memory_space<hbm>> -> memref<10240xf32, #tpu.memory_space<hbm>>
      tpu.enqueue_dma source(%arg10 : memref<10240xf32, #tpu.memory_space<vmem>>) target(%dma_start3A_19 : memref<10240xf32, #tpu.memory_space<hbm>>) target_semaphore(%run_scoped3A : memref<!tpu.dma_semaphore, #tpu.memory_space<semaphore_mem>>)
      %dma_wait3A = arith.constant 0 : i32
      %dma_wait3A_20 = tpu.memref_slice %arg5[%add3A, %dma_wait3A] : memref<32x10240xf32, #tpu.memory_space<hbm>> -> memref<1x10240xf32, #tpu.memory_space<hbm>>
      %dma_wait3A_21 = tpu.memref_squeeze %dma_wait3A_20 : memref<1x10240xf32, #tpu.memory_space<hbm>> -> memref<10240xf32, #tpu.memory_space<hbm>>
      %dma_wait3A_22 = arith.constant 0 : i32
      %dma_wait3A_23 = tpu.memref_slice %arg5[%add3A, %dma_wait3A_22] : memref<32x10240xf32, #tpu.memory_space<hbm>> -> memref<1x10240xf32, #tpu.memory_space<hbm>>
      %dma_wait3A_24 = tpu.memref_squeeze %dma_wait3A_23 : memref<1x10240xf32, #tpu.memory_space<hbm>> -> memref<10240xf32, #tpu.memory_space<hbm>>
      tpu.wait_dma2 semaphore(%run_scoped3A : memref<!tpu.dma_semaphore, #tpu.memory_space<semaphore_mem>>) src(%arg10 : memref<10240xf32, #tpu.memory_space<vmem>>) dst(%dma_wait3A_24 : memref<10240xf32, #tpu.memory_space<hbm>>)
      tpu.yield
    }) : () -> ()
    "tpu.region"() ({
      %run_scoped3A = tpu.sem_alloc : memref<!tpu.dma_semaphore, #tpu.memory_space<semaphore_mem>>
      %dma_start3A = arith.constant 0 : i32
      %dma_start3A_15 = tpu.memref_slice %arg6[%add3A, %dma_start3A] : memref<32x10240xf32, #tpu.memory_space<hbm>> -> memref<1x10240xf32, #tpu.memory_space<hbm>>
      %dma_start3A_16 = tpu.memref_squeeze %dma_start3A_15 : memref<1x10240xf32, #tpu.memory_space<hbm>> -> memref<10240xf32, #tpu.memory_space<hbm>>
      %dma_start3A_17 = arith.constant 0 : i32
      %dma_start3A_18 = tpu.memref_slice %arg6[%add3A, %dma_start3A_17] : memref<32x10240xf32, #tpu.memory_space<hbm>> -> memref<1x10240xf32, #tpu.memory_space<hbm>>
      %dma_start3A_19 = tpu.memref_squeeze %dma_start3A_18 : memref<1x10240xf32, #tpu.memory_space<hbm>> -> memref<10240xf32, #tpu.memory_space<hbm>>
      tpu.enqueue_dma source(%arg11 : memref<10240xf32, #tpu.memory_space<vmem>>) target(%dma_start3A_19 : memref<10240xf32, #tpu.memory_space<hbm>>) target_semaphore(%run_scoped3A : memref<!tpu.dma_semaphore, #tpu.memory_space<semaphore_mem>>)
      %dma_wait3A = arith.constant 0 : i32
      %dma_wait3A_20 = tpu.memref_slice %arg6[%add3A, %dma_wait3A] : memref<32x10240xf32, #tpu.memory_space<hbm>> -> memref<1x10240xf32, #tpu.memory_space<hbm>>
      %dma_wait3A_21 = tpu.memref_squeeze %dma_wait3A_20 : memref<1x10240xf32, #tpu.memory_space<hbm>> -> memref<10240xf32, #tpu.memory_space<hbm>>
      %dma_wait3A_22 = arith.constant 0 : i32
      %dma_wait3A_23 = tpu.memref_slice %arg6[%add3A, %dma_wait3A_22] : memref<32x10240xf32, #tpu.memory_space<hbm>> -> memref<1x10240xf32, #tpu.memory_space<hbm>>
      %dma_wait3A_24 = tpu.memref_squeeze %dma_wait3A_23 : memref<1x10240xf32, #tpu.memory_space<hbm>> -> memref<10240xf32, #tpu.memory_space<hbm>>
      tpu.wait_dma2 semaphore(%run_scoped3A : memref<!tpu.dma_semaphore, #tpu.memory_space<semaphore_mem>>) src(%arg11 : memref<10240xf32, #tpu.memory_space<vmem>>) dst(%dma_wait3A_24 : memref<10240xf32, #tpu.memory_space<hbm>>)
      tpu.yield
    }) : () -> ()
    return
  }
}

#map = affine_map<(d0, d1) -> (0, 0)>
#map1 = affine_map<(d0, d1) -> (0)>
#map2 = affine_map<(d0, d1) -> (0, 0, 0)>
module attributes {stable_mosaic.version = 14 : i64} {
  func.func @_edge_kernel(%arg0: i32, %arg1: i32, %arg2: memref<10240x128xf32, #tpu.memory_space<hbm>>, %arg3: memref<360448xi32, #tpu.memory_space<hbm>>, %arg4: memref<2816x128xi32, #tpu.memory_space<hbm>>, %arg5: memref<640x128xf32, #tpu.memory_space<hbm>>, %arg6: memref<2x10240x128xf32, #tpu.memory_space<hbm>>, %arg7: memref<80x128xi32, #tpu.memory_space<vmem>>, %arg8: memref<128xi32, #tpu.memory_space<vmem>>, %arg9: memref<128xi32, #tpu.memory_space<vmem>>, %arg10: memref<128x128xf32, #tpu.memory_space<vmem>>, %arg11: memref<128x128xf32, #tpu.memory_space<vmem>>, %arg12: memref<10240x128xf32, #tpu.memory_space<vmem_shared>>, %arg13: memref<!tpu.dma_semaphore, #tpu.memory_space<semaphore_mem>>, %arg14: memref<!tpu.dma_semaphore, #tpu.memory_space<semaphore_mem>>, %arg15: memref<!tpu.dma_semaphore, #tpu.memory_space<semaphore_mem>>) attributes {dimension_semantics = [#tpu.dimension_semantics<core_parallel>, #tpu.dimension_semantics<subcore_parallel>], iteration_bounds = array<i64: 2, 16>, scalar_prefetch = 0 : i64, scratch_operands = 9 : i64, tpu.core_type = #tpu.core_type<sc_vector_subcore>, window_params = [{transform_indices = #map}, {transform_indices = #map1}, {transform_indices = #map}, {transform_indices = #map}, {transform_indices = #map2}]} {
    %mul3A = arith.constant 2 : i32
    %mul3A_0 = arith.muli %arg1, %mul3A : i32
    %add3A = arith.addi %mul3A_0, %arg0 : i32
    %mul3A_1 = arith.constant 88 : i32
    %mul3A_2 = arith.muli %add3A, %mul3A_1 : i32
    "tpu.region"() ({
      %run_scoped3A_27 = tpu.sem_alloc : memref<!tpu.dma_semaphore, #tpu.memory_space<semaphore_mem>>
      %dma_start3A_28 = arith.constant 0 : i32
      %dma_start3A_29 = tpu.memref_slice %arg4[%mul3A_2, %dma_start3A_28] : memref<2816x128xi32, #tpu.memory_space<hbm>> -> memref<80x128xi32, #tpu.memory_space<hbm>>
      %dma_start3A_30 = arith.constant 0 : i32
      %dma_start3A_31 = tpu.memref_slice %arg4[%mul3A_2, %dma_start3A_30] : memref<2816x128xi32, #tpu.memory_space<hbm>> -> memref<80x128xi32, #tpu.memory_space<hbm>>
      tpu.enqueue_dma source(%dma_start3A_31 : memref<80x128xi32, #tpu.memory_space<hbm>>) target(%arg7 : memref<80x128xi32, #tpu.memory_space<vmem>>) target_semaphore(%run_scoped3A_27 : memref<!tpu.dma_semaphore, #tpu.memory_space<semaphore_mem>>)
      %dma_wait3A_32 = arith.constant 0 : i32
      %dma_wait3A_33 = tpu.memref_slice %arg4[%mul3A_2, %dma_wait3A_32] : memref<2816x128xi32, #tpu.memory_space<hbm>> -> memref<80x128xi32, #tpu.memory_space<hbm>>
      %dma_wait3A_34 = arith.constant 0 : i32
      %dma_wait3A_35 = tpu.memref_slice %arg4[%mul3A_2, %dma_wait3A_34] : memref<2816x128xi32, #tpu.memory_space<hbm>> -> memref<80x128xi32, #tpu.memory_space<hbm>>
      tpu.wait_dma2 semaphore(%run_scoped3A_27 : memref<!tpu.dma_semaphore, #tpu.memory_space<semaphore_mem>>) src(%dma_wait3A_35 : memref<80x128xi32, #tpu.memory_space<hbm>>) dst(%arg7 : memref<80x128xi32, #tpu.memory_space<vmem>>)
      tpu.yield
    }) : () -> ()
    %mul3A_3 = arith.constant 640 : i32
    %mul3A_4 = arith.muli %arg1, %mul3A_3 : i32
    "tpu.region"() ({
      %run_scoped3A_27 = tpu.sem_alloc : memref<!tpu.dma_semaphore, #tpu.memory_space<semaphore_mem>>
      %dma_start3A_28 = arith.constant 0 : i32
      %dma_start3A_29 = tpu.memref_slice %arg12[%mul3A_4, %dma_start3A_28] : memref<10240x128xf32, #tpu.memory_space<vmem_shared>> -> memref<640x128xf32, #tpu.memory_space<vmem_shared>>
      tpu.enqueue_dma source(%arg5 : memref<640x128xf32, #tpu.memory_space<hbm>>) target(%dma_start3A_29 : memref<640x128xf32, #tpu.memory_space<vmem_shared>>) target_semaphore(%run_scoped3A_27 : memref<!tpu.dma_semaphore, #tpu.memory_space<semaphore_mem>>)
      %dma_wait3A_30 = arith.constant 0 : i32
      %dma_wait3A_31 = tpu.memref_slice %arg12[%mul3A_4, %dma_wait3A_30] : memref<10240x128xf32, #tpu.memory_space<vmem_shared>> -> memref<640x128xf32, #tpu.memory_space<vmem_shared>>
      tpu.wait_dma2 semaphore(%run_scoped3A_27 : memref<!tpu.dma_semaphore, #tpu.memory_space<semaphore_mem>>) src(%arg5 : memref<640x128xf32, #tpu.memory_space<hbm>>) dst(%dma_wait3A_31 : memref<640x128xf32, #tpu.memory_space<vmem_shared>>)
      tpu.yield
    }) : () -> ()
    %barrier3A = arith.constant 0 : index
    tpu.barrier barrier_id(%barrier3A)
    %mul3A_5 = arith.constant 11264 : i32
    %mul3A_6 = arith.muli %add3A, %mul3A_5 : i32
    "tpu.region"() ({
      %run_scoped3A_27 = tpu.sem_alloc : memref<!tpu.dma_semaphore, #tpu.memory_space<semaphore_mem>>
      %dma_start3A_28 = tpu.memref_slice %arg3[%mul3A_6] : memref<360448xi32, #tpu.memory_space<hbm>> -> memref<128xi32, #tpu.memory_space<hbm>>
      %dma_start3A_29 = tpu.memref_slice %arg3[%mul3A_6] : memref<360448xi32, #tpu.memory_space<hbm>> -> memref<128xi32, #tpu.memory_space<hbm>>
      tpu.enqueue_dma source(%dma_start3A_29 : memref<128xi32, #tpu.memory_space<hbm>>) target(%arg8 : memref<128xi32, #tpu.memory_space<vmem>>) target_semaphore(%run_scoped3A_27 : memref<!tpu.dma_semaphore, #tpu.memory_space<semaphore_mem>>)
      %dma_wait3A_30 = tpu.memref_slice %arg3[%mul3A_6] : memref<360448xi32, #tpu.memory_space<hbm>> -> memref<128xi32, #tpu.memory_space<hbm>>
      %dma_wait3A_31 = tpu.memref_slice %arg3[%mul3A_6] : memref<360448xi32, #tpu.memory_space<hbm>> -> memref<128xi32, #tpu.memory_space<hbm>>
      tpu.wait_dma2 semaphore(%run_scoped3A_27 : memref<!tpu.dma_semaphore, #tpu.memory_space<semaphore_mem>>) src(%dma_wait3A_31 : memref<128xi32, #tpu.memory_space<hbm>>) dst(%arg8 : memref<128xi32, #tpu.memory_space<vmem>>)
      tpu.yield
    }) : () -> ()
    %dma_start3A = arith.constant 0 : i32
    %dma_start3A_7 = arith.constant 0 : i32
    %dma_start3A_8 = tpu.memref_slice %arg2[%dma_start3A, %dma_start3A_7] : memref<10240x128xf32, #tpu.memory_space<hbm>> -> memref<10240x128xf32, #tpu.memory_space<hbm>>
    tpu.enqueue_indirect_dma source(%dma_start3A_8 : memref<10240x128xf32, #tpu.memory_space<hbm>>) target(%arg10 : memref<128x128xf32, #tpu.memory_space<vmem>>) offsets(%arg8 : memref<128xi32, #tpu.memory_space<vmem>>) semaphore(%arg13 : memref<!tpu.dma_semaphore, #tpu.memory_space<semaphore_mem>>)
    %dma_wait3A = arith.constant 0 : i32
    %dma_wait3A_9 = arith.constant 0 : i32
    %dma_wait3A_10 = tpu.memref_slice %arg2[%dma_wait3A, %dma_wait3A_9] : memref<10240x128xf32, #tpu.memory_space<hbm>> -> memref<10240x128xf32, #tpu.memory_space<hbm>>
    tpu.wait_indirect_dma semaphore(%arg13 : memref<!tpu.dma_semaphore, #tpu.memory_space<semaphore_mem>>) src(%dma_wait3A_10 : memref<10240x128xf32, #tpu.memory_space<hbm>>) dst(%arg10 : memref<128x128xf32, #tpu.memory_space<vmem>>)
    %add3A_11 = arith.constant 128 : i32
    %add3A_12 = arith.addi %mul3A_6, %add3A_11 : i32
    %dma_start3A_13 = tpu.memref_slice %arg3[%add3A_12] : memref<360448xi32, #tpu.memory_space<hbm>> -> memref<128xi32, #tpu.memory_space<hbm>>
    %dma_start3A_14 = tpu.memref_slice %arg3[%add3A_12] : memref<360448xi32, #tpu.memory_space<hbm>> -> memref<128xi32, #tpu.memory_space<hbm>>
    tpu.enqueue_dma source(%dma_start3A_14 : memref<128xi32, #tpu.memory_space<hbm>>) target(%arg9 : memref<128xi32, #tpu.memory_space<vmem>>) target_semaphore(%arg15 : memref<!tpu.dma_semaphore, #tpu.memory_space<semaphore_mem>>)
    %scan3A = arith.constant 0 : i32
    %scan3A_15 = arith.constant 0 : i32
    %scan3A_16 = arith.constant 39 : i32
    %scan3A_17 = arith.addi %scan3A_15, %scan3A_16 : i32
    %scan3A_18 = arith.constant 1 : i32
    scf.for %scan3A_27 = %scan3A_15 to %scan3A_17 step %scan3A_18  : i32 {
      %mul3A_28 = arith.constant 2 : i32
      %mul3A_29 = arith.muli %mul3A_28, %scan3A_27 : i32
      %add3A_30 = arith.constant 0 : i32
      %add3A_31 = arith.addi %mul3A_29, %add3A_30 : i32
      %add3A_32 = arith.constant 2 : i32
      %add3A_33 = arith.addi %add3A_31, %add3A_32 : i32
      %lt3A = arith.constant 79 : i32
      %lt3A_34 = arith.cmpi slt, %add3A_33, %lt3A : i32
      %add3A_35 = arith.constant 2 : i32
      %add3A_36 = arith.addi %add3A_31, %add3A_35 : i32
      %jit3A = arith.constant 0 : i32
      %select_n3A = arith.select %lt3A_34, %add3A_36, %jit3A : i32
      %dma_wait3A_37 = tpu.memref_slice %arg3[%mul3A_6] : memref<360448xi32, #tpu.memory_space<hbm>> -> memref<128xi32, #tpu.memory_space<hbm>>
      %dma_wait3A_38 = tpu.memref_slice %arg3[%mul3A_6] : memref<360448xi32, #tpu.memory_space<hbm>> -> memref<128xi32, #tpu.memory_space<hbm>>
      tpu.wait_dma2 semaphore(%arg15 : memref<!tpu.dma_semaphore, #tpu.memory_space<semaphore_mem>>) src(%dma_wait3A_38 : memref<128xi32, #tpu.memory_space<hbm>>) dst(%arg9 : memref<128xi32, #tpu.memory_space<vmem>>)
      %dma_start3A_39 = arith.constant 0 : i32
      %dma_start3A_40 = arith.constant 0 : i32
      %dma_start3A_41 = tpu.memref_slice %arg2[%dma_start3A_39, %dma_start3A_40] : memref<10240x128xf32, #tpu.memory_space<hbm>> -> memref<10240x128xf32, #tpu.memory_space<hbm>>
      tpu.enqueue_indirect_dma source(%dma_start3A_41 : memref<10240x128xf32, #tpu.memory_space<hbm>>) target(%arg11 : memref<128x128xf32, #tpu.memory_space<vmem>>) offsets(%arg9 : memref<128xi32, #tpu.memory_space<vmem>>) semaphore(%arg13 : memref<!tpu.dma_semaphore, #tpu.memory_space<semaphore_mem>>)
      %mul3A_42 = arith.constant 128 : i32
      %mul3A_43 = arith.muli %select_n3A, %mul3A_42 : i32
      %add3A_44 = arith.addi %mul3A_6, %mul3A_43 : i32
      %dma_start3A_45 = tpu.memref_slice %arg3[%add3A_44] : memref<360448xi32, #tpu.memory_space<hbm>> -> memref<128xi32, #tpu.memory_space<hbm>>
      %dma_start3A_46 = tpu.memref_slice %arg3[%add3A_44] : memref<360448xi32, #tpu.memory_space<hbm>> -> memref<128xi32, #tpu.memory_space<hbm>>
      tpu.enqueue_dma source(%dma_start3A_46 : memref<128xi32, #tpu.memory_space<hbm>>) target(%arg8 : memref<128xi32, #tpu.memory_space<vmem>>) target_semaphore(%arg15 : memref<!tpu.dma_semaphore, #tpu.memory_space<semaphore_mem>>)
      %dma_start3A_47 = arith.constant 0 : i32
      %dma_start3A_48 = tpu.memref_slice %arg7[%add3A_31, %dma_start3A_47] : memref<80x128xi32, #tpu.memory_space<vmem>> -> memref<1x128xi32, #tpu.memory_space<vmem>>
      %dma_start3A_49 = tpu.memref_squeeze %dma_start3A_48 : memref<1x128xi32, #tpu.memory_space<vmem>> -> memref<128xi32, #tpu.memory_space<vmem>>
      %dma_start3A_50 = arith.constant 0 : i32
      %dma_start3A_51 = arith.constant 0 : i32
      %dma_start3A_52 = tpu.memref_slice %arg12[%dma_start3A_50, %dma_start3A_51] : memref<10240x128xf32, #tpu.memory_space<vmem_shared>> -> memref<10240x128xf32, #tpu.memory_space<vmem_shared>>
      tpu.enqueue_indirect_dma source(%arg10 : memref<128x128xf32, #tpu.memory_space<vmem>>) target(%dma_start3A_52 : memref<10240x128xf32, #tpu.memory_space<vmem_shared>>) offsets(%dma_start3A_49 : memref<128xi32, #tpu.memory_space<vmem>>) semaphore(%arg14 : memref<!tpu.dma_semaphore, #tpu.memory_space<semaphore_mem>>) {add = true}
      %dma_wait3A_53 = arith.constant 0 : i32
      %dma_wait3A_54 = tpu.memref_slice %arg7[%add3A_31, %dma_wait3A_53] : memref<80x128xi32, #tpu.memory_space<vmem>> -> memref<1x128xi32, #tpu.memory_space<vmem>>
      %dma_wait3A_55 = tpu.memref_squeeze %dma_wait3A_54 : memref<1x128xi32, #tpu.memory_space<vmem>> -> memref<128xi32, #tpu.memory_space<vmem>>
      %dma_wait3A_56 = arith.constant 0 : i32
      %dma_wait3A_57 = arith.constant 0 : i32
      %dma_wait3A_58 = tpu.memref_slice %arg12[%dma_wait3A_56, %dma_wait3A_57] : memref<10240x128xf32, #tpu.memory_space<vmem_shared>> -> memref<10240x128xf32, #tpu.memory_space<vmem_shared>>
      tpu.wait_indirect_dma semaphore(%arg14 : memref<!tpu.dma_semaphore, #tpu.memory_space<semaphore_mem>>) src(%arg10 : memref<128x128xf32, #tpu.memory_space<vmem>>) dst(%dma_wait3A_58 : memref<10240x128xf32, #tpu.memory_space<vmem_shared>>)
      %dma_wait3A_59 = arith.constant 0 : i32
      %dma_wait3A_60 = arith.constant 0 : i32
      %dma_wait3A_61 = tpu.memref_slice %arg2[%dma_wait3A_59, %dma_wait3A_60] : memref<10240x128xf32, #tpu.memory_space<hbm>> -> memref<10240x128xf32, #tpu.memory_space<hbm>>
      tpu.wait_indirect_dma semaphore(%arg13 : memref<!tpu.dma_semaphore, #tpu.memory_space<semaphore_mem>>) src(%dma_wait3A_61 : memref<10240x128xf32, #tpu.memory_space<hbm>>) dst(%arg11 : memref<128x128xf32, #tpu.memory_space<vmem>>)
      %mul3A_62 = arith.constant 2 : i32
      %mul3A_63 = arith.muli %mul3A_62, %scan3A_27 : i32
      %add3A_64 = arith.constant 1 : i32
      %add3A_65 = arith.addi %mul3A_63, %add3A_64 : i32
      %add3A_66 = arith.constant 2 : i32
      %add3A_67 = arith.addi %add3A_65, %add3A_66 : i32
      %lt3A_68 = arith.constant 79 : i32
      %lt3A_69 = arith.cmpi slt, %add3A_67, %lt3A_68 : i32
      %add3A_70 = arith.constant 2 : i32
      %add3A_71 = arith.addi %add3A_65, %add3A_70 : i32
      %jit3A_72 = arith.constant 0 : i32
      %select_n3A_73 = arith.select %lt3A_69, %add3A_71, %jit3A_72 : i32
      %dma_wait3A_74 = tpu.memref_slice %arg3[%mul3A_6] : memref<360448xi32, #tpu.memory_space<hbm>> -> memref<128xi32, #tpu.memory_space<hbm>>
      %dma_wait3A_75 = tpu.memref_slice %arg3[%mul3A_6] : memref<360448xi32, #tpu.memory_space<hbm>> -> memref<128xi32, #tpu.memory_space<hbm>>
      tpu.wait_dma2 semaphore(%arg15 : memref<!tpu.dma_semaphore, #tpu.memory_space<semaphore_mem>>) src(%dma_wait3A_75 : memref<128xi32, #tpu.memory_space<hbm>>) dst(%arg8 : memref<128xi32, #tpu.memory_space<vmem>>)
      %dma_start3A_76 = arith.constant 0 : i32
      %dma_start3A_77 = arith.constant 0 : i32
      %dma_start3A_78 = tpu.memref_slice %arg2[%dma_start3A_76, %dma_start3A_77] : memref<10240x128xf32, #tpu.memory_space<hbm>> -> memref<10240x128xf32, #tpu.memory_space<hbm>>
      tpu.enqueue_indirect_dma source(%dma_start3A_78 : memref<10240x128xf32, #tpu.memory_space<hbm>>) target(%arg10 : memref<128x128xf32, #tpu.memory_space<vmem>>) offsets(%arg8 : memref<128xi32, #tpu.memory_space<vmem>>) semaphore(%arg13 : memref<!tpu.dma_semaphore, #tpu.memory_space<semaphore_mem>>)
      %mul3A_79 = arith.constant 128 : i32
      %mul3A_80 = arith.muli %select_n3A_73, %mul3A_79 : i32
      %add3A_81 = arith.addi %mul3A_6, %mul3A_80 : i32
      %dma_start3A_82 = tpu.memref_slice %arg3[%add3A_81] : memref<360448xi32, #tpu.memory_space<hbm>> -> memref<128xi32, #tpu.memory_space<hbm>>
      %dma_start3A_83 = tpu.memref_slice %arg3[%add3A_81] : memref<360448xi32, #tpu.memory_space<hbm>> -> memref<128xi32, #tpu.memory_space<hbm>>
      tpu.enqueue_dma source(%dma_start3A_83 : memref<128xi32, #tpu.memory_space<hbm>>) target(%arg9 : memref<128xi32, #tpu.memory_space<vmem>>) target_semaphore(%arg15 : memref<!tpu.dma_semaphore, #tpu.memory_space<semaphore_mem>>)
      %dma_start3A_84 = arith.constant 0 : i32
      %dma_start3A_85 = tpu.memref_slice %arg7[%add3A_65, %dma_start3A_84] : memref<80x128xi32, #tpu.memory_space<vmem>> -> memref<1x128xi32, #tpu.memory_space<vmem>>
      %dma_start3A_86 = tpu.memref_squeeze %dma_start3A_85 : memref<1x128xi32, #tpu.memory_space<vmem>> -> memref<128xi32, #tpu.memory_space<vmem>>
      %dma_start3A_87 = arith.constant 0 : i32
      %dma_start3A_88 = arith.constant 0 : i32
      %dma_start3A_89 = tpu.memref_slice %arg12[%dma_start3A_87, %dma_start3A_88] : memref<10240x128xf32, #tpu.memory_space<vmem_shared>> -> memref<10240x128xf32, #tpu.memory_space<vmem_shared>>
      tpu.enqueue_indirect_dma source(%arg11 : memref<128x128xf32, #tpu.memory_space<vmem>>) target(%dma_start3A_89 : memref<10240x128xf32, #tpu.memory_space<vmem_shared>>) offsets(%dma_start3A_86 : memref<128xi32, #tpu.memory_space<vmem>>) semaphore(%arg14 : memref<!tpu.dma_semaphore, #tpu.memory_space<semaphore_mem>>) {add = true}
      %dma_wait3A_90 = arith.constant 0 : i32
      %dma_wait3A_91 = tpu.memref_slice %arg7[%add3A_65, %dma_wait3A_90] : memref<80x128xi32, #tpu.memory_space<vmem>> -> memref<1x128xi32, #tpu.memory_space<vmem>>
      %dma_wait3A_92 = tpu.memref_squeeze %dma_wait3A_91 : memref<1x128xi32, #tpu.memory_space<vmem>> -> memref<128xi32, #tpu.memory_space<vmem>>
      %dma_wait3A_93 = arith.constant 0 : i32
      %dma_wait3A_94 = arith.constant 0 : i32
      %dma_wait3A_95 = tpu.memref_slice %arg12[%dma_wait3A_93, %dma_wait3A_94] : memref<10240x128xf32, #tpu.memory_space<vmem_shared>> -> memref<10240x128xf32, #tpu.memory_space<vmem_shared>>
      tpu.wait_indirect_dma semaphore(%arg14 : memref<!tpu.dma_semaphore, #tpu.memory_space<semaphore_mem>>) src(%arg11 : memref<128x128xf32, #tpu.memory_space<vmem>>) dst(%dma_wait3A_95 : memref<10240x128xf32, #tpu.memory_space<vmem_shared>>)
      %dma_wait3A_96 = arith.constant 0 : i32
      %dma_wait3A_97 = arith.constant 0 : i32
      %dma_wait3A_98 = tpu.memref_slice %arg2[%dma_wait3A_96, %dma_wait3A_97] : memref<10240x128xf32, #tpu.memory_space<hbm>> -> memref<10240x128xf32, #tpu.memory_space<hbm>>
      tpu.wait_indirect_dma semaphore(%arg13 : memref<!tpu.dma_semaphore, #tpu.memory_space<semaphore_mem>>) src(%dma_wait3A_98 : memref<10240x128xf32, #tpu.memory_space<hbm>>) dst(%arg10 : memref<128x128xf32, #tpu.memory_space<vmem>>)
    }
    %scan3A_19 = arith.constant 39 : i32
    %run_scoped3A = arith.constant 78 : i32
    "tpu.region"() ({
      %run_scoped3A_27 = tpu.sem_alloc : memref<!tpu.dma_semaphore, #tpu.memory_space<semaphore_mem>>
      %dma_start3A_28 = arith.constant 0 : i32
      %dma_start3A_29 = tpu.memref_slice %arg7[%run_scoped3A, %dma_start3A_28] : memref<80x128xi32, #tpu.memory_space<vmem>> -> memref<1x128xi32, #tpu.memory_space<vmem>>
      %dma_start3A_30 = tpu.memref_squeeze %dma_start3A_29 : memref<1x128xi32, #tpu.memory_space<vmem>> -> memref<128xi32, #tpu.memory_space<vmem>>
      %dma_start3A_31 = arith.constant 0 : i32
      %dma_start3A_32 = arith.constant 0 : i32
      %dma_start3A_33 = tpu.memref_slice %arg12[%dma_start3A_31, %dma_start3A_32] : memref<10240x128xf32, #tpu.memory_space<vmem_shared>> -> memref<10240x128xf32, #tpu.memory_space<vmem_shared>>
      tpu.enqueue_indirect_dma source(%arg10 : memref<128x128xf32, #tpu.memory_space<vmem>>) target(%dma_start3A_33 : memref<10240x128xf32, #tpu.memory_space<vmem_shared>>) offsets(%dma_start3A_30 : memref<128xi32, #tpu.memory_space<vmem>>) semaphore(%run_scoped3A_27 : memref<!tpu.dma_semaphore, #tpu.memory_space<semaphore_mem>>) {add = true}
      %dma_wait3A_34 = arith.constant 0 : i32
      %dma_wait3A_35 = tpu.memref_slice %arg7[%run_scoped3A, %dma_wait3A_34] : memref<80x128xi32, #tpu.memory_space<vmem>> -> memref<1x128xi32, #tpu.memory_space<vmem>>
      %dma_wait3A_36 = tpu.memref_squeeze %dma_wait3A_35 : memref<1x128xi32, #tpu.memory_space<vmem>> -> memref<128xi32, #tpu.memory_space<vmem>>
      %dma_wait3A_37 = arith.constant 0 : i32
      %dma_wait3A_38 = arith.constant 0 : i32
      %dma_wait3A_39 = tpu.memref_slice %arg12[%dma_wait3A_37, %dma_wait3A_38] : memref<10240x128xf32, #tpu.memory_space<vmem_shared>> -> memref<10240x128xf32, #tpu.memory_space<vmem_shared>>
      tpu.wait_indirect_dma semaphore(%run_scoped3A_27 : memref<!tpu.dma_semaphore, #tpu.memory_space<semaphore_mem>>) src(%arg10 : memref<128x128xf32, #tpu.memory_space<vmem>>) dst(%dma_wait3A_39 : memref<10240x128xf32, #tpu.memory_space<vmem_shared>>)
      tpu.yield
    }) : () -> ()
    %dma_wait3A_20 = tpu.memref_slice %arg3[%mul3A_6] : memref<360448xi32, #tpu.memory_space<hbm>> -> memref<128xi32, #tpu.memory_space<hbm>>
    %dma_wait3A_21 = tpu.memref_slice %arg3[%mul3A_6] : memref<360448xi32, #tpu.memory_space<hbm>> -> memref<128xi32, #tpu.memory_space<hbm>>
    tpu.wait_dma2 semaphore(%arg15 : memref<!tpu.dma_semaphore, #tpu.memory_space<semaphore_mem>>) src(%dma_wait3A_21 : memref<128xi32, #tpu.memory_space<hbm>>) dst(%arg9 : memref<128xi32, #tpu.memory_space<vmem>>)
    %barrier3A_22 = arith.constant 0 : index
    tpu.barrier barrier_id(%barrier3A_22)
    %mul3A_23 = arith.constant 640 : i32
    %mul3A_24 = arith.muli %arg1, %mul3A_23 : i32
    %mul3A_25 = arith.constant 640 : i32
    %mul3A_26 = arith.muli %arg1, %mul3A_25 : i32
    "tpu.region"() ({
      %run_scoped3A_27 = tpu.sem_alloc : memref<!tpu.dma_semaphore, #tpu.memory_space<semaphore_mem>>
      %dma_start3A_28 = arith.constant 0 : i32
      %dma_start3A_29 = tpu.memref_slice %arg6[%arg0, %mul3A_26, %dma_start3A_28] : memref<2x10240x128xf32, #tpu.memory_space<hbm>> -> memref<1x640x128xf32, #tpu.memory_space<hbm>>
      %dma_start3A_30 = tpu.memref_squeeze %dma_start3A_29 : memref<1x640x128xf32, #tpu.memory_space<hbm>> -> memref<640x128xf32, #tpu.memory_space<hbm>>
      %dma_start3A_31 = arith.constant 0 : i32
      %dma_start3A_32 = tpu.memref_slice %arg12[%mul3A_24, %dma_start3A_31] : memref<10240x128xf32, #tpu.memory_space<vmem_shared>> -> memref<640x128xf32, #tpu.memory_space<vmem_shared>>
      tpu.enqueue_dma source(%dma_start3A_32 : memref<640x128xf32, #tpu.memory_space<vmem_shared>>) target(%dma_start3A_30 : memref<640x128xf32, #tpu.memory_space<hbm>>) target_semaphore(%run_scoped3A_27 : memref<!tpu.dma_semaphore, #tpu.memory_space<semaphore_mem>>)
      %dma_wait3A_33 = arith.constant 0 : i32
      %dma_wait3A_34 = tpu.memref_slice %arg6[%arg0, %mul3A_26, %dma_wait3A_33] : memref<2x10240x128xf32, #tpu.memory_space<hbm>> -> memref<1x640x128xf32, #tpu.memory_space<hbm>>
      %dma_wait3A_35 = tpu.memref_squeeze %dma_wait3A_34 : memref<1x640x128xf32, #tpu.memory_space<hbm>> -> memref<640x128xf32, #tpu.memory_space<hbm>>
      %dma_wait3A_36 = arith.constant 0 : i32
      %dma_wait3A_37 = tpu.memref_slice %arg12[%mul3A_24, %dma_wait3A_36] : memref<10240x128xf32, #tpu.memory_space<vmem_shared>> -> memref<640x128xf32, #tpu.memory_space<vmem_shared>>
      tpu.wait_dma2 semaphore(%run_scoped3A_27 : memref<!tpu.dma_semaphore, #tpu.memory_space<semaphore_mem>>) src(%dma_wait3A_37 : memref<640x128xf32, #tpu.memory_space<vmem_shared>>) dst(%dma_wait3A_35 : memref<640x128xf32, #tpu.memory_space<hbm>>)
      tpu.yield
    }) : () -> ()
    return
  }
}

module attributes {stable_mosaic.version = 14 : i64} {
  func.func @_mm_body(%arg0: memref<10240x128xf32, #tpu.memory_space<vmem>>, %arg1: memref<128x128xf32, #tpu.memory_space<vmem>>, %arg2: memref<32x10240xf32, #tpu.memory_space<vmem>>, %arg3: memref<10240x128xf32, #tpu.memory_space<vmem>>) attributes {dimension_semantics = [], scalar_prefetch = 0 : i64, scratch_operands = 0 : i64, tpu.core_type = #tpu.core_type<tc>} {
    %get3A = arith.constant 0 : index
    %get3A_0 = arith.constant 0 : index
    %get3A_1 = vector.load %arg2[%get3A, %get3A_0] : memref<32x10240xf32, #tpu.memory_space<vmem>>, vector<32x10240xf32>
    %reduce_sum3A = arith.constant dense<0.000000e+00> : vector<10240xf32>
    %reduce_sum3A_2 = vector.multi_reduction <add>, %get3A_1, %reduce_sum3A [0] : vector<32x10240xf32> to vector<10240xf32>
    %max3A = arith.constant 1.000000e+00 : f32
    %max3A_3 = vector.broadcast %max3A : f32 to vector<10240xf32>
    %max3A_4 = arith.maximumf %reduce_sum3A_2, %max3A_3 : vector<10240xf32>
    %rsqrt3A = math.rsqrt %max3A_4 : vector<10240xf32>
    %get3A_5 = arith.constant 0 : index
    %get3A_6 = arith.constant 0 : index
    %get3A_7 = vector.load %arg0[%get3A_5, %get3A_6] : memref<10240x128xf32, #tpu.memory_space<vmem>>, vector<10240x128xf32>
    %get3A_8 = arith.constant 0 : index
    %get3A_9 = arith.constant 0 : index
    %get3A_10 = vector.load %arg1[%get3A_8, %get3A_9] : memref<128x128xf32, #tpu.memory_space<vmem>>, vector<128x128xf32>
    %dot_general3A = arith.constant dense<0.000000e+00> : vector<10240x128xf32>
    %dot_general3A_11 = tpu.matmul %get3A_7, %get3A_10, %dot_general3A {dimension_numbers = #tpu.dot_dimension_numbers<[1], [0], [0], [1], [0, 0, 1, 1], [], []>, transpose_lhs_hint = false} : vector<10240x128xf32>, vector<128x128xf32>, vector<10240x128xf32> -> vector<10240x128xf32>
    %broadcast_in_dim3A = vector.shape_cast %rsqrt3A : vector<10240xf32> to vector<10240x1xf32>
    %mul3A = vector.broadcast %broadcast_in_dim3A : vector<10240x1xf32> to vector<10240x128xf32>
    %mul3A_12 = arith.mulf %dot_general3A_11, %mul3A : vector<10240x128xf32>
    %swap3A = arith.constant 0 : index
    %swap3A_13 = arith.constant 0 : index
    %swap3A_14 = vector.load %arg3[%swap3A, %swap3A_13] : memref<10240x128xf32, #tpu.memory_space<vmem>>, vector<10240x128xf32>
    tpu.vector_store %arg3[%swap3A, %swap3A_13], %mul3A_12 {strides = array<i32>} : memref<10240x128xf32, #tpu.memory_space<vmem>>, vector<10240x128xf32>,
    return
  }
}

module attributes {stable_mosaic.version = 14 : i64} {
  func.func @_act_body(%arg0: memref<10240x128xf32, #tpu.memory_space<vmem>>, %arg1: memref<10240x128xf32, #tpu.memory_space<vmem>>, %arg2: memref<32x10240xf32, #tpu.memory_space<vmem>>, %arg3: memref<1x128xf32, #tpu.memory_space<vmem>>, %arg4: memref<128x1xf32, #tpu.memory_space<vmem>>, %arg5: memref<10240x128xf32, #tpu.memory_space<vmem>>, %arg6: memref<10240x1xf32, #tpu.memory_space<vmem>>) attributes {dimension_semantics = [], scalar_prefetch = 0 : i64, scratch_operands = 0 : i64, tpu.core_type = #tpu.core_type<tc>} {
    %get3A = arith.constant 0 : index
    %get3A_0 = arith.constant 0 : index
    %get3A_1 = vector.load %arg2[%get3A, %get3A_0] : memref<32x10240xf32, #tpu.memory_space<vmem>>, vector<32x10240xf32>
    %reduce_sum3A = arith.constant dense<0.000000e+00> : vector<10240xf32>
    %reduce_sum3A_2 = vector.multi_reduction <add>, %get3A_1, %reduce_sum3A [0] : vector<32x10240xf32> to vector<10240xf32>
    %max3A = arith.constant 1.000000e+00 : f32
    %max3A_3 = vector.broadcast %max3A : f32 to vector<10240xf32>
    %max3A_4 = arith.maximumf %reduce_sum3A_2, %max3A_3 : vector<10240xf32>
    %rsqrt3A = math.rsqrt %max3A_4 : vector<10240xf32>
    %get3A_5 = arith.constant 0 : index
    %get3A_6 = arith.constant 0 : index
    %get3A_7 = vector.load %arg0[%get3A_5, %get3A_6] : memref<10240x128xf32, #tpu.memory_space<vmem>>, vector<10240x128xf32>
    %get3A_8 = arith.constant 0 : index
    %get3A_9 = arith.constant 0 : index
    %get3A_10 = vector.load %arg1[%get3A_8, %get3A_9] : memref<10240x128xf32, #tpu.memory_space<vmem>>, vector<10240x128xf32>
    %add3A = arith.addf %get3A_7, %get3A_10 : vector<10240x128xf32>
    %broadcast_in_dim3A = vector.shape_cast %rsqrt3A : vector<10240xf32> to vector<10240x1xf32>
    %mul3A = vector.broadcast %broadcast_in_dim3A : vector<10240x1xf32> to vector<10240x128xf32>
    %mul3A_11 = arith.mulf %add3A, %mul3A : vector<10240x128xf32>
    %get3A_12 = arith.constant 0 : index
    %get3A_13 = arith.constant 0 : index
    %get3A_14 = vector.load %arg3[%get3A_12, %get3A_13] : memref<1x128xf32, #tpu.memory_space<vmem>>, vector<1x128xf32>
    %add3A_15 = vector.broadcast %get3A_14 : vector<1x128xf32> to vector<10240x128xf32>
    %add3A_16 = arith.addf %mul3A_11, %add3A_15 : vector<10240x128xf32>
    %max3A_17 = arith.constant 0.000000e+00 : f32
    %max3A_18 = vector.broadcast %max3A_17 : f32 to vector<10240x128xf32>
    %max3A_19 = arith.maximumf %add3A_16, %max3A_18 : vector<10240x128xf32>
    %swap3A = arith.constant 0 : index
    %swap3A_20 = arith.constant 0 : index
    %swap3A_21 = vector.load %arg5[%swap3A, %swap3A_20] : memref<10240x128xf32, #tpu.memory_space<vmem>>, vector<10240x128xf32>
    tpu.vector_store %arg5[%swap3A, %swap3A_20], %max3A_19 {strides = array<i32>} : memref<10240x128xf32, #tpu.memory_space<vmem>>, vector<10240x128xf32>,
    %get3A_22 = arith.constant 0 : index
    %get3A_23 = arith.constant 0 : index
    %get3A_24 = vector.load %arg4[%get3A_22, %get3A_23] : memref<128x1xf32, #tpu.memory_space<vmem>>, vector<128x1xf32>
    %get3A_25 = arith.constant 0 : index
    %get3A_26 = arith.constant 0 : index
    %get3A_27 = vector.load %arg4[%get3A_25, %get3A_26] : memref<128x1xf32, #tpu.memory_space<vmem>>, vector<128x1xf32>
    %mul3A_28 = arith.mulf %get3A_24, %get3A_27 : vector<128x1xf32>
    %reduce_sum3A_29 = vector.shape_cast %mul3A_28 : vector<128x1xf32> to vector<1x128x1xf32>
    %reduce_sum3A_30 = arith.constant dense<0.000000e+00> : vector<1xf32>
    %reduce_sum3A_31 = vector.multi_reduction <add>, %reduce_sum3A_29, %reduce_sum3A_30 [1, 2] : vector<1x128x1xf32> to vector<1xf32>
    %reduce_sum3A_32 = vector.shape_cast %reduce_sum3A_31 : vector<1xf32> to vector<1x1x1xf32>
    %reduce_sum3A_33 = vector.extract %reduce_sum3A_32[0, 0, 0] : f32 from vector<1x1x1xf32>
    %rsqrt3A_34 = math.rsqrt %reduce_sum3A_33 : f32
    %get3A_35 = arith.constant 0 : index
    %get3A_36 = arith.constant 0 : index
    %get3A_37 = vector.load %arg4[%get3A_35, %get3A_36] : memref<128x1xf32, #tpu.memory_space<vmem>>, vector<128x1xf32>
    %dot_general3A = arith.constant dense<0.000000e+00> : vector<10240x1xf32>
    %dot_general3A_38 = tpu.matmul %max3A_19, %get3A_37, %dot_general3A {dimension_numbers = #tpu.dot_dimension_numbers<[1], [0], [0], [1], [0, 0, 1, 1], [], []>, transpose_lhs_hint = false} : vector<10240x128xf32>, vector<128x1xf32>, vector<10240x1xf32> -> vector<10240x1xf32>
    %mul3A_39 = vector.broadcast %rsqrt3A_34 : f32 to vector<10240x1xf32>
    %mul3A_40 = arith.mulf %dot_general3A_38, %mul3A_39 : vector<10240x1xf32>
    %tanh3A = math.tanh %mul3A_40 : vector<10240x1xf32>
    %swap3A_41 = arith.constant 0 : index
    %swap3A_42 = arith.constant 0 : index
    %swap3A_43 = vector.load %arg6[%swap3A_41, %swap3A_42] : memref<10240x1xf32, #tpu.memory_space<vmem>>, vector<10240x1xf32>
    tpu.vector_store %arg6[%swap3A_41, %swap3A_42], %tanh3A {strides = array<i32>} : memref<10240x1xf32, #tpu.memory_space<vmem>>, vector<10240x1xf32>,
    return
  }
}

module attributes {stable_mosaic.version = 14 : i64} {
  func.func @_mask_body(%arg0: memref<80x128xf32, #tpu.memory_space<vmem>>, %arg1: memref<80x128xf32, #tpu.memory_space<vmem>>, %arg2: memref<80x128xf32, #tpu.memory_space<vmem>>) attributes {dimension_semantics = [], scalar_prefetch = 0 : i64, scratch_operands = 0 : i64, tpu.core_type = #tpu.core_type<tc>} {
    %get3A = arith.constant 0 : index
    %get3A_0 = arith.constant 0 : index
    %get3A_1 = vector.load %arg0[%get3A, %get3A_0] : memref<80x128xf32, #tpu.memory_space<vmem>>, vector<80x128xf32>
    %add3A = arith.constant 0.000000e+00 : f32
    %add3A_2 = vector.broadcast %add3A : f32 to vector<80x128xf32>
    %add3A_3 = arith.addf %get3A_1, %add3A_2 : vector<80x128xf32>
    %bitcast_convert_type3A = tpu.bitcast %add3A_3 : vector<80x128xf32> -> vector<80x128xi32>
    %xor3A = arith.constant -2147483648 : i32
    %xor3A_4 = vector.broadcast %xor3A : i32 to vector<80x128xi32>
    %xor3A_5 = arith.xori %bitcast_convert_type3A, %xor3A_4 : vector<80x128xi32>
    %ge3A = arith.constant 0 : i32
    %ge3A_6 = vector.broadcast %ge3A : i32 to vector<80x128xi32>
    %ge3A_7 = arith.cmpi sge, %bitcast_convert_type3A, %ge3A_6 : vector<80x128xi32>
    %neg3A = arith.constant 0 : i32
    %neg3A_8 = vector.broadcast %neg3A : i32 to vector<80x128xi32>
    %neg3A_9 = arith.subi %neg3A_8, %xor3A_5 : vector<80x128xi32>
    %select_n3A = arith.select %ge3A_7, %bitcast_convert_type3A, %neg3A_9 : vector<80x128xi1>, vector<80x128xi32>
    %get3A_10 = arith.constant 0 : index
    %get3A_11 = arith.constant 0 : index
    %get3A_12 = vector.load %arg1[%get3A_10, %get3A_11] : memref<80x128xf32, #tpu.memory_space<vmem>>, vector<80x128xf32>
    %gt3A = arith.constant 0.000000e+00 : f32
    %gt3A_13 = vector.broadcast %gt3A : f32 to vector<80x128xf32>
    %gt3A_14 = arith.cmpf ogt, %get3A_12, %gt3A_13 : vector<80x128xf32>
    %jit3A = arith.constant -1065353217 : i32
    %broadcast_in_dim3A = vector.broadcast %jit3A : i32 to vector<80x128xi32>
    %select_n3A_15 = arith.select %gt3A_14, %select_n3A, %broadcast_in_dim3A : vector<80x128xi1>, vector<80x128xi32>
    %scan3A = arith.constant 5000 : i32
    %scan3A_16 = arith.constant -1065353217 : i32
    %scan3A_17 = arith.constant 1065353216 : i32
    %scan3A_18 = arith.constant 0 : i32
    %scan3A_19 = arith.constant 32 : i32
    %scan3A_20 = arith.addi %scan3A_18, %scan3A_19 : i32
    %scan3A_21 = arith.constant 1 : i32
    %scan3A_22:2 = scf.for %scan3A_49 = %scan3A_18 to %scan3A_20 step %scan3A_21 iter_args(%scan3A_50 = %scan3A_16, %scan3A_51 = %scan3A_17) -> (i32, i32)  : i32 {
      %add3A_52 = arith.addi %scan3A_50, %scan3A_51 : i32
      %add3A_53 = arith.constant 1 : i32
      %add3A_54 = arith.addi %add3A_52, %add3A_53 : i32
      %shift_right_arithmetic3A = arith.constant 1 : i32
      %shift_right_arithmetic3A_55 = arith.shrsi %add3A_54, %shift_right_arithmetic3A : i32
      %ge3A_56 = vector.broadcast %shift_right_arithmetic3A_55 : i32 to vector<80x128xi32>
      %ge3A_57 = arith.cmpi sge, %select_n3A_15, %ge3A_56 : vector<80x128xi32>
      %convert_element_type3A_58 = arith.extui %ge3A_57 : vector<80x128xi1> to vector<80x128xi32>
      %reduce_sum3A_59 = vector.shape_cast %convert_element_type3A_58 : vector<80x128xi32> to vector<1x80x128xi32>
      %reduce_sum3A_60 = arith.constant dense<0> : vector<1xi32>
      %reduce_sum3A_61 = vector.multi_reduction <add>, %reduce_sum3A_59, %reduce_sum3A_60 [1, 2] : vector<1x80x128xi32> to vector<1xi32>
      %reduce_sum3A_62 = vector.shape_cast %reduce_sum3A_61 : vector<1xi32> to vector<1x1x1xi32>
      %reduce_sum3A_63 = vector.extract %reduce_sum3A_62[0, 0, 0] : i32 from vector<1x1x1xi32>
      %ge3A_64 = arith.cmpi sge, %reduce_sum3A_63, %scan3A : i32
      %select_n3A_65 = arith.select %ge3A_64, %shift_right_arithmetic3A_55, %scan3A_50 : i32
      %sub3A_66 = arith.constant 1 : i32
      %sub3A_67 = arith.subi %shift_right_arithmetic3A_55, %sub3A_66 : i32
      %select_n3A_68 = arith.select %ge3A_64, %scan3A_51, %sub3A_67 : i32
      scf.yield %select_n3A_65, %select_n3A_68 : i32, i32
    }
    %gt3A_23 = vector.broadcast %scan3A_22#0 : i32 to vector<80x128xi32>
    %gt3A_24 = arith.cmpi sgt, %select_n3A_15, %gt3A_23 : vector<80x128xi32>
    %convert_element_type3A = arith.extui %gt3A_24 : vector<80x128xi1> to vector<80x128xi32>
    %reduce_sum3A = vector.shape_cast %convert_element_type3A : vector<80x128xi32> to vector<1x80x128xi32>
    %reduce_sum3A_25 = arith.constant dense<0> : vector<1xi32>
    %reduce_sum3A_26 = vector.multi_reduction <add>, %reduce_sum3A, %reduce_sum3A_25 [1, 2] : vector<1x80x128xi32> to vector<1xi32>
    %reduce_sum3A_27 = vector.shape_cast %reduce_sum3A_26 : vector<1xi32> to vector<1x1x1xi32>
    %reduce_sum3A_28 = vector.extract %reduce_sum3A_27[0, 0, 0] : i32 from vector<1x1x1xi32>
    %sub3A = arith.constant 5000 : i32
    %sub3A_29 = arith.subi %sub3A, %reduce_sum3A_28 : i32
    %eq3A = vector.broadcast %scan3A_22#0 : i32 to vector<80x128xi32>
    %eq3A_30 = arith.cmpi eq, %select_n3A_15, %eq3A : vector<80x128xi32>
    %iota3A = tpu.iota {dimensions = array<i32: 0>} : vector<80x128xi32>
    %mul3A = arith.constant 128 : i32
    %mul3A_31 = vector.broadcast %mul3A : i32 to vector<80x128xi32>
    %mul3A_32 = arith.muli %iota3A, %mul3A_31 : vector<80x128xi32>
    %iota3A_33 = tpu.iota {dimensions = array<i32: 1>} : vector<80x128xi32>
    %add3A_34 = arith.addi %mul3A_32, %iota3A_33 : vector<80x128xi32>
    %scan3A_35 = arith.constant 0 : i32
    %scan3A_36 = arith.constant 10240 : i32
    %scan3A_37 = arith.constant 0 : i32
    %scan3A_38 = arith.constant 14 : i32
    %scan3A_39 = arith.addi %scan3A_37, %scan3A_38 : i32
    %scan3A_40 = arith.constant 1 : i32
    %scan3A_41:2 = scf.for %scan3A_49 = %scan3A_37 to %scan3A_39 step %scan3A_40 iter_args(%scan3A_50 = %scan3A_35, %scan3A_51 = %scan3A_36) -> (i32, i32)  : i32 {
      %add3A_52 = arith.addi %scan3A_50, %scan3A_51 : i32
      %shift_right_arithmetic3A = arith.constant 1 : i32
      %shift_right_arithmetic3A_53 = arith.shrsi %add3A_52, %shift_right_arithmetic3A : i32
      %lt3A_54 = vector.broadcast %shift_right_arithmetic3A_53 : i32 to vector<80x128xi32>
      %lt3A_55 = arith.cmpi slt, %add3A_34, %lt3A_54 : vector<80x128xi32>
      %and3A_56 = arith.andi %eq3A_30, %lt3A_55 : vector<80x128xi1>
      %convert_element_type3A_57 = arith.extui %and3A_56 : vector<80x128xi1> to vector<80x128xi32>
      %reduce_sum3A_58 = vector.shape_cast %convert_element_type3A_57 : vector<80x128xi32> to vector<1x80x128xi32>
      %reduce_sum3A_59 = arith.constant dense<0> : vector<1xi32>
      %reduce_sum3A_60 = vector.multi_reduction <add>, %reduce_sum3A_58, %reduce_sum3A_59 [1, 2] : vector<1x80x128xi32> to vector<1xi32>
      %reduce_sum3A_61 = vector.shape_cast %reduce_sum3A_60 : vector<1xi32> to vector<1x1x1xi32>
      %reduce_sum3A_62 = vector.extract %reduce_sum3A_61[0, 0, 0] : i32 from vector<1x1x1xi32>
      %ge3A_63 = arith.cmpi sge, %reduce_sum3A_62, %sub3A_29 : i32
      %add3A_64 = arith.constant 1 : i32
      %add3A_65 = arith.addi %shift_right_arithmetic3A_53, %add3A_64 : i32
      %select_n3A_66 = arith.select %ge3A_63, %scan3A_50, %add3A_65 : i32
      %select_n3A_67 = arith.select %ge3A_63, %shift_right_arithmetic3A_53, %scan3A_51 : i32
      scf.yield %select_n3A_66, %select_n3A_67 : i32, i32
    }
    %gt3A_42 = vector.broadcast %scan3A_22#0 : i32 to vector<80x128xi32>
    %gt3A_43 = arith.cmpi sgt, %select_n3A_15, %gt3A_42 : vector<80x128xi32>
    %lt3A = vector.broadcast %scan3A_41#0 : i32 to vector<80x128xi32>
    %lt3A_44 = arith.cmpi slt, %add3A_34, %lt3A : vector<80x128xi32>
    %and3A = arith.andi %eq3A_30, %lt3A_44 : vector<80x128xi1>
    %or3A = arith.ori %gt3A_43, %and3A : vector<80x128xi1>
    %convert_element_type3A_45 = arith.extui %or3A : vector<80x128xi1> to vector<80x128xi32>
    %convert_element_type3A_46 = arith.sitofp %convert_element_type3A_45 : vector<80x128xi32> to vector<80x128xf32>
    %swap3A = arith.constant 0 : index
    %swap3A_47 = arith.constant 0 : index
    %swap3A_48 = vector.load %arg2[%swap3A, %swap3A_47] : memref<80x128xf32, #tpu.memory_space<vmem>>, vector<80x128xf32>
    tpu.vector_store %arg2[%swap3A, %swap3A_47], %convert_element_type3A_46 {strides = array<i32>} : memref<80x128xf32, #tpu.memory_space<vmem>>, vector<80x128xf32>,
    return
  }
}

module attributes {stable_mosaic.version = 14 : i64} {
  func.func @_pool_body(%arg0: memref<10240x128xf32, #tpu.memory_space<vmem>>, %arg1: memref<10240x1xf32, #tpu.memory_space<vmem>>, %arg2: memref<10240x1xf32, #tpu.memory_space<vmem>>, %arg3: memref<10240x128xf32, #tpu.memory_space<vmem>>, %arg4: memref<1x128xf32, #tpu.memory_space<vmem>>, %arg5: memref<1x128xf32, #tpu.memory_space<vmem>>) attributes {dimension_semantics = [], scalar_prefetch = 0 : i64, scratch_operands = 0 : i64, tpu.core_type = #tpu.core_type<tc>} {
    %get3A = arith.constant 0 : index
    %get3A_0 = arith.constant 0 : index
    %get3A_1 = vector.load %arg0[%get3A, %get3A_0] : memref<10240x128xf32, #tpu.memory_space<vmem>>, vector<10240x128xf32>
    %get3A_2 = arith.constant 0 : index
    %get3A_3 = arith.constant 0 : index
    %get3A_4 = vector.load %arg1[%get3A_2, %get3A_3] : memref<10240x1xf32, #tpu.memory_space<vmem>>, vector<10240x1xf32>
    %mul3A = vector.broadcast %get3A_4 : vector<10240x1xf32> to vector<10240x128xf32>
    %mul3A_5 = arith.mulf %get3A_1, %mul3A : vector<10240x128xf32>
    %get3A_6 = arith.constant 0 : index
    %get3A_7 = arith.constant 0 : index
    %get3A_8 = vector.load %arg2[%get3A_6, %get3A_7] : memref<10240x1xf32, #tpu.memory_space<vmem>>, vector<10240x1xf32>
    %mul3A_9 = vector.broadcast %get3A_8 : vector<10240x1xf32> to vector<10240x128xf32>
    %mul3A_10 = arith.mulf %mul3A_5, %mul3A_9 : vector<10240x128xf32>
    %swap3A = arith.constant 0 : index
    %swap3A_11 = arith.constant 0 : index
    %swap3A_12 = vector.load %arg3[%swap3A, %swap3A_11] : memref<10240x128xf32, #tpu.memory_space<vmem>>, vector<10240x128xf32>
    tpu.vector_store %arg3[%swap3A, %swap3A_11], %mul3A_10 {strides = array<i32>} : memref<10240x128xf32, #tpu.memory_space<vmem>>, vector<10240x128xf32>,
    %get3A_13 = arith.constant 0 : index
    %get3A_14 = arith.constant 0 : index
    %get3A_15 = vector.load %arg2[%get3A_13, %get3A_14] : memref<10240x1xf32, #tpu.memory_space<vmem>>, vector<10240x1xf32>
    %gt3A = arith.constant 0.000000e+00 : f32
    %gt3A_16 = vector.broadcast %gt3A : f32 to vector<10240x1xf32>
    %gt3A_17 = arith.cmpf ogt, %get3A_15, %gt3A_16 : vector<10240x1xf32>
    %jit3A = arith.constant -3.400000e+38 : f32
    %broadcast_in_dim3A = vector.shape_cast %gt3A_17 : vector<10240x1xi1> to vector<10240x1xi1>
    %broadcast_in_dim3A_18 = vector.broadcast %broadcast_in_dim3A : vector<10240x1xi1> to vector<10240x128xi1>
    %broadcast_in_dim3A_19 = vector.broadcast %jit3A : f32 to vector<10240x128xf32>
    %select_n3A = arith.select %broadcast_in_dim3A_18, %mul3A_10, %broadcast_in_dim3A_19 : vector<10240x128xi1>, vector<10240x128xf32>
    %reduce_max3A = arith.constant dense<0xFF800000> : vector<128xf32>
    %reduce_max3A_20 = vector.multi_reduction <maximumf>, %select_n3A, %reduce_max3A [0] : vector<10240x128xf32> to vector<128xf32>
    %broadcast_in_dim3A_21 = vector.shape_cast %reduce_max3A_20 : vector<128xf32> to vector<1x128xf32>
    %swap3A_22 = arith.constant 0 : index
    %swap3A_23 = arith.constant 0 : index
    %swap3A_24 = vector.load %arg4[%swap3A_22, %swap3A_23] : memref<1x128xf32, #tpu.memory_space<vmem>>, vector<1x128xf32>
    tpu.vector_store %arg4[%swap3A_22, %swap3A_23], %broadcast_in_dim3A_21 {strides = array<i32>} : memref<1x128xf32, #tpu.memory_space<vmem>>, vector<1x128xf32>,
    %reduce_sum3A = arith.constant dense<0.000000e+00> : vector<128xf32>
    %reduce_sum3A_25 = vector.multi_reduction <add>, %mul3A_10, %reduce_sum3A [0] : vector<10240x128xf32> to vector<128xf32>
    %broadcast_in_dim3A_26 = vector.shape_cast %reduce_sum3A_25 : vector<128xf32> to vector<1x128xf32>
    %mul3A_27 = arith.constant 2.000000e-04 : f32
    %mul3A_28 = vector.broadcast %mul3A_27 : f32 to vector<1x128xf32>
    %mul3A_29 = arith.mulf %broadcast_in_dim3A_26, %mul3A_28 : vector<1x128xf32>
    %swap3A_30 = arith.constant 0 : index
    %swap3A_31 = arith.constant 0 : index
    %swap3A_32 = vector.load %arg5[%swap3A_30, %swap3A_31] : memref<1x128xf32, #tpu.memory_space<vmem>>, vector<1x128xf32>
    tpu.vector_store %arg5[%swap3A_30, %swap3A_31], %mul3A_29 {strides = array<i32>} : memref<1x128xf32, #tpu.memory_space<vmem>>, vector<1x128xf32>,
    return
  }
}

module attributes {stable_mosaic.version = 14 : i64} {
  func.func @_mask_body(%arg0: memref<80x128xf32, #tpu.memory_space<vmem>>, %arg1: memref<80x128xf32, #tpu.memory_space<vmem>>, %arg2: memref<80x128xf32, #tpu.memory_space<vmem>>) attributes {dimension_semantics = [], scalar_prefetch = 0 : i64, scratch_operands = 0 : i64, tpu.core_type = #tpu.core_type<tc>} {
    %get3A = arith.constant 0 : index
    %get3A_0 = arith.constant 0 : index
    %get3A_1 = vector.load %arg0[%get3A, %get3A_0] : memref<80x128xf32, #tpu.memory_space<vmem>>, vector<80x128xf32>
    %add3A = arith.constant 0.000000e+00 : f32
    %add3A_2 = vector.broadcast %add3A : f32 to vector<80x128xf32>
    %add3A_3 = arith.addf %get3A_1, %add3A_2 : vector<80x128xf32>
    %bitcast_convert_type3A = tpu.bitcast %add3A_3 : vector<80x128xf32> -> vector<80x128xi32>
    %xor3A = arith.constant -2147483648 : i32
    %xor3A_4 = vector.broadcast %xor3A : i32 to vector<80x128xi32>
    %xor3A_5 = arith.xori %bitcast_convert_type3A, %xor3A_4 : vector<80x128xi32>
    %ge3A = arith.constant 0 : i32
    %ge3A_6 = vector.broadcast %ge3A : i32 to vector<80x128xi32>
    %ge3A_7 = arith.cmpi sge, %bitcast_convert_type3A, %ge3A_6 : vector<80x128xi32>
    %neg3A = arith.constant 0 : i32
    %neg3A_8 = vector.broadcast %neg3A : i32 to vector<80x128xi32>
    %neg3A_9 = arith.subi %neg3A_8, %xor3A_5 : vector<80x128xi32>
    %select_n3A = arith.select %ge3A_7, %bitcast_convert_type3A, %neg3A_9 : vector<80x128xi1>, vector<80x128xi32>
    %get3A_10 = arith.constant 0 : index
    %get3A_11 = arith.constant 0 : index
    %get3A_12 = vector.load %arg1[%get3A_10, %get3A_11] : memref<80x128xf32, #tpu.memory_space<vmem>>, vector<80x128xf32>
    %gt3A = arith.constant 0.000000e+00 : f32
    %gt3A_13 = vector.broadcast %gt3A : f32 to vector<80x128xf32>
    %gt3A_14 = arith.cmpf ogt, %get3A_12, %gt3A_13 : vector<80x128xf32>
    %jit3A = arith.constant -1065353217 : i32
    %broadcast_in_dim3A = vector.broadcast %jit3A : i32 to vector<80x128xi32>
    %select_n3A_15 = arith.select %gt3A_14, %select_n3A, %broadcast_in_dim3A : vector<80x128xi1>, vector<80x128xi32>
    %scan3A = arith.constant 2500 : i32
    %scan3A_16 = arith.constant -1065353217 : i32
    %scan3A_17 = arith.constant 1065353216 : i32
    %scan3A_18 = arith.constant 0 : i32
    %scan3A_19 = arith.constant 32 : i32
    %scan3A_20 = arith.addi %scan3A_18, %scan3A_19 : i32
    %scan3A_21 = arith.constant 1 : i32
    %scan3A_22:2 = scf.for %scan3A_49 = %scan3A_18 to %scan3A_20 step %scan3A_21 iter_args(%scan3A_50 = %scan3A_16, %scan3A_51 = %scan3A_17) -> (i32, i32)  : i32 {
      %add3A_52 = arith.addi %scan3A_50, %scan3A_51 : i32
      %add3A_53 = arith.constant 1 : i32
      %add3A_54 = arith.addi %add3A_52, %add3A_53 : i32
      %shift_right_arithmetic3A = arith.constant 1 : i32
      %shift_right_arithmetic3A_55 = arith.shrsi %add3A_54, %shift_right_arithmetic3A : i32
      %ge3A_56 = vector.broadcast %shift_right_arithmetic3A_55 : i32 to vector<80x128xi32>
      %ge3A_57 = arith.cmpi sge, %select_n3A_15, %ge3A_56 : vector<80x128xi32>
      %convert_element_type3A_58 = arith.extui %ge3A_57 : vector<80x128xi1> to vector<80x128xi32>
      %reduce_sum3A_59 = vector.shape_cast %convert_element_type3A_58 : vector<80x128xi32> to vector<1x80x128xi32>
      %reduce_sum3A_60 = arith.constant dense<0> : vector<1xi32>
      %reduce_sum3A_61 = vector.multi_reduction <add>, %reduce_sum3A_59, %reduce_sum3A_60 [1, 2] : vector<1x80x128xi32> to vector<1xi32>
      %reduce_sum3A_62 = vector.shape_cast %reduce_sum3A_61 : vector<1xi32> to vector<1x1x1xi32>
      %reduce_sum3A_63 = vector.extract %reduce_sum3A_62[0, 0, 0] : i32 from vector<1x1x1xi32>
      %ge3A_64 = arith.cmpi sge, %reduce_sum3A_63, %scan3A : i32
      %select_n3A_65 = arith.select %ge3A_64, %shift_right_arithmetic3A_55, %scan3A_50 : i32
      %sub3A_66 = arith.constant 1 : i32
      %sub3A_67 = arith.subi %shift_right_arithmetic3A_55, %sub3A_66 : i32
      %select_n3A_68 = arith.select %ge3A_64, %scan3A_51, %sub3A_67 : i32
      scf.yield %select_n3A_65, %select_n3A_68 : i32, i32
    }
    %gt3A_23 = vector.broadcast %scan3A_22#0 : i32 to vector<80x128xi32>
    %gt3A_24 = arith.cmpi sgt, %select_n3A_15, %gt3A_23 : vector<80x128xi32>
    %convert_element_type3A = arith.extui %gt3A_24 : vector<80x128xi1> to vector<80x128xi32>
    %reduce_sum3A = vector.shape_cast %convert_element_type3A : vector<80x128xi32> to vector<1x80x128xi32>
    %reduce_sum3A_25 = arith.constant dense<0> : vector<1xi32>
    %reduce_sum3A_26 = vector.multi_reduction <add>, %reduce_sum3A, %reduce_sum3A_25 [1, 2] : vector<1x80x128xi32> to vector<1xi32>
    %reduce_sum3A_27 = vector.shape_cast %reduce_sum3A_26 : vector<1xi32> to vector<1x1x1xi32>
    %reduce_sum3A_28 = vector.extract %reduce_sum3A_27[0, 0, 0] : i32 from vector<1x1x1xi32>
    %sub3A = arith.constant 2500 : i32
    %sub3A_29 = arith.subi %sub3A, %reduce_sum3A_28 : i32
    %eq3A = vector.broadcast %scan3A_22#0 : i32 to vector<80x128xi32>
    %eq3A_30 = arith.cmpi eq, %select_n3A_15, %eq3A : vector<80x128xi32>
    %iota3A = tpu.iota {dimensions = array<i32: 0>} : vector<80x128xi32>
    %mul3A = arith.constant 128 : i32
    %mul3A_31 = vector.broadcast %mul3A : i32 to vector<80x128xi32>
    %mul3A_32 = arith.muli %iota3A, %mul3A_31 : vector<80x128xi32>
    %iota3A_33 = tpu.iota {dimensions = array<i32: 1>} : vector<80x128xi32>
    %add3A_34 = arith.addi %mul3A_32, %iota3A_33 : vector<80x128xi32>
    %scan3A_35 = arith.constant 0 : i32
    %scan3A_36 = arith.constant 10240 : i32
    %scan3A_37 = arith.constant 0 : i32
    %scan3A_38 = arith.constant 14 : i32
    %scan3A_39 = arith.addi %scan3A_37, %scan3A_38 : i32
    %scan3A_40 = arith.constant 1 : i32
    %scan3A_41:2 = scf.for %scan3A_49 = %scan3A_37 to %scan3A_39 step %scan3A_40 iter_args(%scan3A_50 = %scan3A_35, %scan3A_51 = %scan3A_36) -> (i32, i32)  : i32 {
      %add3A_52 = arith.addi %scan3A_50, %scan3A_51 : i32
      %shift_right_arithmetic3A = arith.constant 1 : i32
      %shift_right_arithmetic3A_53 = arith.shrsi %add3A_52, %shift_right_arithmetic3A : i32
      %lt3A_54 = vector.broadcast %shift_right_arithmetic3A_53 : i32 to vector<80x128xi32>
      %lt3A_55 = arith.cmpi slt, %add3A_34, %lt3A_54 : vector<80x128xi32>
      %and3A_56 = arith.andi %eq3A_30, %lt3A_55 : vector<80x128xi1>
      %convert_element_type3A_57 = arith.extui %and3A_56 : vector<80x128xi1> to vector<80x128xi32>
      %reduce_sum3A_58 = vector.shape_cast %convert_element_type3A_57 : vector<80x128xi32> to vector<1x80x128xi32>
      %reduce_sum3A_59 = arith.constant dense<0> : vector<1xi32>
      %reduce_sum3A_60 = vector.multi_reduction <add>, %reduce_sum3A_58, %reduce_sum3A_59 [1, 2] : vector<1x80x128xi32> to vector<1xi32>
      %reduce_sum3A_61 = vector.shape_cast %reduce_sum3A_60 : vector<1xi32> to vector<1x1x1xi32>
      %reduce_sum3A_62 = vector.extract %reduce_sum3A_61[0, 0, 0] : i32 from vector<1x1x1xi32>
      %ge3A_63 = arith.cmpi sge, %reduce_sum3A_62, %sub3A_29 : i32
      %add3A_64 = arith.constant 1 : i32
      %add3A_65 = arith.addi %shift_right_arithmetic3A_53, %add3A_64 : i32
      %select_n3A_66 = arith.select %ge3A_63, %scan3A_50, %add3A_65 : i32
      %select_n3A_67 = arith.select %ge3A_63, %shift_right_arithmetic3A_53, %scan3A_51 : i32
      scf.yield %select_n3A_66, %select_n3A_67 : i32, i32
    }
    %gt3A_42 = vector.broadcast %scan3A_22#0 : i32 to vector<80x128xi32>
    %gt3A_43 = arith.cmpi sgt, %select_n3A_15, %gt3A_42 : vector<80x128xi32>
    %lt3A = vector.broadcast %scan3A_41#0 : i32 to vector<80x128xi32>
    %lt3A_44 = arith.cmpi slt, %add3A_34, %lt3A : vector<80x128xi32>
    %and3A = arith.andi %eq3A_30, %lt3A_44 : vector<80x128xi1>
    %or3A = arith.ori %gt3A_43, %and3A : vector<80x128xi1>
    %convert_element_type3A_45 = arith.extui %or3A : vector<80x128xi1> to vector<80x128xi32>
    %convert_element_type3A_46 = arith.sitofp %convert_element_type3A_45 : vector<80x128xi32> to vector<80x128xf32>
    %swap3A = arith.constant 0 : index
    %swap3A_47 = arith.constant 0 : index
    %swap3A_48 = vector.load %arg2[%swap3A, %swap3A_47] : memref<80x128xf32, #tpu.memory_space<vmem>>, vector<80x128xf32>
    tpu.vector_store %arg2[%swap3A, %swap3A_47], %convert_element_type3A_46 {strides = array<i32>} : memref<80x128xf32, #tpu.memory_space<vmem>>, vector<80x128xf32>,
    return
  }
}

module attributes {stable_mosaic.version = 14 : i64} {
  func.func @_pool_body(%arg0: memref<10240x128xf32, #tpu.memory_space<vmem>>, %arg1: memref<10240x1xf32, #tpu.memory_space<vmem>>, %arg2: memref<10240x1xf32, #tpu.memory_space<vmem>>, %arg3: memref<10240x128xf32, #tpu.memory_space<vmem>>, %arg4: memref<1x128xf32, #tpu.memory_space<vmem>>, %arg5: memref<1x128xf32, #tpu.memory_space<vmem>>) attributes {dimension_semantics = [], scalar_prefetch = 0 : i64, scratch_operands = 0 : i64, tpu.core_type = #tpu.core_type<tc>} {
    %get3A = arith.constant 0 : index
    %get3A_0 = arith.constant 0 : index
    %get3A_1 = vector.load %arg0[%get3A, %get3A_0] : memref<10240x128xf32, #tpu.memory_space<vmem>>, vector<10240x128xf32>
    %get3A_2 = arith.constant 0 : index
    %get3A_3 = arith.constant 0 : index
    %get3A_4 = vector.load %arg1[%get3A_2, %get3A_3] : memref<10240x1xf32, #tpu.memory_space<vmem>>, vector<10240x1xf32>
    %mul3A = vector.broadcast %get3A_4 : vector<10240x1xf32> to vector<10240x128xf32>
    %mul3A_5 = arith.mulf %get3A_1, %mul3A : vector<10240x128xf32>
    %get3A_6 = arith.constant 0 : index
    %get3A_7 = arith.constant 0 : index
    %get3A_8 = vector.load %arg2[%get3A_6, %get3A_7] : memref<10240x1xf32, #tpu.memory_space<vmem>>, vector<10240x1xf32>
    %mul3A_9 = vector.broadcast %get3A_8 : vector<10240x1xf32> to vector<10240x128xf32>
    %mul3A_10 = arith.mulf %mul3A_5, %mul3A_9 : vector<10240x128xf32>
    %swap3A = arith.constant 0 : index
    %swap3A_11 = arith.constant 0 : index
    %swap3A_12 = vector.load %arg3[%swap3A, %swap3A_11] : memref<10240x128xf32, #tpu.memory_space<vmem>>, vector<10240x128xf32>
    tpu.vector_store %arg3[%swap3A, %swap3A_11], %mul3A_10 {strides = array<i32>} : memref<10240x128xf32, #tpu.memory_space<vmem>>, vector<10240x128xf32>,
    %get3A_13 = arith.constant 0 : index
    %get3A_14 = arith.constant 0 : index
    %get3A_15 = vector.load %arg2[%get3A_13, %get3A_14] : memref<10240x1xf32, #tpu.memory_space<vmem>>, vector<10240x1xf32>
    %gt3A = arith.constant 0.000000e+00 : f32
    %gt3A_16 = vector.broadcast %gt3A : f32 to vector<10240x1xf32>
    %gt3A_17 = arith.cmpf ogt, %get3A_15, %gt3A_16 : vector<10240x1xf32>
    %jit3A = arith.constant -3.400000e+38 : f32
    %broadcast_in_dim3A = vector.shape_cast %gt3A_17 : vector<10240x1xi1> to vector<10240x1xi1>
    %broadcast_in_dim3A_18 = vector.broadcast %broadcast_in_dim3A : vector<10240x1xi1> to vector<10240x128xi1>
    %broadcast_in_dim3A_19 = vector.broadcast %jit3A : f32 to vector<10240x128xf32>
    %select_n3A = arith.select %broadcast_in_dim3A_18, %mul3A_10, %broadcast_in_dim3A_19 : vector<10240x128xi1>, vector<10240x128xf32>
    %reduce_max3A = arith.constant dense<0xFF800000> : vector<128xf32>
    %reduce_max3A_20 = vector.multi_reduction <maximumf>, %select_n3A, %reduce_max3A [0] : vector<10240x128xf32> to vector<128xf32>
    %broadcast_in_dim3A_21 = vector.shape_cast %reduce_max3A_20 : vector<128xf32> to vector<1x128xf32>
    %swap3A_22 = arith.constant 0 : index
    %swap3A_23 = arith.constant 0 : index
    %swap3A_24 = vector.load %arg4[%swap3A_22, %swap3A_23] : memref<1x128xf32, #tpu.memory_space<vmem>>, vector<1x128xf32>
    tpu.vector_store %arg4[%swap3A_22, %swap3A_23], %broadcast_in_dim3A_21 {strides = array<i32>} : memref<1x128xf32, #tpu.memory_space<vmem>>, vector<1x128xf32>,
    %reduce_sum3A = arith.constant dense<0.000000e+00> : vector<128xf32>
    %reduce_sum3A_25 = vector.multi_reduction <add>, %mul3A_10, %reduce_sum3A [0] : vector<10240x128xf32> to vector<128xf32>
    %broadcast_in_dim3A_26 = vector.shape_cast %reduce_sum3A_25 : vector<128xf32> to vector<1x128xf32>
    %mul3A_27 = arith.constant 4.000000e-04 : f32
    %mul3A_28 = vector.broadcast %mul3A_27 : f32 to vector<1x128xf32>
    %mul3A_29 = arith.mulf %broadcast_in_dim3A_26, %mul3A_28 : vector<1x128xf32>
    %swap3A_30 = arith.constant 0 : index
    %swap3A_31 = arith.constant 0 : index
    %swap3A_32 = vector.load %arg5[%swap3A_30, %swap3A_31] : memref<1x128xf32, #tpu.memory_space<vmem>>, vector<1x128xf32>
    tpu.vector_store %arg5[%swap3A_30, %swap3A_31], %mul3A_29 {strides = array<i32>} : memref<1x128xf32, #tpu.memory_space<vmem>>, vector<1x128xf32>,
    return
  }
}

module attributes {stable_mosaic.version = 14 : i64} {
  func.func @_act_body(%arg0: memref<10240x128xf32, #tpu.memory_space<vmem>>, %arg1: memref<10240x128xf32, #tpu.memory_space<vmem>>, %arg2: memref<32x10240xf32, #tpu.memory_space<vmem>>, %arg3: memref<1x128xf32, #tpu.memory_space<vmem>>, %arg4: memref<128x1xf32, #tpu.memory_space<vmem>>, %arg5: memref<10240x128xf32, #tpu.memory_space<vmem>>, %arg6: memref<10240x1xf32, #tpu.memory_space<vmem>>) attributes {dimension_semantics = [], scalar_prefetch = 0 : i64, scratch_operands = 0 : i64, tpu.core_type = #tpu.core_type<tc>} {
    %get3A = arith.constant 0 : index
    %get3A_0 = arith.constant 0 : index
    %get3A_1 = vector.load %arg2[%get3A, %get3A_0] : memref<32x10240xf32, #tpu.memory_space<vmem>>, vector<32x10240xf32>
    %reduce_sum3A = arith.constant dense<0.000000e+00> : vector<10240xf32>
    %reduce_sum3A_2 = vector.multi_reduction <add>, %get3A_1, %reduce_sum3A [0] : vector<32x10240xf32> to vector<10240xf32>
    %max3A = arith.constant 1.000000e+00 : f32
    %max3A_3 = vector.broadcast %max3A : f32 to vector<10240xf32>
    %max3A_4 = arith.maximumf %reduce_sum3A_2, %max3A_3 : vector<10240xf32>
    %rsqrt3A = math.rsqrt %max3A_4 : vector<10240xf32>
    %get3A_5 = arith.constant 0 : index
    %get3A_6 = arith.constant 0 : index
    %get3A_7 = vector.load %arg0[%get3A_5, %get3A_6] : memref<10240x128xf32, #tpu.memory_space<vmem>>, vector<10240x128xf32>
    %get3A_8 = arith.constant 0 : index
    %get3A_9 = arith.constant 0 : index
    %get3A_10 = vector.load %arg1[%get3A_8, %get3A_9] : memref<10240x128xf32, #tpu.memory_space<vmem>>, vector<10240x128xf32>
    %add3A = arith.addf %get3A_7, %get3A_10 : vector<10240x128xf32>
    %broadcast_in_dim3A = vector.shape_cast %rsqrt3A : vector<10240xf32> to vector<10240x1xf32>
    %mul3A = vector.broadcast %broadcast_in_dim3A : vector<10240x1xf32> to vector<10240x128xf32>
    %mul3A_11 = arith.mulf %add3A, %mul3A : vector<10240x128xf32>
    %get3A_12 = arith.constant 0 : index
    %get3A_13 = arith.constant 0 : index
    %get3A_14 = vector.load %arg3[%get3A_12, %get3A_13] : memref<1x128xf32, #tpu.memory_space<vmem>>, vector<1x128xf32>
    %add3A_15 = vector.broadcast %get3A_14 : vector<1x128xf32> to vector<10240x128xf32>
    %add3A_16 = arith.addf %mul3A_11, %add3A_15 : vector<10240x128xf32>
    %max3A_17 = arith.constant 0.000000e+00 : f32
    %max3A_18 = vector.broadcast %max3A_17 : f32 to vector<10240x128xf32>
    %max3A_19 = arith.maximumf %add3A_16, %max3A_18 : vector<10240x128xf32>
    %swap3A = arith.constant 0 : index
    %swap3A_20 = arith.constant 0 : index
    %swap3A_21 = vector.load %arg5[%swap3A, %swap3A_20] : memref<10240x128xf32, #tpu.memory_space<vmem>>, vector<10240x128xf32>
    tpu.vector_store %arg5[%swap3A, %swap3A_20], %max3A_19 {strides = array<i32>} : memref<10240x128xf32, #tpu.memory_space<vmem>>, vector<10240x128xf32>,
    %get3A_22 = arith.constant 0 : index
    %get3A_23 = arith.constant 0 : index
    %get3A_24 = vector.load %arg4[%get3A_22, %get3A_23] : memref<128x1xf32, #tpu.memory_space<vmem>>, vector<128x1xf32>
    %get3A_25 = arith.constant 0 : index
    %get3A_26 = arith.constant 0 : index
    %get3A_27 = vector.load %arg4[%get3A_25, %get3A_26] : memref<128x1xf32, #tpu.memory_space<vmem>>, vector<128x1xf32>
    %mul3A_28 = arith.mulf %get3A_24, %get3A_27 : vector<128x1xf32>
    %reduce_sum3A_29 = vector.shape_cast %mul3A_28 : vector<128x1xf32> to vector<1x128x1xf32>
    %reduce_sum3A_30 = arith.constant dense<0.000000e+00> : vector<1xf32>
    %reduce_sum3A_31 = vector.multi_reduction <add>, %reduce_sum3A_29, %reduce_sum3A_30 [1, 2] : vector<1x128x1xf32> to vector<1xf32>
    %reduce_sum3A_32 = vector.shape_cast %reduce_sum3A_31 : vector<1xf32> to vector<1x1x1xf32>
    %reduce_sum3A_33 = vector.extract %reduce_sum3A_32[0, 0, 0] : f32 from vector<1x1x1xf32>
    %rsqrt3A_34 = math.rsqrt %reduce_sum3A_33 : f32
    %get3A_35 = arith.constant 0 : index
    %get3A_36 = arith.constant 0 : index
    %get3A_37 = vector.load %arg4[%get3A_35, %get3A_36] : memref<128x1xf32, #tpu.memory_space<vmem>>, vector<128x1xf32>
    %dot_general3A = arith.constant dense<0.000000e+00> : vector<10240x1xf32>
    %dot_general3A_38 = tpu.matmul %max3A_19, %get3A_37, %dot_general3A {dimension_numbers = #tpu.dot_dimension_numbers<[1], [0], [0], [1], [0, 0, 1, 1], [], []>, transpose_lhs_hint = false} : vector<10240x128xf32>, vector<128x1xf32>, vector<10240x1xf32> -> vector<10240x1xf32>
    %mul3A_39 = vector.broadcast %rsqrt3A_34 : f32 to vector<10240x1xf32>
    %mul3A_40 = arith.mulf %dot_general3A_38, %mul3A_39 : vector<10240x1xf32>
    %tanh3A = math.tanh %mul3A_40 : vector<10240x1xf32>
    %swap3A_41 = arith.constant 0 : index
    %swap3A_42 = arith.constant 0 : index
    %swap3A_43 = vector.load %arg6[%swap3A_41, %swap3A_42] : memref<10240x1xf32, #tpu.memory_space<vmem>>, vector<10240x1xf32>
    tpu.vector_store %arg6[%swap3A_41, %swap3A_42], %tanh3A {strides = array<i32>} : memref<10240x1xf32, #tpu.memory_space<vmem>>, vector<10240x1xf32>,
    return
  }
}

module attributes {stable_mosaic.version = 14 : i64} {
  func.func @_final_body(%arg0: memref<10240x128xf32, #tpu.memory_space<vmem>>, %arg1: memref<10240x1xf32, #tpu.memory_space<vmem>>, %arg2: memref<1x128xf32, #tpu.memory_space<vmem>>, %arg3: memref<1x128xf32, #tpu.memory_space<vmem>>, %arg4: memref<1x128xf32, #tpu.memory_space<vmem>>, %arg5: memref<1x128xf32, #tpu.memory_space<vmem>>, %arg6: memref<1x256xf32, #tpu.memory_space<vmem>>) attributes {dimension_semantics = [], scalar_prefetch = 0 : i64, scratch_operands = 0 : i64, tpu.core_type = #tpu.core_type<tc>} {
    %get3A = arith.constant 0 : index
    %get3A_0 = arith.constant 0 : index
    %get3A_1 = vector.load %arg1[%get3A, %get3A_0] : memref<10240x1xf32, #tpu.memory_space<vmem>>, vector<10240x1xf32>
    %get3A_2 = arith.constant 0 : index
    %get3A_3 = arith.constant 0 : index
    %get3A_4 = vector.load %arg0[%get3A_2, %get3A_3] : memref<10240x128xf32, #tpu.memory_space<vmem>>, vector<10240x128xf32>
    %gt3A = arith.constant 0.000000e+00 : f32
    %gt3A_5 = vector.broadcast %gt3A : f32 to vector<10240x1xf32>
    %gt3A_6 = arith.cmpf ogt, %get3A_1, %gt3A_5 : vector<10240x1xf32>
    %jit3A = arith.constant -3.400000e+38 : f32
    %broadcast_in_dim3A = vector.shape_cast %gt3A_6 : vector<10240x1xi1> to vector<10240x1xi1>
    %broadcast_in_dim3A_7 = vector.broadcast %broadcast_in_dim3A : vector<10240x1xi1> to vector<10240x128xi1>
    %broadcast_in_dim3A_8 = vector.broadcast %jit3A : f32 to vector<10240x128xf32>
    %select_n3A = arith.select %broadcast_in_dim3A_7, %get3A_4, %broadcast_in_dim3A_8 : vector<10240x128xi1>, vector<10240x128xf32>
    %reduce_max3A = arith.constant dense<0xFF800000> : vector<128xf32>
    %reduce_max3A_9 = vector.multi_reduction <maximumf>, %select_n3A, %reduce_max3A [0] : vector<10240x128xf32> to vector<128xf32>
    %broadcast_in_dim3A_10 = vector.shape_cast %reduce_max3A_9 : vector<128xf32> to vector<1x128xf32>
    %mul3A = vector.broadcast %get3A_1 : vector<10240x1xf32> to vector<10240x128xf32>
    %mul3A_11 = arith.mulf %get3A_4, %mul3A : vector<10240x128xf32>
    %reduce_sum3A = arith.constant dense<0.000000e+00> : vector<128xf32>
    %reduce_sum3A_12 = vector.multi_reduction <add>, %mul3A_11, %reduce_sum3A [0] : vector<10240x128xf32> to vector<128xf32>
    %broadcast_in_dim3A_13 = vector.shape_cast %reduce_sum3A_12 : vector<128xf32> to vector<1x128xf32>
    %mul3A_14 = arith.constant 4.000000e-04 : f32
    %mul3A_15 = vector.broadcast %mul3A_14 : f32 to vector<1x128xf32>
    %mul3A_16 = arith.mulf %broadcast_in_dim3A_13, %mul3A_15 : vector<1x128xf32>
    %get3A_17 = arith.constant 0 : index
    %get3A_18 = arith.constant 0 : index
    %get3A_19 = vector.load %arg2[%get3A_17, %get3A_18] : memref<1x128xf32, #tpu.memory_space<vmem>>, vector<1x128xf32>
    %get3A_20 = arith.constant 0 : index
    %get3A_21 = arith.constant 0 : index
    %get3A_22 = vector.load %arg4[%get3A_20, %get3A_21] : memref<1x128xf32, #tpu.memory_space<vmem>>, vector<1x128xf32>
    %add3A = arith.addf %get3A_19, %get3A_22 : vector<1x128xf32>
    %add3A_23 = arith.addf %add3A, %broadcast_in_dim3A_10 : vector<1x128xf32>
    %get3A_24 = arith.constant 0 : index
    %get3A_25 = arith.constant 0 : index
    %get3A_26 = vector.load %arg3[%get3A_24, %get3A_25] : memref<1x128xf32, #tpu.memory_space<vmem>>, vector<1x128xf32>
    %get3A_27 = arith.constant 0 : index
    %get3A_28 = arith.constant 0 : index
    %get3A_29 = vector.load %arg5[%get3A_27, %get3A_28] : memref<1x128xf32, #tpu.memory_space<vmem>>, vector<1x128xf32>
    %add3A_30 = arith.addf %get3A_26, %get3A_29 : vector<1x128xf32>
    %add3A_31 = arith.addf %add3A_30, %mul3A_16 : vector<1x128xf32>
    %concatenate3A = tpu.concatenate %add3A_23, %add3A_31 in 1 : vector<1x128xf32>, vector<1x128xf32> -> vector<1x256xf32>
    %swap3A = arith.constant 0 : index
    %swap3A_32 = arith.constant 0 : index
    %swap3A_33 = vector.load %arg6[%swap3A, %swap3A_32] : memref<1x256xf32, #tpu.memory_space<vmem>>, vector<1x256xf32>
    tpu.vector_store %arg6[%swap3A, %swap3A_32], %concatenate3A {strides = array<i32>} : memref<1x256xf32, #tpu.memory_space<vmem>>, vector<1x256xf32>,
    return
  }
}

</mosaic_0001>

<sc_bundles>
// kernel: kernel.19.cloned.1.call-start
scs
__scs_entry_jumppad:
0x0: {  	(pc) =	sbr.rel $0x88, $3  }
0x1: {  	(tag) =	ssettag $0x0;
	lr =	simm.s32 $0x1  }
0x2: {  	[smem:$0x3F97] =	sst lr;
	_ =	strace $0xD0000000  }
0x3: {  	_ = 	snop  }
0x4: {  	_ = 	snop  }
0x5: {  	_ = 	snop  }
0x6: {  	_ = 	snop  }
0x7: {  	_ = 	snop  }
__scs_overlays_trampoline_lowered:
0x8: {  	[smem:$0x3FA6] =	sst s0  }
0x9: {  	[smem:$0x3FA7] =	sst s1  }
0xa: {  	[smem:$0x3FA8] =	sst s2  }
0xb: {  	[smem:$0x3FA9] =	sst s3  }
0xc: {  	[smem:$0x3FAA] =	sst s4  }
0xd: {  	[smem:$0x3FAB] =	sst s5  }
0xe: {  	[smem:$0x3FAC] =	sst s6  }
0xf: {  	[smem:$0x3FAD] =	sst s7  }
0x10: {  	[smem:$0x3FAE] =	sst s8  }
0x11: {  	[smem:$0x3FAF] =	sst s9;
	s0 =	simm.s32 @!p0 $0x0  }
0x12: {  	s1 =	sld [smem:$0x3F95];
	s0 =	simm.s32 @p0 $0x1  }
0x13: {  	[smem:$0x3FB0] =	sst s0;
	s0 =	simm.s32 @!p1 $0x0  }
0x14: {  	s2 =	sld [smem:$0x3F94];
	s0 =	simm.s32 @p1 $0x1  }
0x15: {  	[smem:$0x3FB1] =	sst s0;
	s0 =	simm.s32 @!p2 $0x0  }
0x16: {  	s3 =	sld [smem:$0x3FDB];
	s0 =	simm.s32 @p2 $0x1  }
0x17: {  	s4 =	simm.s32 $0x1BF5;
	[smem:$0x3FB3] =	sst s0  }
0x18: {  	s0 =	sld [smem:$0x3F96];
	_ =	swait.ge [sflag:s4], $0x0  }
0x19: {  	s7 =	sld [smem:$0x3F97]  }
0x1a: {  	s8 =	sadd.s32 $0xFFFFE003, lr  }
0x1b: {  	s9 =	sadd.s32 $0xFFFFFEF7, lr;
	s5 =	simm.s32 $0xFFFFFFFF;
	p2 =	slt.u32 s8, $0xFFFFF086  }
0x1c: {  	p1 =	slt.u32 s9, $0xF7A;
	s5 =	simm.s32 @!p2 $0x0  }
0x1d: {  	s5 =	simm.s32 @p1 $0x1;
	p0 =	seq.s32 s7, s2  }
0x1e: {  	s7 =	smul.u32 @!p0 $0xF7A, s2;
	p2 =	seq.s32 @!p0 s5, $0x0  }
0x1f: {  	s9 =	smul.u32 $0xF7A, s1;
	s8 =	simm.s32 @!p0 $0x1BF5;
	p2 =	por !p2, p0  }
0x20: {  	[sflag:s8] =	ssyncset.s32 @!p0 $0xFFFFF086;
	s6 =	sadd.s32 @!p0 s3, s7;
	s7 =	simm.s32 @!p0 $0x108  }
0x21: {  	s3 =	sadd.s32 s3, s9;
	s6 =	sadd.s32 @!p0 $0x88, s6;
	s7 =	simm.s32 @p2 $0x1082  }
0x22: {  	[simem:s7], [sflag:s8] =	dma.local @!p0 [hbm:s6], $0xF7A  }
0x23: {  	s9 =	sor.u32 $0xD0000000, s2;
	s6 =	simm.s32 $0x108;
	_ =	swait.ge @!p0 [sflag:s8], $0x0  }
0x24: {  	s3 =	sadd.s32 $0x88, s3;
	s6 =	simm.s32 @!p1 $0x1082;
	[sflag:s4] =	ssyncset.s32 $0xFFFFF086  }
0x25: {  	[simem:s6], [sflag:s4] =	dma.local [hbm:s3], $0xF7A  }
0x26: {  	[smem:$0x3F97] =	sst s1;
	(tag) =	ssettag s2;
	_ =	strace s9  }
0x27: {  	s1 =	sld [smem:$0x3FA7]  }
0x28: {  	s2 =	sld [smem:$0x3FA8]  }
0x29: {  	s4 =	sld [smem:$0x3FAA]  }
0x2a: {  	p0 =	seq.s32 s5, $0x0;
	s5 =	sld [smem:$0x3FAB]  }
0x2b: {  	s6 =	sld [smem:$0x3FAC]  }
0x2c: {  	s7 =	sld [smem:$0x3FAD]  }
0x2d: {  	s3 =	simm.s32 $0x108;
	s8 =	sld [smem:$0x3FAE]  }
0x2e: {  	s3 =	simm.s32 @!p0 $0x1082;
	s9 =	sld [smem:$0x3FAF]  }
0x2f: {  	lr =	sadd.s32 s0, s3;
	s0 =	sld [smem:$0x3FA6]  }
0x30: {  	s3 =	sld [smem:$0x3FA9]  }
0x31: {  	[smem:$0x3FB2] =	sst s10  }
0x32: {  	s10 =	sld [smem:$0x3FB0];
	_ =	sdelay $0x3  }
0x33: {  	p0 =	seq.s32 s10, $0x1;
	s10 =	sld [smem:$0x3FB2];
	_ =	sdelay $0x3  }
0x34: {  	[smem:$0x3FB2] =	sst s10  }
0x35: {  	s10 =	sld [smem:$0x3FB1];
	_ =	sdelay $0x3  }
0x36: {  	p1 =	seq.s32 s10, $0x1;
	s10 =	sld [smem:$0x3FB2];
	_ =	sdelay $0x3  }
0x37: {  	[smem:$0x3FB2] =	sst s10  }
0x38: {  	s10 =	sld [smem:$0x3FB3]  }
0x39: {  	_ = 	snop;
	(pc) =	sbr.ind lr, $3  }
0x3a: {  	_ = 	snop  }
0x3b: {  	_ = 	snop  }
0x3c: {  	p2 =	seq.s32 s10, $0x1;
	s10 =	sld [smem:$0x3FB2]  }
0x3d: {  	_ =	shalt  }
0x3e: {  	_ =	shalt  }
0x3f: {  	_ =	shalt  }
0x40: {  	_ =	shalt  }
0x41: {  	_ =	shalt  }
0x42: {  	_ =	shalt  }
0x43: {  	_ =	shalt  }
0x44: {  	_ =	shalt  }
0x45: {  	_ =	shalt  }
0x46: {  	_ =	shalt  }
0x47: {  	_ =	shalt  }
0x48: {  	_ =	shalt  }
0x49: {  	_ =	shalt  }
0x4a: {  	_ =	shalt  }
0x4b: {  	_ =	shalt  }
0x4c: {  	_ =	shalt  }
0x4d: {  	_ =	shalt  }
0x4e: {  	_ =	shalt  }
0x4f: {  	_ =	shalt  }
0x50: {  	_ =	shalt  }
0x51: {  	_ =	shalt  }
0x52: {  	_ =	shalt  }
0x53: {  	_ =	shalt  }
0x54: {  	_ =	shalt  }
0x55: {  	_ =	shalt  }
0x56: {  	_ =	shalt  }
0x57: {  	_ =	shalt  }
0x58: {  	_ =	shalt  }
0x59: {  	_ =	shalt  }
0x5a: {  	_ =	shalt  }
0x5b: {  	_ =	shalt  }
0x5c: {  	_ =	shalt  }
0x5d: {  	_ =	shalt  }
0x5e: {  	_ =	shalt  }
0x5f: {  	_ =	shalt  }
0x60: {  	_ =	shalt  }
0x61: {  	_ =	shalt  }
0x62: {  	_ =	shalt  }
0x63: {  	_ =	shalt  }
0x64: {  	_ =	shalt  }
0x65: {  	_ =	shalt  }
0x66: {  	_ =	shalt  }
0x67: {  	_ =	shalt  }
0x68: {  	_ =	shalt  }
0x69: {  	_ =	shalt  }
0x6a: {  	_ =	shalt  }
0x6b: {  	_ =	shalt  }
0x6c: {  	_ =	shalt  }
0x6d: {  	_ =	shalt  }
0x6e: {  	_ =	shalt  }
0x6f: {  	_ =	shalt  }
0x70: {  	_ =	shalt  }
0x71: {  	_ =	shalt  }
0x72: {  	_ =	shalt  }
0x73: {  	_ =	shalt  }
0x74: {  	_ =	shalt  }
0x75: {  	_ =	shalt  }
0x76: {  	_ =	shalt  }
0x77: {  	_ =	shalt  }
0x78: {  	_ =	shalt  }
0x79: {  	_ =	shalt  }
0x7a: {  	_ =	shalt  }
0x7b: {  	_ =	shalt  }
0x7c: {  	_ =	shalt  }
0x7d: {  	_ =	shalt  }
0x7e: {  	_ =	shalt  }
0x7f: {  	_ =	shalt  }
0x80: {  	_ =	shalt  }
0x81: {  	_ =	shalt  }
0x82: {  	_ =	shalt  }
0x83: {  	_ =	shalt  }
0x84: {  	_ =	shalt  }
0x85: {  	_ =	shalt  }
0x86: {  	_ =	shalt  }
0x87: {  	_ =	shalt  }
.Lfunc_end0:
.L_simem_size_0:
called_computation_lowered:
.L_overlay_start_0:
0x88: {  	s2 =	sld [smem:$0x3FD9]  }
0x89: {  	s3 =	sld [smem:$0x3FFE];
	_ =	sdelay $0x1  }
0x8a: {  	s1 =	srdreg.scid  }
0x8b: {  	s0 =	sand.u32 $0x1, s1  }
0x8c: {  	s16 =	sshll.u32 s0, $0xA;
	s2 =	sadd.s32 s3, s2  }
0x8d: {  	s2 =	sadd.s32 s2, s16  }
0x8e: {  	[smem:$0x3FBE] =	sst s2  }
0x8f: {  	_ = 	snop  }
0x90: {  	(tm) =	ssettm $0x1  }
0x91: {  	s17 =	sld [smem:$0x3FFB];
	_ =	sdelay $0x3  }
0x92: {  	_ =	strace s17  }
0x93: {  	s2 =	sld [smem:$0x3FFC];
	_ =	sdelay $0x3  }
0x94: {  	_ =	strace s2  }
0x95: {  	s2 =	sld [smem:$0x3FFD];
	_ =	sdelay $0x3  }
0x96: {  	_ =	strace s2  }
0x97: {  	_ =	strace $0x8FFFFFFF  }
0x98: {  	s18 =	sld [smem:$0x3FDB];
	_ =	sdelay $0x1  }
0x99: {  	s19 =	simm.s32 $_scs_section_size  }
0x9a: {  	s4 =	simm.s32 $_size__tile_overlayer_lowered;
	s5 =	simm.s32 $_tile_overlayer_lowered  }
0x9b: {  	s22 =	simm.s32 $0x1BFF;
	s21 =	sshll.u32 s5, $0x1;
	s2 =	sadd.s32 s19, s18  }
0x9c: {  	s6 =	simm.s32 $0x0;
	s20 =	sshll.u32 s4, $0x1;
	s4 =	sadd.s32 s21, s2  }
0x9d: {  	[timem:s6], [sflag:s22] =	dma.local [hbm:s4], s20  }
0x9e: {  	_ =	swait.ge [sflag:s22], s20  }
0x9f: {  	s3 =	ssub.s32 $0x0, s20;
	[sflag:s22] =	ssyncset.done $0x0  }
0xa0: {  	[sflag:s22] =	ssyncadd.s32 s3;
	_ =	sdelay $0x1  }
0xa1: {  	s23 =	simm.s32 $0x1B8B  }
0xa2: {  	_ =	swait.ge [sflag:s23], $0x1  }
0xa3: {  	[sflag:s23] =	ssyncset.done $0x0  }
0xa4: {  	s25 =	simm.s32 $0x1B8E;
	s24 =	sld [smem:$0x3FFE];
	[sflag:s23] =	ssyncadd.s32 $0xFFFFFFFF  }
0xa5: {  	s26 =	simm.s32 $execute0_lowered;
	[smem:$0x3FD2] =	sst s25  }
0xa6: {  	s4 =	sshll.u32 s26, $0x1;
	_ =	strace $0x80000046;
	[dreg:$0x1] =	wrdreg $0xFFFFFFFF  }
0xa7: {  	s28 =	simm.s32 $_size_execute0_lowered;
	s2 =	sadd.s32 s2, s4;
	[dreg:$0x0] =	wrdreg $0x0  }
0xa8: {  	s4 =	sshll.u32 s28, $0x1;
	[dreg:$0x2] =	wrdreg s2  }
0xa9: {  	[dreg:$0x3] =	wrdreg s4  }
0xaa: {  	[dreg:$0x4] =	wrdreg $0xC0  }
0xab: {  	_ =	task [dreg:s6], $0x5FFFF  }
0xac: {  	[dreg:$0x1] =	wrdreg $0xFFFFFFFF  }
0xad: {  	[dreg:$0x0] =	wrdreg $0x60  }
0xae: {  	[dreg:$0x2] =	wrdreg s24  }
0xaf: {  	[dreg:$0x3] =	wrdreg $0x9  }
0xb0: {  	_ =	task.clear_ibuf [dreg:s6], $0x4FFFF;
	_ =	strace $0x90000046  }
0xb1: {  	s29 =	simm.s32 $0x9;
	_ =	strace $0x80000048  }
0xb2: {  	_ =	swait.ge [sflag:s29], $0x1  }
0xb3: {  	[sflag:s29] =	ssyncadd.s32 $0xFFFFFFFF  }
0xb4: {  	_ =	strace $0x90000048  }
0xb5: {  	_ =	sfence  }
0xb6: {  	s30 =	sld [smem:$0x0];
	_ =	sdelay $0x2  }
0xb7: {  	s31 =	sshll.u32 s1, $0xD;
	s1 =	sshrl.u32 s1, $0x2  }
0xb8: {  	s3 =	sand.u32 $0x4000, s31;
	s1 =	sadd.s32 s1, s30  }
0xb9: {  	s0 =	sor.u32 s3, s0;
	s1 =	sshll.u32 s1, $0x11  }
0xba: {  	s0 =	sor.u32 s1, s0  }
0xbb: {  	s0 =	sadd.s32 $0x8F2B, s0  }
0xbc: {  	[sflag:s0] =	ssyncadd.remote.s32 $0x1  }
0xbd: {  	_ =	sfence.sel $0xFFFF  }
0xbe: {  	[dreg:$0x0] =	wrdreg $0xFFFFFFFF;
	(pc) =	sbr.abs _section_cstart, $3  }
0xbf: {  	[dreg:$0x1] =	wrdreg $0xFFFFFFFF  }
0xc0: {  	_ =	task.clear_ibuf [dreg:s6], $0x2FFFF;
	_ =	strace $0x9FFFFFFF  }
0xc1: {  	(tm) =	ssettm $0x7FFFFFFF  }
tec
execute0_lowered:
.L_overlay_start_1:
0x0: {  	(tag) =	ssettag $0x1  }
0x1: {  	s4 =	rddreg [dreg:$0x0]  }
0x2: {  	s2 =	srdreg.scid;
	s1 =	stileid.u32  }
0x3: {  	s0 =	rddreg [dreg:$0x1];
	s10 =	simm.s32 $0x2800;
	s11 =	simm.s32 $0x4F80  }
0x4: {  	s12 =	simm.s32 $0x7700;
	s13 =	simm.s32 $0x9F00;
	s14 =	simm.s32 $0x80  }
0x5: {  	s15 =	simm.s32 $0x400;
	s16 =	simm.s32 $0x0;
	s5 =	sand.u32 $0x1, s2  }
0x6: {  	s3 =	sshll.u32 s1, $0x1;
	s2 =	simm.s32 $0x0;
	s6 =	sshrl.u32 s1, $0x2  }
0x7: {  	s3 =	sor.u32 s5, s3;
	[smem:$0x7FF] =	sst s2;
	s6 =	smul.u32 $0x14000, s6  }
0x8: {  	s5 =	ssub.s32 $0x2, s5;
	s7 =	sshll.u32 s3, $0x7;
	s8 =	smul.u32 $0x580, s3  }
0x9: {  	_ =	strace $0x80000047;
	s3 =	sadd.s32 $0x5400, s4;
	s7 =	sand.u32 $0x380, s7  }
0xa: {  	s31 =	sshrl.u32 s5, $0x1;
	s6 =	sor.u32 s6, s7;
	s30 =	sadd.s32 s8, s4  }
0xb: {  	s8 =	ssub.s32 s5, s31;
	s6 =	sshrl.u32 s6, $0x3;
	s5 =	sadd.s32 $0x10A00, s30  }
0xc: {  	s8 =	smax.u32 s8, $0x1;
	s9 =	sadd.s32 s6, s4;
	s4 =	sadd.s32 $0x5A00, s30  }
0xd: {  	v0 =	vimm.f32 $0.0e+00;
	s6 =	sadd.s32 $0x1BA00, s9;
	s7 =	sadd.s32 $0x25A00, s9;
	s9 =	simm.s32 $0x1  }
.LBB2_1:
0xe: {  	[tilespmem:s2], [sflag:$0x1] =	stream.linear.gather [hbm4b:s3+s2], $0x2800, $0x38;
	[tilespmem:$0xC700] =	vst v63  }
0xf: {  	_ =	swait.ge [sflag:s9], $0x2800  }
0x10: {  	[sflag:s9] =	ssyncset.done $0x0  }
0x11: {  	[sflag:s9] =	ssyncadd.s32 $0xFFFFD800  }
0x12: {  	[tilespmem:s10], [sflag:$0x1] =	stream.linear.gather [hbm4b:s4+s2], $0x2780, $0x38;
	[tilespmem:$0xC700] =	vst v63  }
0x13: {  	_ =	swait.ge [sflag:s9], $0x2780  }
0x14: {  	[sflag:s9] =	ssyncset.done $0x0  }
0x15: {  	[sflag:s9] =	ssyncadd.s32 $0xFFFFD880  }
0x16: {  	[tilespmem:s11], [sflag:$0x1] =	stream.linear.gather [hbm4b:s5+s2], $0x2780, $0x38;
	[tilespmem:$0xC700] =	vst v63  }
0x17: {  	_ =	swait.ge [sflag:s9], $0x2780  }
0x18: {  	[sflag:s9] =	ssyncset.done $0x0  }
0x19: {  	s17 =	simm.s32 $0x0;
	[sflag:s9] =	ssyncadd.s32 $0xFFFFD880  }
.LBB2_2:
0x1a: {  	p0 =	sne.s32 s17, $0x9FC0  }
.Ltmp0:
0x1b: {  	_ = 	snop;
	(pc) =	sbr.rel @p0 .LBB2_2-.Ltmp0, $4  }
0x1c: {  	_ = 	snop  }
0x1d: {  	s18 =	sshra.s32 s17, $0x2  }
0x1e: {  	[tilespmem:s18+$0x7700] =	vst v0  }
0x1f: {  	s17 =	sadd.s32 $0x40, s17;
	[tilespmem:s18+$0x9F00] =	vst v0  }
0x20: {  	s17 =	simm.s32 $0x0  }
0x21: {  	v2 =	vld [tilespmem:s17+$0x2800]  }
0x22: {  	v1 =	vld [tilespmem:s17+$0x4F80];
	s17 =	simm.s32 $0x40  }
.LBB2_4:
0x23: {  	p0 =	sne.s32 s17, $0x9DC0;
	_ =	sdelay $0x5  }
0x24: {  	v3 =	vld.idx.msk [tilespmem:v2+s2+$0x0], $0xffff  }
0x25: {  	v4 =	vld.idx.msk [tilespmem:v1+s2+$0x0], $0xffff;
	_ =	sdelay $0x5  }
0x26: {  	v3 =	vmul.f32 v4, v3  }
.Ltmp1:
0x27: {  	(pc) =	sbr.rel @p0 .LBB2_4-.Ltmp1, $4  }
0x28: {  	[tilespmem:v2+s12+$0x0] =	vst.idx.add.f32.msk $0xffff, v3  }
0x29: {  	s18 =	sshra.s32 s17, $0x2;
	[tilespmem:v1+s13+$0x0] =	vst.idx.add.f32.msk $0xffff, v3  }
0x2a: {  	v2 =	vld [tilespmem:s18+$0x2800]  }
0x2b: {  	s17 =	sadd.s32 $0x40, s17;
	v1 =	vld [tilespmem:s18+$0x4F80]  }
0x2c: {  	_ =	sdelay $0x6  }
0x2d: {  	v3 =	vld.idx.msk [tilespmem:v2+s2+$0x0], $0xffff  }
0x2e: {  	v4 =	vld.idx.msk [tilespmem:v1+s2+$0x0], $0xffff;
	_ =	sdelay $0x4  }
0x2f: {  	v3 =	vmul.f32 v4, v3;
	_ =	sdelay $0x1  }
0x30: {  	[tilespmem:v2+s12+$0x0] =	vst.idx.add.f32.msk $0xffff, v3  }
0x31: {  	[tilespmem:v1+s13+$0x0] =	vst.idx.add.f32.msk $0xffff, v3  }
0x32: {  	[hbm4b:s6+s14] =	stream.strided.scatter [tilespmem:s12], [sflag:$0x1], $0x2800, s15, s14, $0x38;
	[tilespmem:$0xC700] =	vst v63  }
0x33: {  	s16 =	sadd.s32 $0x1, s16;
	_ =	swait.ge [sflag:s9], $0x2800  }
0x34: {  	p0 =	sne.s32 s16, s8;
	[sflag:s9] =	ssyncset.done $0x0  }
.Ltmp2:
0x35: {  	[sflag:s9] =	ssyncadd.s32 $0xFFFFD800;
	(pc) =	sbr.rel @p0 .LBB2_1-.Ltmp2, $4  }
0x36: {  	[hbm4b:s7+s14] =	stream.strided.scatter [tilespmem:s13], [sflag:$0x1], $0x2800, s15, s14, $0x38;
	[tilespmem:$0xC700] =	vst v63  }
0x37: {  	_ =	swait.ge [sflag:s9], $0x2800  }
0x38: {  	[sflag:s9] =	ssyncset.done $0x0  }
0x39: {  	[sflag:s9] =	ssyncadd.s32 $0xFFFFD800  }
0x3a: {  	_ =	sfence.sel $0x180000  }
0x3b: {  	[bflag:$0x0] =	sbarrier.arrive $0xFFFF  }
0x3c: {  	p0 =	sne.s32 s1, $0x0;
	_ =	strace $0x90000047  }
0x3d: {  	s0 =	sadd.s32 @!p0 $0x100000, s0;
	[bflag:$0x2] =	sbarrier.arrive $0xFFFF  }
0x3e: {  	[sflag:s0] =	ssyncadd.tile.s32 @!p0 $0x1;
	_ =	shalt  }
.Lfunc_end2:
_tile_overlayer_lowered:
.L_overlay_start_2:
0x3f: {  	(tag) =	ssettag $0x2  }
0x40: {  	s0 =	rddreg [dreg:$0x0];
	s2 =	stileid.u32  }
0x41: {  	s1 =	rddreg [dreg:$0x1];
	p0 =	sne.s32 s2, $0x0  }
0x42: {  	s3 =	rddreg [dreg:$0x2];
	[bflag:$0x3] =	sbarrier.arrive $0xFFFF;
	s2 =	simm.s32 @!p0 $0x1C01  }
0x43: {  	[timem:s3], [sflag:s2] =	dma.local @!p0 [hbm:s0], s1  }
0x44: {  	s0 =	simm.s32 @!p0 $0x1  }
0x45: {  	_ =	swait.ge @!p0 [sflag:s0], s1  }
0x46: {  	s1 =	ssub.s32 @!p0 $0x0, s1;
	[sflag:s0] =	ssyncset.done @!p0 $0x0  }
0x47: {  	[sflag:s0] =	ssyncadd.s32 @!p0 s1  }
0x48: {  	[bflag:$0x3] =	sbarrier.arrive $0xFFFF  }
0x49: {  	_ =	shalt  }

// kernel: kernel.22.cloned.1.call-start
scs
__scs_entry_jumppad:
0x0: {  	(pc) =	sbr.rel $0x88, $3  }
0x1: {  	(tag) =	ssettag $0x0;
	lr =	simm.s32 $0x1  }
0x2: {  	[smem:$0x3F97] =	sst lr;
	_ =	strace $0xD0000000  }
0x3: {  	_ = 	snop  }
0x4: {  	_ = 	snop  }
0x5: {  	_ = 	snop  }
0x6: {  	_ = 	snop  }
0x7: {  	_ = 	snop  }
__scs_overlays_trampoline_lowered:
0x8: {  	[smem:$0x3FA6] =	sst s0  }
0x9: {  	[smem:$0x3FA7] =	sst s1  }
0xa: {  	[smem:$0x3FA8] =	sst s2  }
0xb: {  	[smem:$0x3FA9] =	sst s3  }
0xc: {  	[smem:$0x3FAA] =	sst s4  }
0xd: {  	[smem:$0x3FAB] =	sst s5  }
0xe: {  	[smem:$0x3FAC] =	sst s6  }
0xf: {  	[smem:$0x3FAD] =	sst s7  }
0x10: {  	[smem:$0x3FAE] =	sst s8  }
0x11: {  	[smem:$0x3FAF] =	sst s9;
	s0 =	simm.s32 @!p0 $0x0  }
0x12: {  	s1 =	sld [smem:$0x3F95];
	s0 =	simm.s32 @p0 $0x1  }
0x13: {  	[smem:$0x3FB0] =	sst s0;
	s0 =	simm.s32 @!p1 $0x0  }
0x14: {  	s2 =	sld [smem:$0x3F94];
	s0 =	simm.s32 @p1 $0x1  }
0x15: {  	[smem:$0x3FB1] =	sst s0;
	s0 =	simm.s32 @!p2 $0x0  }
0x16: {  	s3 =	sld [smem:$0x3FDB];
	s0 =	simm.s32 @p2 $0x1  }
0x17: {  	s4 =	simm.s32 $0x1BF5;
	[smem:$0x3FB3] =	sst s0  }
0x18: {  	s0 =	sld [smem:$0x3F96];
	_ =	swait.ge [sflag:s4], $0x0  }
0x19: {  	s7 =	sld [smem:$0x3F97]  }
0x1a: {  	s8 =	sadd.s32 $0xFFFFE003, lr  }
0x1b: {  	s9 =	sadd.s32 $0xFFFFFEF7, lr;
	s5 =	simm.s32 $0xFFFFFFFF;
	p2 =	slt.u32 s8, $0xFFFFF086  }
0x1c: {  	p1 =	slt.u32 s9, $0xF7A;
	s5 =	simm.s32 @!p2 $0x0  }
0x1d: {  	s5 =	simm.s32 @p1 $0x1;
	p0 =	seq.s32 s7, s2  }
0x1e: {  	s7 =	smul.u32 @!p0 $0xF7A, s2;
	p2 =	seq.s32 @!p0 s5, $0x0  }
0x1f: {  	s9 =	smul.u32 $0xF7A, s1;
	s8 =	simm.s32 @!p0 $0x1BF5;
	p2 =	por !p2, p0  }
0x20: {  	[sflag:s8] =	ssyncset.s32 @!p0 $0xFFFFF086;
	s6 =	sadd.s32 @!p0 s3, s7;
	s7 =	simm.s32 @!p0 $0x108  }
0x21: {  	s3 =	sadd.s32 s3, s9;
	s6 =	sadd.s32 @!p0 $0x88, s6;
	s7 =	simm.s32 @p2 $0x1082  }
0x22: {  	[simem:s7], [sflag:s8] =	dma.local @!p0 [hbm:s6], $0xF7A  }
0x23: {  	s9 =	sor.u32 $0xD0000000, s2;
	s6 =	simm.s32 $0x108;
	_ =	swait.ge @!p0 [sflag:s8], $0x0  }
0x24: {  	s3 =	sadd.s32 $0x88, s3;
	s6 =	simm.s32 @!p1 $0x1082;
	[sflag:s4] =	ssyncset.s32 $0xFFFFF086  }
0x25: {  	[simem:s6], [sflag:s4] =	dma.local [hbm:s3], $0xF7A  }
0x26: {  	[smem:$0x3F97] =	sst s1;
	(tag) =	ssettag s2;
	_ =	strace s9  }
0x27: {  	s1 =	sld [smem:$0x3FA7]  }
0x28: {  	s2 =	sld [smem:$0x3FA8]  }
0x29: {  	s4 =	sld [smem:$0x3FAA]  }
0x2a: {  	p0 =	seq.s32 s5, $0x0;
	s5 =	sld [smem:$0x3FAB]  }
0x2b: {  	s6 =	sld [smem:$0x3FAC]  }
0x2c: {  	s7 =	sld [smem:$0x3FAD]  }
0x2d: {  	s3 =	simm.s32 $0x108;
	s8 =	sld [smem:$0x3FAE]  }
0x2e: {  	s3 =	simm.s32 @!p0 $0x1082;
	s9 =	sld [smem:$0x3FAF]  }
0x2f: {  	lr =	sadd.s32 s0, s3;
	s0 =	sld [smem:$0x3FA6]  }
0x30: {  	s3 =	sld [smem:$0x3FA9]  }
0x31: {  	[smem:$0x3FB2] =	sst s10  }
0x32: {  	s10 =	sld [smem:$0x3FB0];
	_ =	sdelay $0x3  }
0x33: {  	p0 =	seq.s32 s10, $0x1;
	s10 =	sld [smem:$0x3FB2];
	_ =	sdelay $0x3  }
0x34: {  	[smem:$0x3FB2] =	sst s10  }
0x35: {  	s10 =	sld [smem:$0x3FB1];
	_ =	sdelay $0x3  }
0x36: {  	p1 =	seq.s32 s10, $0x1;
	s10 =	sld [smem:$0x3FB2];
	_ =	sdelay $0x3  }
0x37: {  	[smem:$0x3FB2] =	sst s10  }
0x38: {  	s10 =	sld [smem:$0x3FB3]  }
0x39: {  	_ = 	snop;
	(pc) =	sbr.ind lr, $3  }
0x3a: {  	_ = 	snop  }
0x3b: {  	_ = 	snop  }
0x3c: {  	p2 =	seq.s32 s10, $0x1;
	s10 =	sld [smem:$0x3FB2]  }
0x3d: {  	_ =	shalt  }
0x3e: {  	_ =	shalt  }
0x3f: {  	_ =	shalt  }
0x40: {  	_ =	shalt  }
0x41: {  	_ =	shalt  }
0x42: {  	_ =	shalt  }
0x43: {  	_ =	shalt  }
0x44: {  	_ =	shalt  }
0x45: {  	_ =	shalt  }
0x46: {  	_ =	shalt  }
0x47: {  	_ =	shalt  }
0x48: {  	_ =	shalt  }
0x49: {  	_ =	shalt  }
0x4a: {  	_ =	shalt  }
0x4b: {  	_ =	shalt  }
0x4c: {  	_ =	shalt  }
0x4d: {  	_ =	shalt  }
0x4e: {  	_ =	shalt  }
0x4f: {  	_ =	shalt  }
0x50: {  	_ =	shalt  }
0x51: {  	_ =	shalt  }
0x52: {  	_ =	shalt  }
0x53: {  	_ =	shalt  }
0x54: {  	_ =	shalt  }
0x55: {  	_ =	shalt  }
0x56: {  	_ =	shalt  }
0x57: {  	_ =	shalt  }
0x58: {  	_ =	shalt  }
0x59: {  	_ =	shalt  }
0x5a: {  	_ =	shalt  }
0x5b: {  	_ =	shalt  }
0x5c: {  	_ =	shalt  }
0x5d: {  	_ =	shalt  }
0x5e: {  	_ =	shalt  }
0x5f: {  	_ =	shalt  }
0x60: {  	_ =	shalt  }
0x61: {  	_ =	shalt  }
0x62: {  	_ =	shalt  }
0x63: {  	_ =	shalt  }
0x64: {  	_ =	shalt  }
0x65: {  	_ =	shalt  }
0x66: {  	_ =	shalt  }
0x67: {  	_ =	shalt  }
0x68: {  	_ =	shalt  }
0x69: {  	_ =	shalt  }
0x6a: {  	_ =	shalt  }
0x6b: {  	_ =	shalt  }
0x6c: {  	_ =	shalt  }
0x6d: {  	_ =	shalt  }
0x6e: {  	_ =	shalt  }
0x6f: {  	_ =	shalt  }
0x70: {  	_ =	shalt  }
0x71: {  	_ =	shalt  }
0x72: {  	_ =	shalt  }
0x73: {  	_ =	shalt  }
0x74: {  	_ =	shalt  }
0x75: {  	_ =	shalt  }
0x76: {  	_ =	shalt  }
0x77: {  	_ =	shalt  }
0x78: {  	_ =	shalt  }
0x79: {  	_ =	shalt  }
0x7a: {  	_ =	shalt  }
0x7b: {  	_ =	shalt  }
0x7c: {  	_ =	shalt  }
0x7d: {  	_ =	shalt  }
0x7e: {  	_ =	shalt  }
0x7f: {  	_ =	shalt  }
0x80: {  	_ =	shalt  }
0x81: {  	_ =	shalt  }
0x82: {  	_ =	shalt  }
0x83: {  	_ =	shalt  }
0x84: {  	_ =	shalt  }
0x85: {  	_ =	shalt  }
0x86: {  	_ =	shalt  }
0x87: {  	_ =	shalt  }
.Lfunc_end0:
.L_simem_size_0:
called_computation.1_lowered:
.L_overlay_start_0:
0x88: {  	s2 =	sld [smem:$0x3FD9]  }
0x89: {  	s3 =	sld [smem:$0x3FFE];
	_ =	sdelay $0x1  }
0x8a: {  	s1 =	srdreg.scid  }
0x8b: {  	s0 =	sand.u32 $0x1, s1  }
0x8c: {  	s16 =	sshll.u32 s0, $0xA;
	s2 =	sadd.s32 s3, s2  }
0x8d: {  	s2 =	sadd.s32 s2, s16  }
0x8e: {  	[smem:$0x3FBE] =	sst s2  }
0x8f: {  	_ = 	snop  }
0x90: {  	(tm) =	ssettm $0x1  }
0x91: {  	s17 =	sld [smem:$0x3FFB];
	_ =	sdelay $0x3  }
0x92: {  	_ =	strace s17  }
0x93: {  	s2 =	sld [smem:$0x3FFC];
	_ =	sdelay $0x3  }
0x94: {  	_ =	strace s2  }
0x95: {  	s2 =	sld [smem:$0x3FFD];
	_ =	sdelay $0x3  }
0x96: {  	_ =	strace s2  }
0x97: {  	_ =	strace $0x8FFFFFFF  }
0x98: {  	s18 =	sld [smem:$0x3FDB];
	_ =	sdelay $0x1  }
0x99: {  	s19 =	simm.s32 $_scs_section_size  }
0x9a: {  	s4 =	simm.s32 $_size__tile_overlayer_lowered;
	s5 =	simm.s32 $_tile_overlayer_lowered  }
0x9b: {  	s22 =	simm.s32 $0x1BFF;
	s21 =	sshll.u32 s5, $0x1;
	s2 =	sadd.s32 s19, s18  }
0x9c: {  	s6 =	simm.s32 $0x0;
	s20 =	sshll.u32 s4, $0x1;
	s4 =	sadd.s32 s21, s2  }
0x9d: {  	[timem:s6], [sflag:s22] =	dma.local [hbm:s4], s20  }
0x9e: {  	_ =	swait.ge [sflag:s22], s20  }
0x9f: {  	s3 =	ssub.s32 $0x0, s20;
	[sflag:s22] =	ssyncset.done $0x0  }
0xa0: {  	[sflag:s22] =	ssyncadd.s32 s3;
	_ =	sdelay $0x1  }
0xa1: {  	s23 =	simm.s32 $0x1B8B  }
0xa2: {  	_ =	swait.ge [sflag:s23], $0x1  }
0xa3: {  	[sflag:s23] =	ssyncset.done $0x0  }
0xa4: {  	s25 =	simm.s32 $0x1B8E;
	s24 =	sld [smem:$0x3FFE];
	[sflag:s23] =	ssyncadd.s32 $0xFFFFFFFF  }
0xa5: {  	s26 =	simm.s32 $execute0_lowered;
	[smem:$0x3FD2] =	sst s25  }
0xa6: {  	s4 =	sshll.u32 s26, $0x1;
	_ =	strace $0x80000049;
	[dreg:$0x1] =	wrdreg $0xFFFFFFFF  }
0xa7: {  	s28 =	simm.s32 $_size_execute0_lowered;
	s2 =	sadd.s32 s2, s4;
	[dreg:$0x0] =	wrdreg $0x0  }
0xa8: {  	s4 =	sshll.u32 s28, $0x1;
	[dreg:$0x2] =	wrdreg s2  }
0xa9: {  	[dreg:$0x3] =	wrdreg s4  }
0xaa: {  	[dreg:$0x4] =	wrdreg $0xC0  }
0xab: {  	_ =	task [dreg:s6], $0x5FFFF  }
0xac: {  	[dreg:$0x1] =	wrdreg $0xFFFFFFFF  }
0xad: {  	[dreg:$0x0] =	wrdreg $0x60  }
0xae: {  	[dreg:$0x2] =	wrdreg s24  }
0xaf: {  	[dreg:$0x3] =	wrdreg $0xA9000  }
0xb0: {  	[dreg:$0x4] =	wrdreg $0x9  }
0xb1: {  	_ =	task.clear_ibuf [dreg:s6], $0x5FFFF;
	_ =	strace $0x90000049  }
0xb2: {  	s29 =	simm.s32 $0x9;
	_ =	strace $0x8000004B  }
0xb3: {  	_ =	swait.ge [sflag:s29], $0x1  }
0xb4: {  	[sflag:s29] =	ssyncadd.s32 $0xFFFFFFFF  }
0xb5: {  	_ =	strace $0x9000004B  }
0xb6: {  	_ =	sfence  }
0xb7: {  	s30 =	sld [smem:$0x0];
	_ =	sdelay $0x2  }
0xb8: {  	s31 =	sshll.u32 s1, $0xD;
	s1 =	sshrl.u32 s1, $0x2  }
0xb9: {  	s3 =	sand.u32 $0x4000, s31;
	s1 =	sadd.s32 s1, s30  }
0xba: {  	s0 =	sor.u32 s3, s0;
	s1 =	sshll.u32 s1, $0x11  }
0xbb: {  	s0 =	sor.u32 s1, s0  }
0xbc: {  	s0 =	sadd.s32 $0x8F2B, s0  }
0xbd: {  	[sflag:s0] =	ssyncadd.remote.s32 $0x1  }
0xbe: {  	_ =	sfence.sel $0xFFFF  }
0xbf: {  	[dreg:$0x0] =	wrdreg $0xFFFFFFFF;
	(pc) =	sbr.abs _section_cstart, $3  }
0xc0: {  	[dreg:$0x1] =	wrdreg $0xFFFFFFFF  }
0xc1: {  	_ =	task.clear_ibuf [dreg:s6], $0x2FFFF;
	_ =	strace $0x9FFFFFFF  }
0xc2: {  	(tm) =	ssettm $0x7FFFFFFF  }
0xc3: {  	_ =	shalt  }
tec
execute0_lowered:
.L_overlay_start_1:
0x0: {  	(tag) =	ssettag $0x1  }
0x1: {  	s1 =	srdreg.scid;
	s6 =	rddreg [dreg:$0x0]  }
0x2: {  	s0 =	stileid.u32;
	s2 =	rddreg [dreg:$0x1];
	s3 =	simm.s32 $0x0  }
0x3: {  	s17 =	simm.s32 $0x2800;
	s18 =	simm.s32 $0x2900;
	s19 =	simm.s32 $0x1  }
0x4: {  	s20 =	simm.s32 $0x2880;
	s21 =	simm.s32 $0x3;
	s22 =	simm.s32 $0x80  }
0x5: {  	s28 =	simm.s32 $0x2700;
	s29 =	simm.s32 $0x0;
	s10 =	smul.u32 $0x14000, s0  }
0x6: {  	s7 =	sand.u32 $0x1, s1;
	s23 =	sshll.u32 s0, $0x1;
	s12 =	smul.u32 $0x50000, s0  }
0x7: {  	[smem:$0x7FF] =	sst s3;
	s4 =	sadd.s32 $0x3AA00, s6;
	s25 =	smul.u32 $0x5800, s0  }
0x8: {  	s13 =	sadd.s32 $0x5A00, s6;
	s31 =	sshll.u32 s0, $0x6;
	s9 =	smul.u32 $0x140000, s7  }
0x9: {  	s8 =	sor.u32 s7, s23;
	_ =	strace $0x8000004A;
	s15 =	smul.u32 $0x2C00, s7  }
0xa: {  	s24 =	ssub.s32 $0x2, s7;
	s23 =	simm.s32 $0x6900;
	s5 =	smul.u32 $0x580, s8  }
0xb: {  	s14 =	sshrl.u32 s24, $0x1;
	s8 =	smul.u32 $0x2C00, s8;
	s12 =	sshrl.u32 s12, $0x2  }
0xc: {  	s9 =	sadd.s32 s10, s9;
	s10 =	ssub.s32 s24, s14;
	s16 =	sadd.s32 s12, s2  }
0xd: {  	s26 =	sadd.s32 s15, s25;
	s15 =	sor.u32 $0x1C04, s31;
	s24 =	simm.s32 $0x2  }
0xe: {  	s25 =	simm.s32 $0x2600;
	s11 =	sadd.s32 s5, s6;
	s5 =	sadd.s32 $0x1BA00, s6  }
0xf: {  	s9 =	sshrl.u32 s9, $0x3;
	s8 =	sshrl.u32 s8, $0x3;
	s10 =	smax.u32 s10, $0x1  }
0x10: {  	s30 =	sor.u32 $0x180, s26;
	s14 =	sor.u32 $0x100, s26;
	s16 =	sshrl.u32 s16, $0x3  }
0x11: {  	s26 =	simm.s32 $0x2680;
	s9 =	sadd.s32 s9, s6;
	s6 =	sadd.s32 $0x2FA00, s11  }
0x12: {  	s7 =	sadd.s32 s13, s8;
	s12 =	sshrl.u32 s30, $0x3;
	s14 =	sshrl.u32 s14, $0x3  }
0x13: {  	s8 =	sadd.s32 $0x10, s7;
	s9 =	sadd.s32 $0x62A00, s9;
	s11 =	sadd.s32 $0x4E0, s7  }
0x14: {  	s12 =	sadd.s32 s12, s13;
	s13 =	sadd.s32 s14, s13;
	s14 =	simm.s32 $0x4  }
.LBB2_1:
0x15: {  	[tilespmem:s3], [sflag:$0x4] =	stream.linear.gather [hbm4b:s6+s3], $0x2800, $0x38;
	[tilespmem:$0x1E900] =	vst v63  }
0x16: {  	_ =	swait.ge [sflag:s14], $0x2800  }
0x17: {  	[sflag:s14] =	ssyncset.done $0x0  }
0x18: {  	[sflag:s14] =	ssyncadd.s32 $0xFFFFD800  }
0x19: {  	[spmem:s16], [sflag:s15] =	dma.local [hbm:s5], $0x2800  }
0x1a: {  	_ =	swait.ge [sflag:s14], $0x2800  }
0x1b: {  	[sflag:s14] =	ssyncset.done $0x0  }
0x1c: {  	[sflag:s14] =	ssyncadd.s32 $0xFFFFD800  }
0x1d: {  	[bflag:$0x0] =	sbarrier.arrive $0xFFFF  }
0x1e: {  	[tilespmem:s17], [sflag:$0x4] =	stream.linear.gather [hbm4b:s7+s3], $0x80, $0x38;
	[tilespmem:$0x1E900] =	vst v63  }
0x1f: {  	_ =	swait.ge [sflag:s14], $0x80  }
0x20: {  	[sflag:s14] =	ssyncset.done $0x0  }
0x21: {  	[sflag:s14] =	ssyncadd.s32 $0xFFFFFF80  }
0x22: {  	[tilespmem:s18], [sflag:$0x1] =	stream.indirect.gather [hbm4b:s4+s22], $0x80, s17, s22, $0xb8;
	[tilespmem:$0x1E900] =	vst v63  }
0x23: {  	_ =	swait.ge [sflag:s19], $0x4000  }
0x24: {  	[sflag:s19] =	ssyncset.done $0x0  }
0x25: {  	[sflag:s19] =	ssyncadd.s32 $0xFFFFC000  }
0x26: {  	[tilespmem:s20], [sflag:$0x3] =	stream.linear.gather [hbm4b:s8+s3], $0x80, $0x38;
	[tilespmem:$0x1E900] =	vst v63  }
0x27: {  	_ =	swait.ge [sflag:s21], $0x80  }
0x28: {  	[sflag:s21] =	ssyncset.done $0x0  }
0x29: {  	[sflag:s21] =	ssyncadd.s32 $0xFFFFFF80  }
0x2a: {  	[tilespmem:s23], [sflag:$0x1] =	stream.indirect.gather [hbm4b:s4+s22], $0x80, s20, s22, $0xb8;
	[tilespmem:$0x1E900] =	vst v63  }
0x2b: {  	s30 =	sadd.s32 $0x0, s13  }
0x2c: {  	[tilespmem:s17], [sflag:$0x3] =	stream.linear.gather [hbm4b:s30+s3], $0x80, $0x38;
	[tilespmem:$0x1E900] =	vst v63  }
0x2d: {  	s30 =	simm.s32 $0x0  }
0x2e: {  	[spmem:s2] =	stream.indirect.scatter.add.f32 [tilespmem:s18], [sflag:$0x2], $0x80, s30, s22, $0xb8;
	[tilespmem:$0x1E900] =	vst v63  }
0x2f: {  	_ =	swait.ge [sflag:s24], $0x4000  }
0x30: {  	[sflag:s24] =	ssyncset.done $0x0  }
0x31: {  	[sflag:s24] =	ssyncadd.s32 $0xFFFFC000  }
0x32: {  	_ =	swait.ge [sflag:s19], $0x4000  }
0x33: {  	[sflag:s19] =	ssyncset.done $0x0  }
0x34: {  	[sflag:s19] =	ssyncadd.s32 $0xFFFFC000  }
0x35: {  	_ =	swait.ge [sflag:s21], $0x80  }
0x36: {  	[sflag:s21] =	ssyncset.done $0x0  }
0x37: {  	[sflag:s21] =	ssyncadd.s32 $0xFFFFFF80  }
0x38: {  	[tilespmem:s18], [sflag:$0x1] =	stream.indirect.gather [hbm4b:s4+s22], $0x80, s17, s22, $0xb8;
	[tilespmem:$0x1E900] =	vst v63  }
0x39: {  	s30 =	sadd.s32 $0x0, s12  }
0x3a: {  	[tilespmem:s20], [sflag:$0x3] =	stream.linear.gather [hbm4b:s30+s3], $0x80, $0x38;
	[tilespmem:$0x1E900] =	vst v63  }
0x3b: {  	_ = 	snop  }
0x3c: {  	[spmem:s2] =	stream.indirect.scatter.add.f32 [tilespmem:s23], [sflag:$0x2], $0x80, s22, s22, $0xb8;
	[tilespmem:$0x1E900] =	vst v63  }
0x3d: {  	_ =	swait.ge [sflag:s24], $0x4000  }
0x3e: {  	[sflag:s24] =	ssyncset.done $0x0  }
0x3f: {  	[sflag:s24] =	ssyncadd.s32 $0xFFFFC000  }
0x40: {  	_ =	swait.ge [sflag:s19], $0x4000  }
0x41: {  	s31 =	simm.s32 $0x80;
	s30 =	simm.s32 $0x20;
	[sflag:s19] =	ssyncset.done $0x0  }
.LBB2_2:
0x42: {  	p0 =	sne.s32 s30, $0x4A0;
	[sflag:s19] =	ssyncadd.s32 $0xFFFFC000;
	s31 =	sadd.s32 $0x100, s31  }
0x43: {  	s1 =	smov.u32 s30;
	s30 =	sadd.s32 $0x20, s30;
	_ =	swait.ge [sflag:s21], $0x80  }
0x44: {  	[sflag:s21] =	ssyncset.done $0x0  }
0x45: {  	[sflag:s21] =	ssyncadd.s32 $0xFFFFFF80  }
0x46: {  	[tilespmem:s23], [sflag:$0x1] =	stream.indirect.gather [hbm4b:s4+s22], $0x80, s20, s22, $0xb8;
	[tilespmem:$0x1E900] =	vst v63  }
0x47: {  	s0 =	sadd.s32 s1, s13  }
0x48: {  	[tilespmem:s17], [sflag:$0x3] =	stream.linear.gather [hbm4b:s0+s3], $0x80, $0x38;
	[tilespmem:$0x1E900] =	vst v63  }
0x49: {  	s0 =	sadd.s32 $0xFFFFFF80, s31  }
0x4a: {  	[spmem:s2] =	stream.indirect.scatter.add.f32 [tilespmem:s18], [sflag:$0x2], $0x80, s0, s22, $0xb8;
	[tilespmem:$0x1E900] =	vst v63  }
0x4b: {  	_ =	swait.ge [sflag:s24], $0x4000  }
0x4c: {  	[sflag:s24] =	ssyncset.done $0x0  }
0x4d: {  	[sflag:s24] =	ssyncadd.s32 $0xFFFFC000  }
0x4e: {  	_ =	swait.ge [sflag:s19], $0x4000  }
0x4f: {  	[sflag:s19] =	ssyncset.done $0x0  }
0x50: {  	[sflag:s19] =	ssyncadd.s32 $0xFFFFC000  }
0x51: {  	_ =	swait.ge [sflag:s21], $0x80  }
0x52: {  	[sflag:s21] =	ssyncset.done $0x0  }
0x53: {  	[sflag:s21] =	ssyncadd.s32 $0xFFFFFF80  }
0x54: {  	[tilespmem:s18], [sflag:$0x1] =	stream.indirect.gather [hbm4b:s4+s22], $0x80, s17, s22, $0xb8;
	[tilespmem:$0x1E900] =	vst v63  }
0x55: {  	s0 =	sadd.s32 s1, s12  }
0x56: {  	[tilespmem:s20], [sflag:$0x3] =	stream.linear.gather [hbm4b:s0+s3], $0x80, $0x38;
	[tilespmem:$0x1E900] =	vst v63  }
0x57: {  	_ = 	snop  }
0x58: {  	[spmem:s2] =	stream.indirect.scatter.add.f32 [tilespmem:s23], [sflag:$0x2], $0x80, s31, s22, $0xb8;
	[tilespmem:$0x1E900] =	vst v63  }
.Ltmp0:
0x59: {  	_ =	swait.ge [sflag:s24], $0x4000;
	(pc) =	sbr.rel @p0 .LBB2_2-.Ltmp0, $4  }
0x5a: {  	[sflag:s24] =	ssyncset.done $0x0  }
0x5b: {  	[sflag:s24] =	ssyncadd.s32 $0xFFFFC000  }
0x5c: {  	_ =	swait.ge [sflag:s19], $0x4000  }
0x5d: {  	[sflag:s19] =	ssyncset.done $0x0  }
0x5e: {  	[sflag:s19] =	ssyncadd.s32 $0xFFFFC000  }
0x5f: {  	_ =	swait.ge [sflag:s21], $0x80  }
0x60: {  	[sflag:s21] =	ssyncset.done $0x0  }
0x61: {  	[sflag:s21] =	ssyncadd.s32 $0xFFFFFF80  }
0x62: {  	[tilespmem:s23], [sflag:$0x1] =	stream.indirect.gather [hbm4b:s4+s22], $0x80, s20, s22, $0xb8;
	[tilespmem:$0x1E900] =	vst v63  }
0x63: {  	_ = 	snop  }
0x64: {  	[tilespmem:s17], [sflag:$0x3] =	stream.linear.gather [hbm4b:s11+s3], $0x80, $0x38;
	[tilespmem:$0x1E900] =	vst v63  }
0x65: {  	_ = 	snop  }
0x66: {  	[spmem:s2] =	stream.indirect.scatter.add.f32 [tilespmem:s18], [sflag:$0x2], $0x80, s25, s22, $0xb8;
	[tilespmem:$0x1E900] =	vst v63  }
0x67: {  	_ =	swait.ge [sflag:s24], $0x4000  }
0x68: {  	[sflag:s24] =	ssyncset.done $0x0  }
0x69: {  	[sflag:s24] =	ssyncadd.s32 $0xFFFFC000  }
0x6a: {  	_ =	swait.ge [sflag:s19], $0x4000  }
0x6b: {  	[sflag:s19] =	ssyncset.done $0x0  }
0x6c: {  	[sflag:s19] =	ssyncadd.s32 $0xFFFFC000  }
0x6d: {  	_ =	swait.ge [sflag:s21], $0x80  }
0x6e: {  	[sflag:s21] =	ssyncset.done $0x0  }
0x6f: {  	[sflag:s21] =	ssyncadd.s32 $0xFFFFFF80  }
0x70: {  	[tilespmem:s18], [sflag:$0x1] =	stream.indirect.gather [hbm4b:s4+s22], $0x80, s17, s22, $0xb8;
	[tilespmem:$0x1E900] =	vst v63  }
0x71: {  	_ = 	snop  }
0x72: {  	[tilespmem:s20], [sflag:$0x3] =	stream.linear.gather [hbm4b:s7+s3], $0x80, $0x38;
	[tilespmem:$0x1E900] =	vst v63  }
0x73: {  	_ = 	snop  }
0x74: {  	[spmem:s2] =	stream.indirect.scatter.add.f32 [tilespmem:s23], [sflag:$0x2], $0x80, s26, s22, $0xb8;
	[tilespmem:$0x1E900] =	vst v63  }
0x75: {  	_ =	swait.ge [sflag:s24], $0x4000  }
0x76: {  	[sflag:s24] =	ssyncset.done $0x0  }
0x77: {  	[sflag:s24] =	ssyncadd.s32 $0xFFFFC000  }
0x78: {  	_ =	swait.ge [sflag:s19], $0x4000  }
0x79: {  	[sflag:s19] =	ssyncset.done $0x0  }
0x7a: {  	[sflag:s19] =	ssyncadd.s32 $0xFFFFC000  }
0x7b: {  	[spmem:s2] =	stream.indirect.scatter.add.f32 [tilespmem:s18], [sflag:$0x4], $0x80, s28, s22, $0xb8;
	[tilespmem:$0x1E900] =	vst v63  }
0x7c: {  	_ =	swait.ge [sflag:s14], $0x4000  }
0x7d: {  	[sflag:s14] =	ssyncset.done $0x0  }
0x7e: {  	[sflag:s14] =	ssyncadd.s32 $0xFFFFC000  }
0x7f: {  	_ =	swait.ge [sflag:s21], $0x80  }
0x80: {  	s29 =	sadd.s32 $0x1, s29;
	[sflag:s21] =	ssyncset.done $0x0  }
0x81: {  	p0 =	sne.s32 s29, s10;
	[sflag:s21] =	ssyncadd.s32 $0xFFFFFF80  }
.Ltmp1:
0x82: {  	[bflag:$0x0] =	sbarrier.arrive $0xFFFF;
	(pc) =	sbr.rel @p0 .LBB2_1-.Ltmp1, $4  }
0x83: {  	[hbm:s9], [sflag:s15] =	dma.local [spmem:s16], $0x2800  }
0x84: {  	_ =	swait.ge [sflag:s14], $0x2800  }
0x85: {  	[sflag:s14] =	ssyncset.done $0x0  }
0x86: {  	[sflag:s14] =	ssyncadd.s32 $0xFFFFD800  }
0x87: {  	_ =	sfence.sel $0x180000  }
0x88: {  	[bflag:$0x0] =	sbarrier.arrive $0xFFFF  }
0x89: {  	_ =	strace $0x9000004A  }
0x8a: {  	s0 =	stileid.u32;
	[bflag:$0x2] =	sbarrier.arrive $0xFFFF  }
0x8b: {  	p0 =	sne.s32 s0, $0x0;
	s0 =	rddreg [dreg:$0x2]  }
0x8c: {  	s0 =	sadd.s32 @!p0 $0x100000, s0  }
0x8d: {  	[sflag:s0] =	ssyncadd.tile.s32 @!p0 $0x1;
	_ =	shalt  }
.Lfunc_end2:
_tile_overlayer_lowered:
.L_overlay_start_2:
0x8e: {  	(tag) =	ssettag $0x2  }
0x8f: {  	s0 =	rddreg [dreg:$0x0];
	s2 =	stileid.u32  }
0x90: {  	s1 =	rddreg [dreg:$0x1];
	p0 =	sne.s32 s2, $0x0  }
0x91: {  	s3 =	rddreg [dreg:$0x2];
	[bflag:$0x3] =	sbarrier.arrive $0xFFFF;
	s2 =	simm.s32 @!p0 $0x1C04  }
0x92: {  	[timem:s3], [sflag:s2] =	dma.local @!p0 [hbm:s0], s1  }
0x93: {  	s0 =	simm.s32 @!p0 $0x4  }
0x94: {  	_ =	swait.ge @!p0 [sflag:s0], s1  }
0x95: {  	s1 =	ssub.s32 @!p0 $0x0, s1;
	[sflag:s0] =	ssyncset.done @!p0 $0x0  }
0x96: {  	[sflag:s0] =	ssyncadd.s32 @!p0 s1  }
0x97: {  	[bflag:$0x3] =	sbarrier.arrive $0xFFFF  }
0x98: {  	_ =	shalt  }

// kernel: kernel.25.cloned.1.call-start
scs
__scs_entry_jumppad:
0x0: {  	(pc) =	sbr.rel $0x88, $3  }
0x1: {  	(tag) =	ssettag $0x0;
	lr =	simm.s32 $0x1  }
0x2: {  	[smem:$0x3F97] =	sst lr;
	_ =	strace $0xD0000000  }
0x3: {  	_ = 	snop  }
0x4: {  	_ = 	snop  }
0x5: {  	_ = 	snop  }
0x6: {  	_ = 	snop  }
0x7: {  	_ = 	snop  }
__scs_overlays_trampoline_lowered:
0x8: {  	[smem:$0x3FA6] =	sst s0  }
0x9: {  	[smem:$0x3FA7] =	sst s1  }
0xa: {  	[smem:$0x3FA8] =	sst s2  }
0xb: {  	[smem:$0x3FA9] =	sst s3  }
0xc: {  	[smem:$0x3FAA] =	sst s4  }
0xd: {  	[smem:$0x3FAB] =	sst s5  }
0xe: {  	[smem:$0x3FAC] =	sst s6  }
0xf: {  	[smem:$0x3FAD] =	sst s7  }
0x10: {  	[smem:$0x3FAE] =	sst s8  }
0x11: {  	[smem:$0x3FAF] =	sst s9;
	s0 =	simm.s32 @!p0 $0x0  }
0x12: {  	s1 =	sld [smem:$0x3F95];
	s0 =	simm.s32 @p0 $0x1  }
0x13: {  	[smem:$0x3FB0] =	sst s0;
	s0 =	simm.s32 @!p1 $0x0  }
0x14: {  	s2 =	sld [smem:$0x3F94];
	s0 =	simm.s32 @p1 $0x1  }
0x15: {  	[smem:$0x3FB1] =	sst s0;
	s0 =	simm.s32 @!p2 $0x0  }
0x16: {  	s3 =	sld [smem:$0x3FDB];
	s0 =	simm.s32 @p2 $0x1  }
0x17: {  	s4 =	simm.s32 $0x1BF5;
	[smem:$0x3FB3] =	sst s0  }
0x18: {  	s0 =	sld [smem:$0x3F96];
	_ =	swait.ge [sflag:s4], $0x0  }
0x19: {  	s7 =	sld [smem:$0x3F97]  }
0x1a: {  	s8 =	sadd.s32 $0xFFFFE003, lr  }
0x1b: {  	s9 =	sadd.s32 $0xFFFFFEF7, lr;
	s5 =	simm.s32 $0xFFFFFFFF;
	p2 =	slt.u32 s8, $0xFFFFF086  }
0x1c: {  	p1 =	slt.u32 s9, $0xF7A;
	s5 =	simm.s32 @!p2 $0x0  }
0x1d: {  	s5 =	simm.s32 @p1 $0x1;
	p0 =	seq.s32 s7, s2  }
0x1e: {  	s7 =	smul.u32 @!p0 $0xF7A, s2;
	p2 =	seq.s32 @!p0 s5, $0x0  }
0x1f: {  	s9 =	smul.u32 $0xF7A, s1;
	s8 =	simm.s32 @!p0 $0x1BF5;
	p2 =	por !p2, p0  }
0x20: {  	[sflag:s8] =	ssyncset.s32 @!p0 $0xFFFFF086;
	s6 =	sadd.s32 @!p0 s3, s7;
	s7 =	simm.s32 @!p0 $0x108  }
0x21: {  	s3 =	sadd.s32 s3, s9;
	s6 =	sadd.s32 @!p0 $0x88, s6;
	s7 =	simm.s32 @p2 $0x1082  }
0x22: {  	[simem:s7], [sflag:s8] =	dma.local @!p0 [hbm:s6], $0xF7A  }
0x23: {  	s9 =	sor.u32 $0xD0000000, s2;
	s6 =	simm.s32 $0x108;
	_ =	swait.ge @!p0 [sflag:s8], $0x0  }
0x24: {  	s3 =	sadd.s32 $0x88, s3;
	s6 =	simm.s32 @!p1 $0x1082;
	[sflag:s4] =	ssyncset.s32 $0xFFFFF086  }
0x25: {  	[simem:s6], [sflag:s4] =	dma.local [hbm:s3], $0xF7A  }
0x26: {  	[smem:$0x3F97] =	sst s1;
	(tag) =	ssettag s2;
	_ =	strace s9  }
0x27: {  	s1 =	sld [smem:$0x3FA7]  }
0x28: {  	s2 =	sld [smem:$0x3FA8]  }
0x29: {  	s4 =	sld [smem:$0x3FAA]  }
0x2a: {  	p0 =	seq.s32 s5, $0x0;
	s5 =	sld [smem:$0x3FAB]  }
0x2b: {  	s6 =	sld [smem:$0x3FAC]  }
0x2c: {  	s7 =	sld [smem:$0x3FAD]  }
0x2d: {  	s3 =	simm.s32 $0x108;
	s8 =	sld [smem:$0x3FAE]  }
0x2e: {  	s3 =	simm.s32 @!p0 $0x1082;
	s9 =	sld [smem:$0x3FAF]  }
0x2f: {  	lr =	sadd.s32 s0, s3;
	s0 =	sld [smem:$0x3FA6]  }
0x30: {  	s3 =	sld [smem:$0x3FA9]  }
0x31: {  	[smem:$0x3FB2] =	sst s10  }
0x32: {  	s10 =	sld [smem:$0x3FB0];
	_ =	sdelay $0x3  }
0x33: {  	p0 =	seq.s32 s10, $0x1;
	s10 =	sld [smem:$0x3FB2];
	_ =	sdelay $0x3  }
0x34: {  	[smem:$0x3FB2] =	sst s10  }
0x35: {  	s10 =	sld [smem:$0x3FB1];
	_ =	sdelay $0x3  }
0x36: {  	p1 =	seq.s32 s10, $0x1;
	s10 =	sld [smem:$0x3FB2];
	_ =	sdelay $0x3  }
0x37: {  	[smem:$0x3FB2] =	sst s10  }
0x38: {  	s10 =	sld [smem:$0x3FB3]  }
0x39: {  	_ = 	snop;
	(pc) =	sbr.ind lr, $3  }
0x3a: {  	_ = 	snop  }
0x3b: {  	_ = 	snop  }
0x3c: {  	p2 =	seq.s32 s10, $0x1;
	s10 =	sld [smem:$0x3FB2]  }
0x3d: {  	_ =	shalt  }
0x3e: {  	_ =	shalt  }
0x3f: {  	_ =	shalt  }
0x40: {  	_ =	shalt  }
0x41: {  	_ =	shalt  }
0x42: {  	_ =	shalt  }
0x43: {  	_ =	shalt  }
0x44: {  	_ =	shalt  }
0x45: {  	_ =	shalt  }
0x46: {  	_ =	shalt  }
0x47: {  	_ =	shalt  }
0x48: {  	_ =	shalt  }
0x49: {  	_ =	shalt  }
0x4a: {  	_ =	shalt  }
0x4b: {  	_ =	shalt  }
0x4c: {  	_ =	shalt  }
0x4d: {  	_ =	shalt  }
0x4e: {  	_ =	shalt  }
0x4f: {  	_ =	shalt  }
0x50: {  	_ =	shalt  }
0x51: {  	_ =	shalt  }
0x52: {  	_ =	shalt  }
0x53: {  	_ =	shalt  }
0x54: {  	_ =	shalt  }
0x55: {  	_ =	shalt  }
0x56: {  	_ =	shalt  }
0x57: {  	_ =	shalt  }
0x58: {  	_ =	shalt  }
0x59: {  	_ =	shalt  }
0x5a: {  	_ =	shalt  }
0x5b: {  	_ =	shalt  }
0x5c: {  	_ =	shalt  }
0x5d: {  	_ =	shalt  }
0x5e: {  	_ =	shalt  }
0x5f: {  	_ =	shalt  }
0x60: {  	_ =	shalt  }
0x61: {  	_ =	shalt  }
0x62: {  	_ =	shalt  }
0x63: {  	_ =	shalt  }
0x64: {  	_ =	shalt  }
0x65: {  	_ =	shalt  }
0x66: {  	_ =	shalt  }
0x67: {  	_ =	shalt  }
0x68: {  	_ =	shalt  }
0x69: {  	_ =	shalt  }
0x6a: {  	_ =	shalt  }
0x6b: {  	_ =	shalt  }
0x6c: {  	_ =	shalt  }
0x6d: {  	_ =	shalt  }
0x6e: {  	_ =	shalt  }
0x6f: {  	_ =	shalt  }
0x70: {  	_ =	shalt  }
0x71: {  	_ =	shalt  }
0x72: {  	_ =	shalt  }
0x73: {  	_ =	shalt  }
0x74: {  	_ =	shalt  }
0x75: {  	_ =	shalt  }
0x76: {  	_ =	shalt  }
0x77: {  	_ =	shalt  }
0x78: {  	_ =	shalt  }
0x79: {  	_ =	shalt  }
0x7a: {  	_ =	shalt  }
0x7b: {  	_ =	shalt  }
0x7c: {  	_ =	shalt  }
0x7d: {  	_ =	shalt  }
0x7e: {  	_ =	shalt  }
0x7f: {  	_ =	shalt  }
0x80: {  	_ =	shalt  }
0x81: {  	_ =	shalt  }
0x82: {  	_ =	shalt  }
0x83: {  	_ =	shalt  }
0x84: {  	_ =	shalt  }
0x85: {  	_ =	shalt  }
0x86: {  	_ =	shalt  }
0x87: {  	_ =	shalt  }
.Lfunc_end0:
.L_simem_size_0:
called_computation.2_lowered:
.L_overlay_start_0:
0x88: {  	s2 =	sld [smem:$0x3FD9]  }
0x89: {  	s3 =	sld [smem:$0x3FFE];
	_ =	sdelay $0x1  }
0x8a: {  	s1 =	srdreg.scid  }
0x8b: {  	s0 =	sand.u32 $0x1, s1  }
0x8c: {  	s16 =	sshll.u32 s0, $0xA;
	s2 =	sadd.s32 s3, s2  }
0x8d: {  	s2 =	sadd.s32 s2, s16  }
0x8e: {  	[smem:$0x3FBE] =	sst s2  }
0x8f: {  	_ = 	snop  }
0x90: {  	(tm) =	ssettm $0x1  }
0x91: {  	s17 =	sld [smem:$0x3FFB];
	_ =	sdelay $0x3  }
0x92: {  	_ =	strace s17  }
0x93: {  	s2 =	sld [smem:$0x3FFC];
	_ =	sdelay $0x3  }
0x94: {  	_ =	strace s2  }
0x95: {  	s2 =	sld [smem:$0x3FFD];
	_ =	sdelay $0x3  }
0x96: {  	_ =	strace s2  }
0x97: {  	_ =	strace $0x8FFFFFFF  }
0x98: {  	s18 =	sld [smem:$0x3FDB];
	_ =	sdelay $0x1  }
0x99: {  	s19 =	simm.s32 $_scs_section_size  }
0x9a: {  	s4 =	simm.s32 $_size__tile_overlayer_lowered;
	s5 =	simm.s32 $_tile_overlayer_lowered  }
0x9b: {  	s22 =	simm.s32 $0x1BFF;
	s21 =	sshll.u32 s5, $0x1;
	s2 =	sadd.s32 s19, s18  }
0x9c: {  	s6 =	simm.s32 $0x0;
	s20 =	sshll.u32 s4, $0x1;
	s4 =	sadd.s32 s21, s2  }
0x9d: {  	[timem:s6], [sflag:s22] =	dma.local [hbm:s4], s20  }
0x9e: {  	_ =	swait.ge [sflag:s22], s20  }
0x9f: {  	s3 =	ssub.s32 $0x0, s20;
	[sflag:s22] =	ssyncset.done $0x0  }
0xa0: {  	[sflag:s22] =	ssyncadd.s32 s3;
	_ =	sdelay $0x1  }
0xa1: {  	s23 =	simm.s32 $0x1B8B  }
0xa2: {  	_ =	swait.ge [sflag:s23], $0x1  }
0xa3: {  	[sflag:s23] =	ssyncset.done $0x0  }
0xa4: {  	s25 =	simm.s32 $0x1B8E;
	s24 =	sld [smem:$0x3FFE];
	[sflag:s23] =	ssyncadd.s32 $0xFFFFFFFF  }
0xa5: {  	s26 =	simm.s32 $execute0_lowered;
	[smem:$0x3FD2] =	sst s25  }
0xa6: {  	s4 =	sshll.u32 s26, $0x1;
	_ =	strace $0x8000004C;
	[dreg:$0x1] =	wrdreg $0xFFFFFFFF  }
0xa7: {  	s28 =	simm.s32 $_size_execute0_lowered;
	s2 =	sadd.s32 s2, s4;
	[dreg:$0x0] =	wrdreg $0x0  }
0xa8: {  	s4 =	sshll.u32 s28, $0x1;
	[dreg:$0x2] =	wrdreg s2  }
0xa9: {  	[dreg:$0x3] =	wrdreg s4  }
0xaa: {  	[dreg:$0x4] =	wrdreg $0xC0  }
0xab: {  	_ =	task [dreg:s6], $0x5FFFF  }
0xac: {  	[dreg:$0x1] =	wrdreg $0xFFFFFFFF  }
0xad: {  	[dreg:$0x0] =	wrdreg $0x60  }
0xae: {  	[dreg:$0x2] =	wrdreg s24  }
0xaf: {  	[dreg:$0x3] =	wrdreg $0x9  }
0xb0: {  	_ =	task.clear_ibuf [dreg:s6], $0x4FFFF;
	_ =	strace $0x9000004C  }
0xb1: {  	s29 =	simm.s32 $0x9;
	_ =	strace $0x8000004E  }
0xb2: {  	_ =	swait.ge [sflag:s29], $0x1  }
0xb3: {  	[sflag:s29] =	ssyncadd.s32 $0xFFFFFFFF  }
0xb4: {  	_ =	strace $0x9000004E  }
0xb5: {  	_ =	sfence  }
0xb6: {  	s30 =	sld [smem:$0x0];
	_ =	sdelay $0x2  }
0xb7: {  	s31 =	sshll.u32 s1, $0xD;
	s1 =	sshrl.u32 s1, $0x2  }
0xb8: {  	s3 =	sand.u32 $0x4000, s31;
	s1 =	sadd.s32 s1, s30  }
0xb9: {  	s0 =	sor.u32 s3, s0;
	s1 =	sshll.u32 s1, $0x11  }
0xba: {  	s0 =	sor.u32 s1, s0  }
0xbb: {  	s0 =	sadd.s32 $0x8F2B, s0  }
0xbc: {  	[sflag:s0] =	ssyncadd.remote.s32 $0x1  }
0xbd: {  	_ =	sfence.sel $0xFFFF  }
0xbe: {  	[dreg:$0x0] =	wrdreg $0xFFFFFFFF;
	(pc) =	sbr.abs _section_cstart, $3  }
0xbf: {  	[dreg:$0x1] =	wrdreg $0xFFFFFFFF  }
0xc0: {  	_ =	task.clear_ibuf [dreg:s6], $0x2FFFF;
	_ =	strace $0x9FFFFFFF  }
0xc1: {  	(tm) =	ssettm $0x7FFFFFFF  }
tec
execute0_lowered:
.L_overlay_start_1:
0x0: {  	(tag) =	ssettag $0x1  }
0x1: {  	s4 =	rddreg [dreg:$0x0]  }
0x2: {  	s2 =	srdreg.scid;
	s1 =	stileid.u32  }
0x3: {  	s0 =	rddreg [dreg:$0x1];
	s10 =	simm.s32 $0x2800;
	s11 =	simm.s32 $0x4F80  }
0x4: {  	s12 =	simm.s32 $0x7700;
	s13 =	simm.s32 $0x9F00;
	s14 =	simm.s32 $0x80  }
0x5: {  	s15 =	simm.s32 $0x400;
	s16 =	simm.s32 $0x0;
	s5 =	sand.u32 $0x1, s2  }
0x6: {  	s3 =	sshll.u32 s1, $0x1;
	s2 =	simm.s32 $0x0;
	s6 =	sshrl.u32 s1, $0x2  }
0x7: {  	s3 =	sor.u32 s5, s3;
	[smem:$0x7FF] =	sst s2;
	s6 =	smul.u32 $0x14000, s6  }
0x8: {  	s5 =	ssub.s32 $0x2, s5;
	s7 =	sshll.u32 s3, $0x7;
	s8 =	smul.u32 $0x580, s3  }
0x9: {  	_ =	strace $0x8000004D;
	s3 =	sadd.s32 $0x5400, s4;
	s7 =	sand.u32 $0x380, s7  }
0xa: {  	s31 =	sshrl.u32 s5, $0x1;
	s6 =	sor.u32 s6, s7;
	s30 =	sadd.s32 s8, s4  }
0xb: {  	s8 =	ssub.s32 s5, s31;
	s6 =	sshrl.u32 s6, $0x3;
	s5 =	sadd.s32 $0x10A00, s30  }
0xc: {  	s8 =	smax.u32 s8, $0x1;
	s9 =	sadd.s32 s6, s4;
	s4 =	sadd.s32 $0x5A00, s30  }
0xd: {  	v0 =	vimm.f32 $0.0e+00;
	s6 =	sadd.s32 $0x1E200, s9;
	s7 =	sadd.s32 $0x3AA00, s9;
	s9 =	simm.s32 $0x1  }
.LBB2_1:
0xe: {  	[tilespmem:s2], [sflag:$0x1] =	stream.linear.gather [hbm4b:s3+s2], $0x2800, $0x38;
	[tilespmem:$0xC700] =	vst v63  }
0xf: {  	_ =	swait.ge [sflag:s9], $0x2800  }
0x10: {  	[sflag:s9] =	ssyncset.done $0x0  }
0x11: {  	[sflag:s9] =	ssyncadd.s32 $0xFFFFD800  }
0x12: {  	[tilespmem:s10], [sflag:$0x1] =	stream.linear.gather [hbm4b:s4+s2], $0x2780, $0x38;
	[tilespmem:$0xC700] =	vst v63  }
0x13: {  	_ =	swait.ge [sflag:s9], $0x2780  }
0x14: {  	[sflag:s9] =	ssyncset.done $0x0  }
0x15: {  	[sflag:s9] =	ssyncadd.s32 $0xFFFFD880  }
0x16: {  	[tilespmem:s11], [sflag:$0x1] =	stream.linear.gather [hbm4b:s5+s2], $0x2780, $0x38;
	[tilespmem:$0xC700] =	vst v63  }
0x17: {  	_ =	swait.ge [sflag:s9], $0x2780  }
0x18: {  	[sflag:s9] =	ssyncset.done $0x0  }
0x19: {  	s17 =	simm.s32 $0x0;
	[sflag:s9] =	ssyncadd.s32 $0xFFFFD880  }
.LBB2_2:
0x1a: {  	p0 =	sne.s32 s17, $0x9FC0  }
.Ltmp0:
0x1b: {  	_ = 	snop;
	(pc) =	sbr.rel @p0 .LBB2_2-.Ltmp0, $4  }
0x1c: {  	_ = 	snop  }
0x1d: {  	s18 =	sshra.s32 s17, $0x2  }
0x1e: {  	[tilespmem:s18+$0x7700] =	vst v0  }
0x1f: {  	s17 =	sadd.s32 $0x40, s17;
	[tilespmem:s18+$0x9F00] =	vst v0  }
0x20: {  	s17 =	simm.s32 $0x0  }
0x21: {  	v2 =	vld [tilespmem:s17+$0x2800]  }
0x22: {  	v1 =	vld [tilespmem:s17+$0x4F80];
	s17 =	simm.s32 $0x40  }
.LBB2_4:
0x23: {  	p0 =	sne.s32 s17, $0x9DC0;
	_ =	sdelay $0x5  }
0x24: {  	v3 =	vld.idx.msk [tilespmem:v2+s2+$0x0], $0xffff  }
0x25: {  	v4 =	vld.idx.msk [tilespmem:v1+s2+$0x0], $0xffff;
	_ =	sdelay $0x5  }
0x26: {  	v3 =	vmul.f32 v4, v3  }
.Ltmp1:
0x27: {  	(pc) =	sbr.rel @p0 .LBB2_4-.Ltmp1, $4  }
0x28: {  	[tilespmem:v2+s12+$0x0] =	vst.idx.add.f32.msk $0xffff, v3  }
0x29: {  	s18 =	sshra.s32 s17, $0x2;
	[tilespmem:v1+s13+$0x0] =	vst.idx.add.f32.msk $0xffff, v3  }
0x2a: {  	v2 =	vld [tilespmem:s18+$0x2800]  }
0x2b: {  	s17 =	sadd.s32 $0x40, s17;
	v1 =	vld [tilespmem:s18+$0x4F80]  }
0x2c: {  	_ =	sdelay $0x6  }
0x2d: {  	v3 =	vld.idx.msk [tilespmem:v2+s2+$0x0], $0xffff  }
0x2e: {  	v4 =	vld.idx.msk [tilespmem:v1+s2+$0x0], $0xffff;
	_ =	sdelay $0x4  }
0x2f: {  	v3 =	vmul.f32 v4, v3;
	_ =	sdelay $0x1  }
0x30: {  	[tilespmem:v2+s12+$0x0] =	vst.idx.add.f32.msk $0xffff, v3  }
0x31: {  	[tilespmem:v1+s13+$0x0] =	vst.idx.add.f32.msk $0xffff, v3  }
0x32: {  	[hbm4b:s6+s14] =	stream.strided.scatter [tilespmem:s12], [sflag:$0x1], $0x2800, s15, s14, $0x38;
	[tilespmem:$0xC700] =	vst v63  }
0x33: {  	s16 =	sadd.s32 $0x1, s16;
	_ =	swait.ge [sflag:s9], $0x2800  }
0x34: {  	p0 =	sne.s32 s16, s8;
	[sflag:s9] =	ssyncset.done $0x0  }
.Ltmp2:
0x35: {  	[sflag:s9] =	ssyncadd.s32 $0xFFFFD800;
	(pc) =	sbr.rel @p0 .LBB2_1-.Ltmp2, $4  }
0x36: {  	[hbm4b:s7+s14] =	stream.strided.scatter [tilespmem:s13], [sflag:$0x1], $0x2800, s15, s14, $0x38;
	[tilespmem:$0xC700] =	vst v63  }
0x37: {  	_ =	swait.ge [sflag:s9], $0x2800  }
0x38: {  	[sflag:s9] =	ssyncset.done $0x0  }
0x39: {  	[sflag:s9] =	ssyncadd.s32 $0xFFFFD800  }
0x3a: {  	_ =	sfence.sel $0x180000  }
0x3b: {  	[bflag:$0x0] =	sbarrier.arrive $0xFFFF  }
0x3c: {  	p0 =	sne.s32 s1, $0x0;
	_ =	strace $0x9000004D  }
0x3d: {  	s0 =	sadd.s32 @!p0 $0x100000, s0;
	[bflag:$0x2] =	sbarrier.arrive $0xFFFF  }
0x3e: {  	[sflag:s0] =	ssyncadd.tile.s32 @!p0 $0x1;
	_ =	shalt  }
.Lfunc_end2:
_tile_overlayer_lowered:
.L_overlay_start_2:
0x3f: {  	(tag) =	ssettag $0x2  }
0x40: {  	s0 =	rddreg [dreg:$0x0];
	s2 =	stileid.u32  }
0x41: {  	s1 =	rddreg [dreg:$0x1];
	p0 =	sne.s32 s2, $0x0  }
0x42: {  	s3 =	rddreg [dreg:$0x2];
	[bflag:$0x3] =	sbarrier.arrive $0xFFFF;
	s2 =	simm.s32 @!p0 $0x1C01  }
0x43: {  	[timem:s3], [sflag:s2] =	dma.local @!p0 [hbm:s0], s1  }
0x44: {  	s0 =	simm.s32 @!p0 $0x1  }
0x45: {  	_ =	swait.ge @!p0 [sflag:s0], s1  }
0x46: {  	s1 =	ssub.s32 @!p0 $0x0, s1;
	[sflag:s0] =	ssyncset.done @!p0 $0x0  }
0x47: {  	[sflag:s0] =	ssyncadd.s32 @!p0 s1  }
0x48: {  	[bflag:$0x3] =	sbarrier.arrive $0xFFFF  }
0x49: {  	_ =	shalt  }

// kernel: kernel.28.cloned.1.call-start
scs
__scs_entry_jumppad:
0x0: {  	(pc) =	sbr.rel $0x88, $3  }
0x1: {  	(tag) =	ssettag $0x0;
	lr =	simm.s32 $0x1  }
0x2: {  	[smem:$0x3F97] =	sst lr;
	_ =	strace $0xD0000000  }
0x3: {  	_ = 	snop  }
0x4: {  	_ = 	snop  }
0x5: {  	_ = 	snop  }
0x6: {  	_ = 	snop  }
0x7: {  	_ = 	snop  }
__scs_overlays_trampoline_lowered:
0x8: {  	[smem:$0x3FA6] =	sst s0  }
0x9: {  	[smem:$0x3FA7] =	sst s1  }
0xa: {  	[smem:$0x3FA8] =	sst s2  }
0xb: {  	[smem:$0x3FA9] =	sst s3  }
0xc: {  	[smem:$0x3FAA] =	sst s4  }
0xd: {  	[smem:$0x3FAB] =	sst s5  }
0xe: {  	[smem:$0x3FAC] =	sst s6  }
0xf: {  	[smem:$0x3FAD] =	sst s7  }
0x10: {  	[smem:$0x3FAE] =	sst s8  }
0x11: {  	[smem:$0x3FAF] =	sst s9;
	s0 =	simm.s32 @!p0 $0x0  }
0x12: {  	s1 =	sld [smem:$0x3F95];
	s0 =	simm.s32 @p0 $0x1  }
0x13: {  	[smem:$0x3FB0] =	sst s0;
	s0 =	simm.s32 @!p1 $0x0  }
0x14: {  	s2 =	sld [smem:$0x3F94];
	s0 =	simm.s32 @p1 $0x1  }
0x15: {  	[smem:$0x3FB1] =	sst s0;
	s0 =	simm.s32 @!p2 $0x0  }
0x16: {  	s3 =	sld [smem:$0x3FDB];
	s0 =	simm.s32 @p2 $0x1  }
0x17: {  	s4 =	simm.s32 $0x1BF5;
	[smem:$0x3FB3] =	sst s0  }
0x18: {  	s0 =	sld [smem:$0x3F96];
	_ =	swait.ge [sflag:s4], $0x0  }
0x19: {  	s7 =	sld [smem:$0x3F97]  }
0x1a: {  	s8 =	sadd.s32 $0xFFFFE003, lr  }
0x1b: {  	s9 =	sadd.s32 $0xFFFFFEF7, lr;
	s5 =	simm.s32 $0xFFFFFFFF;
	p2 =	slt.u32 s8, $0xFFFFF086  }
0x1c: {  	p1 =	slt.u32 s9, $0xF7A;
	s5 =	simm.s32 @!p2 $0x0  }
0x1d: {  	s5 =	simm.s32 @p1 $0x1;
	p0 =	seq.s32 s7, s2  }
0x1e: {  	s7 =	smul.u32 @!p0 $0xF7A, s2;
	p2 =	seq.s32 @!p0 s5, $0x0  }
0x1f: {  	s9 =	smul.u32 $0xF7A, s1;
	s8 =	simm.s32 @!p0 $0x1BF5;
	p2 =	por !p2, p0  }
0x20: {  	[sflag:s8] =	ssyncset.s32 @!p0 $0xFFFFF086;
	s6 =	sadd.s32 @!p0 s3, s7;
	s7 =	simm.s32 @!p0 $0x108  }
0x21: {  	s3 =	sadd.s32 s3, s9;
	s6 =	sadd.s32 @!p0 $0x88, s6;
	s7 =	simm.s32 @p2 $0x1082  }
0x22: {  	[simem:s7], [sflag:s8] =	dma.local @!p0 [hbm:s6], $0xF7A  }
0x23: {  	s9 =	sor.u32 $0xD0000000, s2;
	s6 =	simm.s32 $0x108;
	_ =	swait.ge @!p0 [sflag:s8], $0x0  }
0x24: {  	s3 =	sadd.s32 $0x88, s3;
	s6 =	simm.s32 @!p1 $0x1082;
	[sflag:s4] =	ssyncset.s32 $0xFFFFF086  }
0x25: {  	[simem:s6], [sflag:s4] =	dma.local [hbm:s3], $0xF7A  }
0x26: {  	[smem:$0x3F97] =	sst s1;
	(tag) =	ssettag s2;
	_ =	strace s9  }
0x27: {  	s1 =	sld [smem:$0x3FA7]  }
0x28: {  	s2 =	sld [smem:$0x3FA8]  }
0x29: {  	s4 =	sld [smem:$0x3FAA]  }
0x2a: {  	p0 =	seq.s32 s5, $0x0;
	s5 =	sld [smem:$0x3FAB]  }
0x2b: {  	s6 =	sld [smem:$0x3FAC]  }
0x2c: {  	s7 =	sld [smem:$0x3FAD]  }
0x2d: {  	s3 =	simm.s32 $0x108;
	s8 =	sld [smem:$0x3FAE]  }
0x2e: {  	s3 =	simm.s32 @!p0 $0x1082;
	s9 =	sld [smem:$0x3FAF]  }
0x2f: {  	lr =	sadd.s32 s0, s3;
	s0 =	sld [smem:$0x3FA6]  }
0x30: {  	s3 =	sld [smem:$0x3FA9]  }
0x31: {  	[smem:$0x3FB2] =	sst s10  }
0x32: {  	s10 =	sld [smem:$0x3FB0];
	_ =	sdelay $0x3  }
0x33: {  	p0 =	seq.s32 s10, $0x1;
	s10 =	sld [smem:$0x3FB2];
	_ =	sdelay $0x3  }
0x34: {  	[smem:$0x3FB2] =	sst s10  }
0x35: {  	s10 =	sld [smem:$0x3FB1];
	_ =	sdelay $0x3  }
0x36: {  	p1 =	seq.s32 s10, $0x1;
	s10 =	sld [smem:$0x3FB2];
	_ =	sdelay $0x3  }
0x37: {  	[smem:$0x3FB2] =	sst s10  }
0x38: {  	s10 =	sld [smem:$0x3FB3]  }
0x39: {  	_ = 	snop;
	(pc) =	sbr.ind lr, $3  }
0x3a: {  	_ = 	snop  }
0x3b: {  	_ = 	snop  }
0x3c: {  	p2 =	seq.s32 s10, $0x1;
	s10 =	sld [smem:$0x3FB2]  }
0x3d: {  	_ =	shalt  }
0x3e: {  	_ =	shalt  }
0x3f: {  	_ =	shalt  }
0x40: {  	_ =	shalt  }
0x41: {  	_ =	shalt  }
0x42: {  	_ =	shalt  }
0x43: {  	_ =	shalt  }
0x44: {  	_ =	shalt  }
0x45: {  	_ =	shalt  }
0x46: {  	_ =	shalt  }
0x47: {  	_ =	shalt  }
0x48: {  	_ =	shalt  }
0x49: {  	_ =	shalt  }
0x4a: {  	_ =	shalt  }
0x4b: {  	_ =	shalt  }
0x4c: {  	_ =	shalt  }
0x4d: {  	_ =	shalt  }
0x4e: {  	_ =	shalt  }
0x4f: {  	_ =	shalt  }
0x50: {  	_ =	shalt  }
0x51: {  	_ =	shalt  }
0x52: {  	_ =	shalt  }
0x53: {  	_ =	shalt  }
0x54: {  	_ =	shalt  }
0x55: {  	_ =	shalt  }
0x56: {  	_ =	shalt  }
0x57: {  	_ =	shalt  }
0x58: {  	_ =	shalt  }
0x59: {  	_ =	shalt  }
0x5a: {  	_ =	shalt  }
0x5b: {  	_ =	shalt  }
0x5c: {  	_ =	shalt  }
0x5d: {  	_ =	shalt  }
0x5e: {  	_ =	shalt  }
0x5f: {  	_ =	shalt  }
0x60: {  	_ =	shalt  }
0x61: {  	_ =	shalt  }
0x62: {  	_ =	shalt  }
0x63: {  	_ =	shalt  }
0x64: {  	_ =	shalt  }
0x65: {  	_ =	shalt  }
0x66: {  	_ =	shalt  }
0x67: {  	_ =	shalt  }
0x68: {  	_ =	shalt  }
0x69: {  	_ =	shalt  }
0x6a: {  	_ =	shalt  }
0x6b: {  	_ =	shalt  }
0x6c: {  	_ =	shalt  }
0x6d: {  	_ =	shalt  }
0x6e: {  	_ =	shalt  }
0x6f: {  	_ =	shalt  }
0x70: {  	_ =	shalt  }
0x71: {  	_ =	shalt  }
0x72: {  	_ =	shalt  }
0x73: {  	_ =	shalt  }
0x74: {  	_ =	shalt  }
0x75: {  	_ =	shalt  }
0x76: {  	_ =	shalt  }
0x77: {  	_ =	shalt  }
0x78: {  	_ =	shalt  }
0x79: {  	_ =	shalt  }
0x7a: {  	_ =	shalt  }
0x7b: {  	_ =	shalt  }
0x7c: {  	_ =	shalt  }
0x7d: {  	_ =	shalt  }
0x7e: {  	_ =	shalt  }
0x7f: {  	_ =	shalt  }
0x80: {  	_ =	shalt  }
0x81: {  	_ =	shalt  }
0x82: {  	_ =	shalt  }
0x83: {  	_ =	shalt  }
0x84: {  	_ =	shalt  }
0x85: {  	_ =	shalt  }
0x86: {  	_ =	shalt  }
0x87: {  	_ =	shalt  }
.Lfunc_end0:
.L_simem_size_0:
called_computation.3_lowered:
.L_overlay_start_0:
0x88: {  	s2 =	sld [smem:$0x3FD9]  }
0x89: {  	s3 =	sld [smem:$0x3FFE];
	_ =	sdelay $0x1  }
0x8a: {  	s1 =	srdreg.scid  }
0x8b: {  	s0 =	sand.u32 $0x1, s1  }
0x8c: {  	s16 =	sshll.u32 s0, $0xA;
	s2 =	sadd.s32 s3, s2  }
0x8d: {  	s2 =	sadd.s32 s2, s16  }
0x8e: {  	[smem:$0x3FBE] =	sst s2  }
0x8f: {  	_ = 	snop  }
0x90: {  	(tm) =	ssettm $0x1  }
0x91: {  	s17 =	sld [smem:$0x3FFB];
	_ =	sdelay $0x3  }
0x92: {  	_ =	strace s17  }
0x93: {  	s2 =	sld [smem:$0x3FFC];
	_ =	sdelay $0x3  }
0x94: {  	_ =	strace s2  }
0x95: {  	s2 =	sld [smem:$0x3FFD];
	_ =	sdelay $0x3  }
0x96: {  	_ =	strace s2  }
0x97: {  	_ =	strace $0x8FFFFFFF  }
0x98: {  	s18 =	sld [smem:$0x3FDB];
	_ =	sdelay $0x1  }
0x99: {  	s19 =	simm.s32 $_scs_section_size  }
0x9a: {  	s4 =	simm.s32 $_size__tile_overlayer_lowered;
	s5 =	simm.s32 $_tile_overlayer_lowered  }
0x9b: {  	s22 =	simm.s32 $0x1BFF;
	s21 =	sshll.u32 s5, $0x1;
	s2 =	sadd.s32 s19, s18  }
0x9c: {  	s6 =	simm.s32 $0x0;
	s20 =	sshll.u32 s4, $0x1;
	s4 =	sadd.s32 s21, s2  }
0x9d: {  	[timem:s6], [sflag:s22] =	dma.local [hbm:s4], s20  }
0x9e: {  	_ =	swait.ge [sflag:s22], s20  }
0x9f: {  	s3 =	ssub.s32 $0x0, s20;
	[sflag:s22] =	ssyncset.done $0x0  }
0xa0: {  	[sflag:s22] =	ssyncadd.s32 s3;
	_ =	sdelay $0x1  }
0xa1: {  	s23 =	simm.s32 $0x1B8B  }
0xa2: {  	_ =	swait.ge [sflag:s23], $0x1  }
0xa3: {  	[sflag:s23] =	ssyncset.done $0x0  }
0xa4: {  	s25 =	simm.s32 $0x1B8E;
	s24 =	sld [smem:$0x3FFE];
	[sflag:s23] =	ssyncadd.s32 $0xFFFFFFFF  }
0xa5: {  	s26 =	simm.s32 $execute0_lowered;
	[smem:$0x3FD2] =	sst s25  }
0xa6: {  	s4 =	sshll.u32 s26, $0x1;
	_ =	strace $0x8000004F;
	[dreg:$0x1] =	wrdreg $0xFFFFFFFF  }
0xa7: {  	s28 =	simm.s32 $_size_execute0_lowered;
	s2 =	sadd.s32 s2, s4;
	[dreg:$0x0] =	wrdreg $0x0  }
0xa8: {  	s4 =	sshll.u32 s28, $0x1;
	[dreg:$0x2] =	wrdreg s2  }
0xa9: {  	[dreg:$0x3] =	wrdreg s4  }
0xaa: {  	[dreg:$0x4] =	wrdreg $0xC0  }
0xab: {  	_ =	task [dreg:s6], $0x5FFFF  }
0xac: {  	[dreg:$0x1] =	wrdreg $0xFFFFFFFF  }
0xad: {  	[dreg:$0x0] =	wrdreg $0x60  }
0xae: {  	[dreg:$0x2] =	wrdreg s24  }
0xaf: {  	[dreg:$0x3] =	wrdreg $0xA9000  }
0xb0: {  	[dreg:$0x4] =	wrdreg $0x9  }
0xb1: {  	_ =	task.clear_ibuf [dreg:s6], $0x5FFFF;
	_ =	strace $0x9000004F  }
0xb2: {  	s29 =	simm.s32 $0x9;
	_ =	strace $0x80000051  }
0xb3: {  	_ =	swait.ge [sflag:s29], $0x1  }
0xb4: {  	[sflag:s29] =	ssyncadd.s32 $0xFFFFFFFF  }
0xb5: {  	_ =	strace $0x90000051  }
0xb6: {  	_ =	sfence  }
0xb7: {  	s30 =	sld [smem:$0x0];
	_ =	sdelay $0x2  }
0xb8: {  	s31 =	sshll.u32 s1, $0xD;
	s1 =	sshrl.u32 s1, $0x2  }
0xb9: {  	s3 =	sand.u32 $0x4000, s31;
	s1 =	sadd.s32 s1, s30  }
0xba: {  	s0 =	sor.u32 s3, s0;
	s1 =	sshll.u32 s1, $0x11  }
0xbb: {  	s0 =	sor.u32 s1, s0  }
0xbc: {  	s0 =	sadd.s32 $0x8F2B, s0  }
0xbd: {  	[sflag:s0] =	ssyncadd.remote.s32 $0x1  }
0xbe: {  	_ =	sfence.sel $0xFFFF  }
0xbf: {  	[dreg:$0x0] =	wrdreg $0xFFFFFFFF;
	(pc) =	sbr.abs _section_cstart, $3  }
0xc0: {  	[dreg:$0x1] =	wrdreg $0xFFFFFFFF  }
0xc1: {  	_ =	task.clear_ibuf [dreg:s6], $0x2FFFF;
	_ =	strace $0x9FFFFFFF  }
0xc2: {  	(tm) =	ssettm $0x7FFFFFFF  }
0xc3: {  	_ =	shalt  }
tec
execute0_lowered:
.L_overlay_start_1:
0x0: {  	(tag) =	ssettag $0x1  }
0x1: {  	s1 =	srdreg.scid;
	s6 =	rddreg [dreg:$0x0]  }
0x2: {  	s0 =	stileid.u32;
	s2 =	rddreg [dreg:$0x1];
	s3 =	simm.s32 $0x0  }
0x3: {  	s17 =	simm.s32 $0x2800;
	s18 =	simm.s32 $0x2900;
	s19 =	simm.s32 $0x1  }
0x4: {  	s20 =	simm.s32 $0x2880;
	s21 =	simm.s32 $0x3;
	s22 =	simm.s32 $0x80  }
0x5: {  	s28 =	simm.s32 $0x2700;
	s29 =	simm.s32 $0x0;
	s10 =	smul.u32 $0x14000, s0  }
0x6: {  	s7 =	sand.u32 $0x1, s1;
	s23 =	sshll.u32 s0, $0x1;
	s12 =	smul.u32 $0x50000, s0  }
0x7: {  	[smem:$0x7FF] =	sst s3;
	s4 =	sadd.s32 $0x44A00, s6;
	s25 =	smul.u32 $0x5800, s0  }
0x8: {  	s13 =	sadd.s32 $0x5A00, s6;
	s31 =	sshll.u32 s0, $0x6;
	s9 =	smul.u32 $0x140000, s7  }
0x9: {  	s8 =	sor.u32 s7, s23;
	_ =	strace $0x80000050;
	s15 =	smul.u32 $0x2C00, s7  }
0xa: {  	s24 =	ssub.s32 $0x2, s7;
	s23 =	simm.s32 $0x6900;
	s5 =	smul.u32 $0x580, s8  }
0xb: {  	s14 =	sshrl.u32 s24, $0x1;
	s8 =	smul.u32 $0x2C00, s8;
	s12 =	sshrl.u32 s12, $0x2  }
0xc: {  	s9 =	sadd.s32 s10, s9;
	s10 =	ssub.s32 s24, s14;
	s16 =	sadd.s32 s12, s2  }
0xd: {  	s26 =	sadd.s32 s15, s25;
	s15 =	sor.u32 $0x1C04, s31;
	s24 =	simm.s32 $0x2  }
0xe: {  	s25 =	simm.s32 $0x2600;
	s11 =	sadd.s32 s5, s6;
	s5 =	sadd.s32 $0x1BA00, s6  }
0xf: {  	s9 =	sshrl.u32 s9, $0x3;
	s8 =	sshrl.u32 s8, $0x3;
	s10 =	smax.u32 s10, $0x1  }
0x10: {  	s30 =	sor.u32 $0x180, s26;
	s14 =	sor.u32 $0x100, s26;
	s16 =	sshrl.u32 s16, $0x3  }
0x11: {  	s26 =	simm.s32 $0x2680;
	s9 =	sadd.s32 s9, s6;
	s6 =	sadd.s32 $0x2FA00, s11  }
0x12: {  	s7 =	sadd.s32 s13, s8;
	s12 =	sshrl.u32 s30, $0x3;
	s14 =	sshrl.u32 s14, $0x3  }
0x13: {  	s8 =	sadd.s32 $0x10, s7;
	s9 =	sadd.s32 $0x6CA00, s9;
	s11 =	sadd.s32 $0x4E0, s7  }
0x14: {  	s12 =	sadd.s32 s12, s13;
	s13 =	sadd.s32 s14, s13;
	s14 =	simm.s32 $0x4  }
.LBB2_1:
0x15: {  	[tilespmem:s3], [sflag:$0x4] =	stream.linear.gather [hbm4b:s6+s3], $0x2800, $0x38;
	[tilespmem:$0x1E900] =	vst v63  }
0x16: {  	_ =	swait.ge [sflag:s14], $0x2800  }
0x17: {  	[sflag:s14] =	ssyncset.done $0x0  }
0x18: {  	[sflag:s14] =	ssyncadd.s32 $0xFFFFD800  }
0x19: {  	[spmem:s16], [sflag:s15] =	dma.local [hbm:s5], $0x2800  }
0x1a: {  	_ =	swait.ge [sflag:s14], $0x2800  }
0x1b: {  	[sflag:s14] =	ssyncset.done $0x0  }
0x1c: {  	[sflag:s14] =	ssyncadd.s32 $0xFFFFD800  }
0x1d: {  	[bflag:$0x0] =	sbarrier.arrive $0xFFFF  }
0x1e: {  	[tilespmem:s17], [sflag:$0x4] =	stream.linear.gather [hbm4b:s7+s3], $0x80, $0x38;
	[tilespmem:$0x1E900] =	vst v63  }
0x1f: {  	_ =	swait.ge [sflag:s14], $0x80  }
0x20: {  	[sflag:s14] =	ssyncset.done $0x0  }
0x21: {  	[sflag:s14] =	ssyncadd.s32 $0xFFFFFF80  }
0x22: {  	[tilespmem:s18], [sflag:$0x1] =	stream.indirect.gather [hbm4b:s4+s22], $0x80, s17, s22, $0xb8;
	[tilespmem:$0x1E900] =	vst v63  }
0x23: {  	_ =	swait.ge [sflag:s19], $0x4000  }
0x24: {  	[sflag:s19] =	ssyncset.done $0x0  }
0x25: {  	[sflag:s19] =	ssyncadd.s32 $0xFFFFC000  }
0x26: {  	[tilespmem:s20], [sflag:$0x3] =	stream.linear.gather [hbm4b:s8+s3], $0x80, $0x38;
	[tilespmem:$0x1E900] =	vst v63  }
0x27: {  	_ =	swait.ge [sflag:s21], $0x80  }
0x28: {  	[sflag:s21] =	ssyncset.done $0x0  }
0x29: {  	[sflag:s21] =	ssyncadd.s32 $0xFFFFFF80  }
0x2a: {  	[tilespmem:s23], [sflag:$0x1] =	stream.indirect.gather [hbm4b:s4+s22], $0x80, s20, s22, $0xb8;
	[tilespmem:$0x1E900] =	vst v63  }
0x2b: {  	s30 =	sadd.s32 $0x0, s13  }
0x2c: {  	[tilespmem:s17], [sflag:$0x3] =	stream.linear.gather [hbm4b:s30+s3], $0x80, $0x38;
	[tilespmem:$0x1E900] =	vst v63  }
0x2d: {  	s30 =	simm.s32 $0x0  }
0x2e: {  	[spmem:s2] =	stream.indirect.scatter.add.f32 [tilespmem:s18], [sflag:$0x2], $0x80, s30, s22, $0xb8;
	[tilespmem:$0x1E900] =	vst v63  }
0x2f: {  	_ =	swait.ge [sflag:s24], $0x4000  }
0x30: {  	[sflag:s24] =	ssyncset.done $0x0  }
0x31: {  	[sflag:s24] =	ssyncadd.s32 $0xFFFFC000  }
0x32: {  	_ =	swait.ge [sflag:s19], $0x4000  }
0x33: {  	[sflag:s19] =	ssyncset.done $0x0  }
0x34: {  	[sflag:s19] =	ssyncadd.s32 $0xFFFFC000  }
0x35: {  	_ =	swait.ge [sflag:s21], $0x80  }
0x36: {  	[sflag:s21] =	ssyncset.done $0x0  }
0x37: {  	[sflag:s21] =	ssyncadd.s32 $0xFFFFFF80  }
0x38: {  	[tilespmem:s18], [sflag:$0x1] =	stream.indirect.gather [hbm4b:s4+s22], $0x80, s17, s22, $0xb8;
	[tilespmem:$0x1E900] =	vst v63  }
0x39: {  	s30 =	sadd.s32 $0x0, s12  }
0x3a: {  	[tilespmem:s20], [sflag:$0x3] =	stream.linear.gather [hbm4b:s30+s3], $0x80, $0x38;
	[tilespmem:$0x1E900] =	vst v63  }
0x3b: {  	_ = 	snop  }
0x3c: {  	[spmem:s2] =	stream.indirect.scatter.add.f32 [tilespmem:s23], [sflag:$0x2], $0x80, s22, s22, $0xb8;
	[tilespmem:$0x1E900] =	vst v63  }
0x3d: {  	_ =	swait.ge [sflag:s24], $0x4000  }
0x3e: {  	[sflag:s24] =	ssyncset.done $0x0  }
0x3f: {  	[sflag:s24] =	ssyncadd.s32 $0xFFFFC000  }
0x40: {  	_ =	swait.ge [sflag:s19], $0x4000  }
0x41: {  	s31 =	simm.s32 $0x80;
	s30 =	simm.s32 $0x20;
	[sflag:s19] =	ssyncset.done $0x0  }
.LBB2_2:
0x42: {  	p0 =	sne.s32 s30, $0x4A0;
	[sflag:s19] =	ssyncadd.s32 $0xFFFFC000;
	s31 =	sadd.s32 $0x100, s31  }
0x43: {  	s1 =	smov.u32 s30;
	s30 =	sadd.s32 $0x20, s30;
	_ =	swait.ge [sflag:s21], $0x80  }
0x44: {  	[sflag:s21] =	ssyncset.done $0x0  }
0x45: {  	[sflag:s21] =	ssyncadd.s32 $0xFFFFFF80  }
0x46: {  	[tilespmem:s23], [sflag:$0x1] =	stream.indirect.gather [hbm4b:s4+s22], $0x80, s20, s22, $0xb8;
	[tilespmem:$0x1E900] =	vst v63  }
0x47: {  	s0 =	sadd.s32 s1, s13  }
0x48: {  	[tilespmem:s17], [sflag:$0x3] =	stream.linear.gather [hbm4b:s0+s3], $0x80, $0x38;
	[tilespmem:$0x1E900] =	vst v63  }
0x49: {  	s0 =	sadd.s32 $0xFFFFFF80, s31  }
0x4a: {  	[spmem:s2] =	stream.indirect.scatter.add.f32 [tilespmem:s18], [sflag:$0x2], $0x80, s0, s22, $0xb8;
	[tilespmem:$0x1E900] =	vst v63  }
0x4b: {  	_ =	swait.ge [sflag:s24], $0x4000  }
0x4c: {  	[sflag:s24] =	ssyncset.done $0x0  }
0x4d: {  	[sflag:s24] =	ssyncadd.s32 $0xFFFFC000  }
0x4e: {  	_ =	swait.ge [sflag:s19], $0x4000  }
0x4f: {  	[sflag:s19] =	ssyncset.done $0x0  }
0x50: {  	[sflag:s19] =	ssyncadd.s32 $0xFFFFC000  }
0x51: {  	_ =	swait.ge [sflag:s21], $0x80  }
0x52: {  	[sflag:s21] =	ssyncset.done $0x0  }
0x53: {  	[sflag:s21] =	ssyncadd.s32 $0xFFFFFF80  }
0x54: {  	[tilespmem:s18], [sflag:$0x1] =	stream.indirect.gather [hbm4b:s4+s22], $0x80, s17, s22, $0xb8;
	[tilespmem:$0x1E900] =	vst v63  }
0x55: {  	s0 =	sadd.s32 s1, s12  }
0x56: {  	[tilespmem:s20], [sflag:$0x3] =	stream.linear.gather [hbm4b:s0+s3], $0x80, $0x38;
	[tilespmem:$0x1E900] =	vst v63  }
0x57: {  	_ = 	snop  }
0x58: {  	[spmem:s2] =	stream.indirect.scatter.add.f32 [tilespmem:s23], [sflag:$0x2], $0x80, s31, s22, $0xb8;
	[tilespmem:$0x1E900] =	vst v63  }
.Ltmp0:
0x59: {  	_ =	swait.ge [sflag:s24], $0x4000;
	(pc) =	sbr.rel @p0 .LBB2_2-.Ltmp0, $4  }
0x5a: {  	[sflag:s24] =	ssyncset.done $0x0  }
0x5b: {  	[sflag:s24] =	ssyncadd.s32 $0xFFFFC000  }
0x5c: {  	_ =	swait.ge [sflag:s19], $0x4000  }
0x5d: {  	[sflag:s19] =	ssyncset.done $0x0  }
0x5e: {  	[sflag:s19] =	ssyncadd.s32 $0xFFFFC000  }
0x5f: {  	_ =	swait.ge [sflag:s21], $0x80  }
0x60: {  	[sflag:s21] =	ssyncset.done $0x0  }
0x61: {  	[sflag:s21] =	ssyncadd.s32 $0xFFFFFF80  }
0x62: {  	[tilespmem:s23], [sflag:$0x1] =	stream.indirect.gather [hbm4b:s4+s22], $0x80, s20, s22, $0xb8;
	[tilespmem:$0x1E900] =	vst v63  }
0x63: {  	_ = 	snop  }
0x64: {  	[tilespmem:s17], [sflag:$0x3] =	stream.linear.gather [hbm4b:s11+s3], $0x80, $0x38;
	[tilespmem:$0x1E900] =	vst v63  }
0x65: {  	_ = 	snop  }
0x66: {  	[spmem:s2] =	stream.indirect.scatter.add.f32 [tilespmem:s18], [sflag:$0x2], $0x80, s25, s22, $0xb8;
	[tilespmem:$0x1E900] =	vst v63  }
0x67: {  	_ =	swait.ge [sflag:s24], $0x4000  }
0x68: {  	[sflag:s24] =	ssyncset.done $0x0  }
0x69: {  	[sflag:s24] =	ssyncadd.s32 $0xFFFFC000  }
0x6a: {  	_ =	swait.ge [sflag:s19], $0x4000  }
0x6b: {  	[sflag:s19] =	ssyncset.done $0x0  }
0x6c: {  	[sflag:s19] =	ssyncadd.s32 $0xFFFFC000  }
0x6d: {  	_ =	swait.ge [sflag:s21], $0x80  }
0x6e: {  	[sflag:s21] =	ssyncset.done $0x0  }
0x6f: {  	[sflag:s21] =	ssyncadd.s32 $0xFFFFFF80  }
0x70: {  	[tilespmem:s18], [sflag:$0x1] =	stream.indirect.gather [hbm4b:s4+s22], $0x80, s17, s22, $0xb8;
	[tilespmem:$0x1E900] =	vst v63  }
0x71: {  	_ = 	snop  }
0x72: {  	[tilespmem:s20], [sflag:$0x3] =	stream.linear.gather [hbm4b:s7+s3], $0x80, $0x38;
	[tilespmem:$0x1E900] =	vst v63  }
0x73: {  	_ = 	snop  }
0x74: {  	[spmem:s2] =	stream.indirect.scatter.add.f32 [tilespmem:s23], [sflag:$0x2], $0x80, s26, s22, $0xb8;
	[tilespmem:$0x1E900] =	vst v63  }
0x75: {  	_ =	swait.ge [sflag:s24], $0x4000  }
0x76: {  	[sflag:s24] =	ssyncset.done $0x0  }
0x77: {  	[sflag:s24] =	ssyncadd.s32 $0xFFFFC000  }
0x78: {  	_ =	swait.ge [sflag:s19], $0x4000  }
0x79: {  	[sflag:s19] =	ssyncset.done $0x0  }
0x7a: {  	[sflag:s19] =	ssyncadd.s32 $0xFFFFC000  }
0x7b: {  	[spmem:s2] =	stream.indirect.scatter.add.f32 [tilespmem:s18], [sflag:$0x4], $0x80, s28, s22, $0xb8;
	[tilespmem:$0x1E900] =	vst v63  }
0x7c: {  	_ =	swait.ge [sflag:s14], $0x4000  }
0x7d: {  	[sflag:s14] =	ssyncset.done $0x0  }
0x7e: {  	[sflag:s14] =	ssyncadd.s32 $0xFFFFC000  }
0x7f: {  	_ =	swait.ge [sflag:s21], $0x80  }
0x80: {  	s29 =	sadd.s32 $0x1, s29;
	[sflag:s21] =	ssyncset.done $0x0  }
0x81: {  	p0 =	sne.s32 s29, s10;
	[sflag:s21] =	ssyncadd.s32 $0xFFFFFF80  }
.Ltmp1:
0x82: {  	[bflag:$0x0] =	sbarrier.arrive $0xFFFF;
	(pc) =	sbr.rel @p0 .LBB2_1-.Ltmp1, $4  }
0x83: {  	[hbm:s9], [sflag:s15] =	dma.local [spmem:s16], $0x2800  }
0x84: {  	_ =	swait.ge [sflag:s14], $0x2800  }
0x85: {  	[sflag:s14] =	ssyncset.done $0x0  }
0x86: {  	[sflag:s14] =	ssyncadd.s32 $0xFFFFD800  }
0x87: {  	_ =	sfence.sel $0x180000  }
0x88: {  	[bflag:$0x0] =	sbarrier.arrive $0xFFFF  }
0x89: {  	_ =	strace $0x90000050  }
0x8a: {  	s0 =	stileid.u32;
	[bflag:$0x2] =	sbarrier.arrive $0xFFFF  }
0x8b: {  	p0 =	sne.s32 s0, $0x0;
	s0 =	rddreg [dreg:$0x2]  }
0x8c: {  	s0 =	sadd.s32 @!p0 $0x100000, s0  }
0x8d: {  	[sflag:s0] =	ssyncadd.tile.s32 @!p0 $0x1;
	_ =	shalt  }
.Lfunc_end2:
_tile_overlayer_lowered:
.L_overlay_start_2:
0x8e: {  	(tag) =	ssettag $0x2  }
0x8f: {  	s0 =	rddreg [dreg:$0x0];
	s2 =	stileid.u32  }
0x90: {  	s1 =	rddreg [dreg:$0x1];
	p0 =	sne.s32 s2, $0x0  }
0x91: {  	s3 =	rddreg [dreg:$0x2];
	[bflag:$0x3] =	sbarrier.arrive $0xFFFF;
	s2 =	simm.s32 @!p0 $0x1C04  }
0x92: {  	[timem:s3], [sflag:s2] =	dma.local @!p0 [hbm:s0], s1  }
0x93: {  	s0 =	simm.s32 @!p0 $0x4  }
0x94: {  	_ =	swait.ge @!p0 [sflag:s0], s1  }
0x95: {  	s1 =	ssub.s32 @!p0 $0x0, s1;
	[sflag:s0] =	ssyncset.done @!p0 $0x0  }
0x96: {  	[sflag:s0] =	ssyncadd.s32 @!p0 s1  }
0x97: {  	[bflag:$0x3] =	sbarrier.arrive $0xFFFF  }
0x98: {  	_ =	shalt  }

// kernel: kernel.31.cloned.1.call-start
scs
__scs_entry_jumppad:
0x0: {  	(pc) =	sbr.rel $0x88, $3  }
0x1: {  	(tag) =	ssettag $0x0;
	lr =	simm.s32 $0x1  }
0x2: {  	[smem:$0x3F97] =	sst lr;
	_ =	strace $0xD0000000  }
0x3: {  	_ = 	snop  }
0x4: {  	_ = 	snop  }
0x5: {  	_ = 	snop  }
0x6: {  	_ = 	snop  }
0x7: {  	_ = 	snop  }
__scs_overlays_trampoline_lowered:
0x8: {  	[smem:$0x3FA6] =	sst s0  }
0x9: {  	[smem:$0x3FA7] =	sst s1  }
0xa: {  	[smem:$0x3FA8] =	sst s2  }
0xb: {  	[smem:$0x3FA9] =	sst s3  }
0xc: {  	[smem:$0x3FAA] =	sst s4  }
0xd: {  	[smem:$0x3FAB] =	sst s5  }
0xe: {  	[smem:$0x3FAC] =	sst s6  }
0xf: {  	[smem:$0x3FAD] =	sst s7  }
0x10: {  	[smem:$0x3FAE] =	sst s8  }
0x11: {  	[smem:$0x3FAF] =	sst s9;
	s0 =	simm.s32 @!p0 $0x0  }
0x12: {  	s1 =	sld [smem:$0x3F95];
	s0 =	simm.s32 @p0 $0x1  }
0x13: {  	[smem:$0x3FB0] =	sst s0;
	s0 =	simm.s32 @!p1 $0x0  }
0x14: {  	s2 =	sld [smem:$0x3F94];
	s0 =	simm.s32 @p1 $0x1  }
0x15: {  	[smem:$0x3FB1] =	sst s0;
	s0 =	simm.s32 @!p2 $0x0  }
0x16: {  	s3 =	sld [smem:$0x3FDB];
	s0 =	simm.s32 @p2 $0x1  }
0x17: {  	s4 =	simm.s32 $0x1BF5;
	[smem:$0x3FB3] =	sst s0  }
0x18: {  	s0 =	sld [smem:$0x3F96];
	_ =	swait.ge [sflag:s4], $0x0  }
0x19: {  	s7 =	sld [smem:$0x3F97]  }
0x1a: {  	s8 =	sadd.s32 $0xFFFFE003, lr  }
0x1b: {  	s9 =	sadd.s32 $0xFFFFFEF7, lr;
	s5 =	simm.s32 $0xFFFFFFFF;
	p2 =	slt.u32 s8, $0xFFFFF086  }
0x1c: {  	p1 =	slt.u32 s9, $0xF7A;
	s5 =	simm.s32 @!p2 $0x0  }
0x1d: {  	s5 =	simm.s32 @p1 $0x1;
	p0 =	seq.s32 s7, s2  }
0x1e: {  	s7 =	smul.u32 @!p0 $0xF7A, s2;
	p2 =	seq.s32 @!p0 s5, $0x0  }
0x1f: {  	s9 =	smul.u32 $0xF7A, s1;
	s8 =	simm.s32 @!p0 $0x1BF5;
	p2 =	por !p2, p0  }
0x20: {  	[sflag:s8] =	ssyncset.s32 @!p0 $0xFFFFF086;
	s6 =	sadd.s32 @!p0 s3, s7;
	s7 =	simm.s32 @!p0 $0x108  }
0x21: {  	s3 =	sadd.s32 s3, s9;
	s6 =	sadd.s32 @!p0 $0x88, s6;
	s7 =	simm.s32 @p2 $0x1082  }
0x22: {  	[simem:s7], [sflag:s8] =	dma.local @!p0 [hbm:s6], $0xF7A  }
0x23: {  	s9 =	sor.u32 $0xD0000000, s2;
	s6 =	simm.s32 $0x108;
	_ =	swait.ge @!p0 [sflag:s8], $0x0  }
0x24: {  	s3 =	sadd.s32 $0x88, s3;
	s6 =	simm.s32 @!p1 $0x1082;
	[sflag:s4] =	ssyncset.s32 $0xFFFFF086  }
0x25: {  	[simem:s6], [sflag:s4] =	dma.local [hbm:s3], $0xF7A  }
0x26: {  	[smem:$0x3F97] =	sst s1;
	(tag) =	ssettag s2;
	_ =	strace s9  }
0x27: {  	s1 =	sld [smem:$0x3FA7]  }
0x28: {  	s2 =	sld [smem:$0x3FA8]  }
0x29: {  	s4 =	sld [smem:$0x3FAA]  }
0x2a: {  	p0 =	seq.s32 s5, $0x0;
	s5 =	sld [smem:$0x3FAB]  }
0x2b: {  	s6 =	sld [smem:$0x3FAC]  }
0x2c: {  	s7 =	sld [smem:$0x3FAD]  }
0x2d: {  	s3 =	simm.s32 $0x108;
	s8 =	sld [smem:$0x3FAE]  }
0x2e: {  	s3 =	simm.s32 @!p0 $0x1082;
	s9 =	sld [smem:$0x3FAF]  }
0x2f: {  	lr =	sadd.s32 s0, s3;
	s0 =	sld [smem:$0x3FA6]  }
0x30: {  	s3 =	sld [smem:$0x3FA9]  }
0x31: {  	[smem:$0x3FB2] =	sst s10  }
0x32: {  	s10 =	sld [smem:$0x3FB0];
	_ =	sdelay $0x3  }
0x33: {  	p0 =	seq.s32 s10, $0x1;
	s10 =	sld [smem:$0x3FB2];
	_ =	sdelay $0x3  }
0x34: {  	[smem:$0x3FB2] =	sst s10  }
0x35: {  	s10 =	sld [smem:$0x3FB1];
	_ =	sdelay $0x3  }
0x36: {  	p1 =	seq.s32 s10, $0x1;
	s10 =	sld [smem:$0x3FB2];
	_ =	sdelay $0x3  }
0x37: {  	[smem:$0x3FB2] =	sst s10  }
0x38: {  	s10 =	sld [smem:$0x3FB3]  }
0x39: {  	_ = 	snop;
	(pc) =	sbr.ind lr, $3  }
0x3a: {  	_ = 	snop  }
0x3b: {  	_ = 	snop  }
0x3c: {  	p2 =	seq.s32 s10, $0x1;
	s10 =	sld [smem:$0x3FB2]  }
0x3d: {  	_ =	shalt  }
0x3e: {  	_ =	shalt  }
0x3f: {  	_ =	shalt  }
0x40: {  	_ =	shalt  }
0x41: {  	_ =	shalt  }
0x42: {  	_ =	shalt  }
0x43: {  	_ =	shalt  }
0x44: {  	_ =	shalt  }
0x45: {  	_ =	shalt  }
0x46: {  	_ =	shalt  }
0x47: {  	_ =	shalt  }
0x48: {  	_ =	shalt  }
0x49: {  	_ =	shalt  }
0x4a: {  	_ =	shalt  }
0x4b: {  	_ =	shalt  }
0x4c: {  	_ =	shalt  }
0x4d: {  	_ =	shalt  }
0x4e: {  	_ =	shalt  }
0x4f: {  	_ =	shalt  }
0x50: {  	_ =	shalt  }
0x51: {  	_ =	shalt  }
0x52: {  	_ =	shalt  }
0x53: {  	_ =	shalt  }
0x54: {  	_ =	shalt  }
0x55: {  	_ =	shalt  }
0x56: {  	_ =	shalt  }
0x57: {  	_ =	shalt  }
0x58: {  	_ =	shalt  }
0x59: {  	_ =	shalt  }
0x5a: {  	_ =	shalt  }
0x5b: {  	_ =	shalt  }
0x5c: {  	_ =	shalt  }
0x5d: {  	_ =	shalt  }
0x5e: {  	_ =	shalt  }
0x5f: {  	_ =	shalt  }
0x60: {  	_ =	shalt  }
0x61: {  	_ =	shalt  }
0x62: {  	_ =	shalt  }
0x63: {  	_ =	shalt  }
0x64: {  	_ =	shalt  }
0x65: {  	_ =	shalt  }
0x66: {  	_ =	shalt  }
0x67: {  	_ =	shalt  }
0x68: {  	_ =	shalt  }
0x69: {  	_ =	shalt  }
0x6a: {  	_ =	shalt  }
0x6b: {  	_ =	shalt  }
0x6c: {  	_ =	shalt  }
0x6d: {  	_ =	shalt  }
0x6e: {  	_ =	shalt  }
0x6f: {  	_ =	shalt  }
0x70: {  	_ =	shalt  }
0x71: {  	_ =	shalt  }
0x72: {  	_ =	shalt  }
0x73: {  	_ =	shalt  }
0x74: {  	_ =	shalt  }
0x75: {  	_ =	shalt  }
0x76: {  	_ =	shalt  }
0x77: {  	_ =	shalt  }
0x78: {  	_ =	shalt  }
0x79: {  	_ =	shalt  }
0x7a: {  	_ =	shalt  }
0x7b: {  	_ =	shalt  }
0x7c: {  	_ =	shalt  }
0x7d: {  	_ =	shalt  }
0x7e: {  	_ =	shalt  }
0x7f: {  	_ =	shalt  }
0x80: {  	_ =	shalt  }
0x81: {  	_ =	shalt  }
0x82: {  	_ =	shalt  }
0x83: {  	_ =	shalt  }
0x84: {  	_ =	shalt  }
0x85: {  	_ =	shalt  }
0x86: {  	_ =	shalt  }
0x87: {  	_ =	shalt  }
.Lfunc_end0:
.L_simem_size_0:
called_computation.4_lowered:
.L_overlay_start_0:
0x88: {  	s2 =	sld [smem:$0x3FD9]  }
0x89: {  	s3 =	sld [smem:$0x3FFE];
	_ =	sdelay $0x1  }
0x8a: {  	s1 =	srdreg.scid  }
0x8b: {  	s0 =	sand.u32 $0x1, s1  }
0x8c: {  	s16 =	sshll.u32 s0, $0xA;
	s2 =	sadd.s32 s3, s2  }
0x8d: {  	s2 =	sadd.s32 s2, s16  }
0x8e: {  	[smem:$0x3FBE] =	sst s2  }
0x8f: {  	_ = 	snop  }
0x90: {  	(tm) =	ssettm $0x1  }
0x91: {  	s17 =	sld [smem:$0x3FFB];
	_ =	sdelay $0x3  }
0x92: {  	_ =	strace s17  }
0x93: {  	s2 =	sld [smem:$0x3FFC];
	_ =	sdelay $0x3  }
0x94: {  	_ =	strace s2  }
0x95: {  	s2 =	sld [smem:$0x3FFD];
	_ =	sdelay $0x3  }
0x96: {  	_ =	strace s2  }
0x97: {  	_ =	strace $0x8FFFFFFF  }
0x98: {  	s18 =	sld [smem:$0x3FDB];
	_ =	sdelay $0x1  }
0x99: {  	s19 =	simm.s32 $_scs_section_size  }
0x9a: {  	s4 =	simm.s32 $_size__tile_overlayer_lowered;
	s5 =	simm.s32 $_tile_overlayer_lowered  }
0x9b: {  	s22 =	simm.s32 $0x1BFF;
	s21 =	sshll.u32 s5, $0x1;
	s2 =	sadd.s32 s19, s18  }
0x9c: {  	s6 =	simm.s32 $0x0;
	s20 =	sshll.u32 s4, $0x1;
	s4 =	sadd.s32 s21, s2  }
0x9d: {  	[timem:s6], [sflag:s22] =	dma.local [hbm:s4], s20  }
0x9e: {  	_ =	swait.ge [sflag:s22], s20  }
0x9f: {  	s3 =	ssub.s32 $0x0, s20;
	[sflag:s22] =	ssyncset.done $0x0  }
0xa0: {  	[sflag:s22] =	ssyncadd.s32 s3;
	_ =	sdelay $0x1  }
0xa1: {  	s23 =	simm.s32 $0x1B8B  }
0xa2: {  	_ =	swait.ge [sflag:s23], $0x1  }
0xa3: {  	[sflag:s23] =	ssyncset.done $0x0  }
0xa4: {  	s25 =	simm.s32 $0x1B8E;
	s24 =	sld [smem:$0x3FFE];
	[sflag:s23] =	ssyncadd.s32 $0xFFFFFFFF  }
0xa5: {  	s26 =	simm.s32 $execute0_lowered;
	[smem:$0x3FD2] =	sst s25  }
0xa6: {  	s4 =	sshll.u32 s26, $0x1;
	_ =	strace $0x80000052;
	[dreg:$0x1] =	wrdreg $0xFFFFFFFF  }
0xa7: {  	s28 =	simm.s32 $_size_execute0_lowered;
	s2 =	sadd.s32 s2, s4;
	[dreg:$0x0] =	wrdreg $0x0  }
0xa8: {  	s4 =	sshll.u32 s28, $0x1;
	[dreg:$0x2] =	wrdreg s2  }
0xa9: {  	[dreg:$0x3] =	wrdreg s4  }
0xaa: {  	[dreg:$0x4] =	wrdreg $0xC0  }
0xab: {  	_ =	task [dreg:s6], $0x5FFFF  }
0xac: {  	[dreg:$0x1] =	wrdreg $0xFFFFFFFF  }
0xad: {  	[dreg:$0x0] =	wrdreg $0x60  }
0xae: {  	[dreg:$0x2] =	wrdreg s24  }
0xaf: {  	[dreg:$0x3] =	wrdreg $0x9  }
0xb0: {  	_ =	task.clear_ibuf [dreg:s6], $0x4FFFF;
	_ =	strace $0x90000052  }
0xb1: {  	s29 =	simm.s32 $0x9;
	_ =	strace $0x80000054  }
0xb2: {  	_ =	swait.ge [sflag:s29], $0x1  }
0xb3: {  	[sflag:s29] =	ssyncadd.s32 $0xFFFFFFFF  }
0xb4: {  	_ =	strace $0x90000054  }
0xb5: {  	_ =	sfence  }
0xb6: {  	s30 =	sld [smem:$0x0];
	_ =	sdelay $0x2  }
0xb7: {  	s31 =	sshll.u32 s1, $0xD;
	s1 =	sshrl.u32 s1, $0x2  }
0xb8: {  	s3 =	sand.u32 $0x4000, s31;
	s1 =	sadd.s32 s1, s30  }
0xb9: {  	s0 =	sor.u32 s3, s0;
	s1 =	sshll.u32 s1, $0x11  }
0xba: {  	s0 =	sor.u32 s1, s0  }
0xbb: {  	s0 =	sadd.s32 $0x8F2B, s0  }
0xbc: {  	[sflag:s0] =	ssyncadd.remote.s32 $0x1  }
0xbd: {  	_ =	sfence.sel $0xFFFF  }
0xbe: {  	[dreg:$0x0] =	wrdreg $0xFFFFFFFF;
	(pc) =	sbr.abs _section_cstart, $3  }
0xbf: {  	[dreg:$0x1] =	wrdreg $0xFFFFFFFF  }
0xc0: {  	_ =	task.clear_ibuf [dreg:s6], $0x2FFFF;
	_ =	strace $0x9FFFFFFF  }
0xc1: {  	(tm) =	ssettm $0x7FFFFFFF  }
tec
execute0_lowered:
.L_overlay_start_1:
0x0: {  	(tag) =	ssettag $0x1  }
0x1: {  	s4 =	rddreg [dreg:$0x0]  }
0x2: {  	s2 =	srdreg.scid;
	s1 =	stileid.u32  }
0x3: {  	s0 =	rddreg [dreg:$0x1];
	s10 =	simm.s32 $0x2800;
	s11 =	simm.s32 $0x4F80  }
0x4: {  	s12 =	simm.s32 $0x7700;
	s13 =	simm.s32 $0x9F00;
	s14 =	simm.s32 $0x80  }
0x5: {  	s15 =	simm.s32 $0x400;
	s16 =	simm.s32 $0x0;
	s5 =	sand.u32 $0x1, s2  }
0x6: {  	s3 =	sshll.u32 s1, $0x1;
	s2 =	simm.s32 $0x0;
	s6 =	sshrl.u32 s1, $0x2  }
0x7: {  	s3 =	sor.u32 s5, s3;
	[smem:$0x7FF] =	sst s2;
	s6 =	smul.u32 $0x14000, s6  }
0x8: {  	s5 =	ssub.s32 $0x2, s5;
	s7 =	sshll.u32 s3, $0x7;
	s8 =	smul.u32 $0x580, s3  }
0x9: {  	_ =	strace $0x80000053;
	s3 =	sadd.s32 $0x5400, s4;
	s7 =	sand.u32 $0x380, s7  }
0xa: {  	s31 =	sshrl.u32 s5, $0x1;
	s6 =	sor.u32 s6, s7;
	s30 =	sadd.s32 s8, s4  }
0xb: {  	s8 =	ssub.s32 s5, s31;
	s6 =	sshrl.u32 s6, $0x3;
	s5 =	sadd.s32 $0x10A00, s30  }
0xc: {  	s8 =	smax.u32 s8, $0x1;
	s9 =	sadd.s32 s6, s4;
	s4 =	sadd.s32 $0x5A00, s30  }
0xd: {  	v0 =	vimm.f32 $0.0e+00;
	s6 =	sadd.s32 $0x1E200, s9;
	s7 =	sadd.s32 $0x3AA00, s9;
	s9 =	simm.s32 $0x1  }
.LBB2_1:
0xe: {  	[tilespmem:s2], [sflag:$0x1] =	stream.linear.gather [hbm4b:s3+s2], $0x2800, $0x38;
	[tilespmem:$0xC700] =	vst v63  }
0xf: {  	_ =	swait.ge [sflag:s9], $0x2800  }
0x10: {  	[sflag:s9] =	ssyncset.done $0x0  }
0x11: {  	[sflag:s9] =	ssyncadd.s32 $0xFFFFD800  }
0x12: {  	[tilespmem:s10], [sflag:$0x1] =	stream.linear.gather [hbm4b:s4+s2], $0x2780, $0x38;
	[tilespmem:$0xC700] =	vst v63  }
0x13: {  	_ =	swait.ge [sflag:s9], $0x2780  }
0x14: {  	[sflag:s9] =	ssyncset.done $0x0  }
0x15: {  	[sflag:s9] =	ssyncadd.s32 $0xFFFFD880  }
0x16: {  	[tilespmem:s11], [sflag:$0x1] =	stream.linear.gather [hbm4b:s5+s2], $0x2780, $0x38;
	[tilespmem:$0xC700] =	vst v63  }
0x17: {  	_ =	swait.ge [sflag:s9], $0x2780  }
0x18: {  	[sflag:s9] =	ssyncset.done $0x0  }
0x19: {  	s17 =	simm.s32 $0x0;
	[sflag:s9] =	ssyncadd.s32 $0xFFFFD880  }
.LBB2_2:
0x1a: {  	p0 =	sne.s32 s17, $0x9FC0  }
.Ltmp0:
0x1b: {  	_ = 	snop;
	(pc) =	sbr.rel @p0 .LBB2_2-.Ltmp0, $4  }
0x1c: {  	_ = 	snop  }
0x1d: {  	s18 =	sshra.s32 s17, $0x2  }
0x1e: {  	[tilespmem:s18+$0x7700] =	vst v0  }
0x1f: {  	s17 =	sadd.s32 $0x40, s17;
	[tilespmem:s18+$0x9F00] =	vst v0  }
0x20: {  	s17 =	simm.s32 $0x0  }
0x21: {  	v2 =	vld [tilespmem:s17+$0x2800]  }
0x22: {  	v1 =	vld [tilespmem:s17+$0x4F80];
	s17 =	simm.s32 $0x40  }
.LBB2_4:
0x23: {  	p0 =	sne.s32 s17, $0x9DC0;
	_ =	sdelay $0x5  }
0x24: {  	v3 =	vld.idx.msk [tilespmem:v2+s2+$0x0], $0xffff  }
0x25: {  	v4 =	vld.idx.msk [tilespmem:v1+s2+$0x0], $0xffff;
	_ =	sdelay $0x5  }
0x26: {  	v3 =	vmul.f32 v4, v3  }
.Ltmp1:
0x27: {  	(pc) =	sbr.rel @p0 .LBB2_4-.Ltmp1, $4  }
0x28: {  	[tilespmem:v2+s12+$0x0] =	vst.idx.add.f32.msk $0xffff, v3  }
0x29: {  	s18 =	sshra.s32 s17, $0x2;
	[tilespmem:v1+s13+$0x0] =	vst.idx.add.f32.msk $0xffff, v3  }
0x2a: {  	v2 =	vld [tilespmem:s18+$0x2800]  }
0x2b: {  	s17 =	sadd.s32 $0x40, s17;
	v1 =	vld [tilespmem:s18+$0x4F80]  }
0x2c: {  	_ =	sdelay $0x6  }
0x2d: {  	v3 =	vld.idx.msk [tilespmem:v2+s2+$0x0], $0xffff  }
0x2e: {  	v4 =	vld.idx.msk [tilespmem:v1+s2+$0x0], $0xffff;
	_ =	sdelay $0x4  }
0x2f: {  	v3 =	vmul.f32 v4, v3;
	_ =	sdelay $0x1  }
0x30: {  	[tilespmem:v2+s12+$0x0] =	vst.idx.add.f32.msk $0xffff, v3  }
0x31: {  	[tilespmem:v1+s13+$0x0] =	vst.idx.add.f32.msk $0xffff, v3  }
0x32: {  	[hbm4b:s6+s14] =	stream.strided.scatter [tilespmem:s12], [sflag:$0x1], $0x2800, s15, s14, $0x38;
	[tilespmem:$0xC700] =	vst v63  }
0x33: {  	s16 =	sadd.s32 $0x1, s16;
	_ =	swait.ge [sflag:s9], $0x2800  }
0x34: {  	p0 =	sne.s32 s16, s8;
	[sflag:s9] =	ssyncset.done $0x0  }
.Ltmp2:
0x35: {  	[sflag:s9] =	ssyncadd.s32 $0xFFFFD800;
	(pc) =	sbr.rel @p0 .LBB2_1-.Ltmp2, $4  }
0x36: {  	[hbm4b:s7+s14] =	stream.strided.scatter [tilespmem:s13], [sflag:$0x1], $0x2800, s15, s14, $0x38;
	[tilespmem:$0xC700] =	vst v63  }
0x37: {  	_ =	swait.ge [sflag:s9], $0x2800  }
0x38: {  	[sflag:s9] =	ssyncset.done $0x0  }
0x39: {  	[sflag:s9] =	ssyncadd.s32 $0xFFFFD800  }
0x3a: {  	_ =	sfence.sel $0x180000  }
0x3b: {  	[bflag:$0x0] =	sbarrier.arrive $0xFFFF  }
0x3c: {  	p0 =	sne.s32 s1, $0x0;
	_ =	strace $0x90000053  }
0x3d: {  	s0 =	sadd.s32 @!p0 $0x100000, s0;
	[bflag:$0x2] =	sbarrier.arrive $0xFFFF  }
0x3e: {  	[sflag:s0] =	ssyncadd.tile.s32 @!p0 $0x1;
	_ =	shalt  }
.Lfunc_end2:
_tile_overlayer_lowered:
.L_overlay_start_2:
0x3f: {  	(tag) =	ssettag $0x2  }
0x40: {  	s0 =	rddreg [dreg:$0x0];
	s2 =	stileid.u32  }
0x41: {  	s1 =	rddreg [dreg:$0x1];
	p0 =	sne.s32 s2, $0x0  }
0x42: {  	s3 =	rddreg [dreg:$0x2];
	[bflag:$0x3] =	sbarrier.arrive $0xFFFF;
	s2 =	simm.s32 @!p0 $0x1C01  }
0x43: {  	[timem:s3], [sflag:s2] =	dma.local @!p0 [hbm:s0], s1  }
0x44: {  	s0 =	simm.s32 @!p0 $0x1  }
0x45: {  	_ =	swait.ge @!p0 [sflag:s0], s1  }
0x46: {  	s1 =	ssub.s32 @!p0 $0x0, s1;
	[sflag:s0] =	ssyncset.done @!p0 $0x0  }
0x47: {  	[sflag:s0] =	ssyncadd.s32 @!p0 s1  }
0x48: {  	[bflag:$0x3] =	sbarrier.arrive $0xFFFF  }
0x49: {  	_ =	shalt  }

// kernel: kernel.34.cloned.1.call-start
scs
__scs_entry_jumppad:
0x0: {  	(pc) =	sbr.rel $0x88, $3  }
0x1: {  	(tag) =	ssettag $0x0;
	lr =	simm.s32 $0x1  }
0x2: {  	[smem:$0x3F97] =	sst lr;
	_ =	strace $0xD0000000  }
0x3: {  	_ = 	snop  }
0x4: {  	_ = 	snop  }
0x5: {  	_ = 	snop  }
0x6: {  	_ = 	snop  }
0x7: {  	_ = 	snop  }
__scs_overlays_trampoline_lowered:
0x8: {  	[smem:$0x3FA6] =	sst s0  }
0x9: {  	[smem:$0x3FA7] =	sst s1  }
0xa: {  	[smem:$0x3FA8] =	sst s2  }
0xb: {  	[smem:$0x3FA9] =	sst s3  }
0xc: {  	[smem:$0x3FAA] =	sst s4  }
0xd: {  	[smem:$0x3FAB] =	sst s5  }
0xe: {  	[smem:$0x3FAC] =	sst s6  }
0xf: {  	[smem:$0x3FAD] =	sst s7  }
0x10: {  	[smem:$0x3FAE] =	sst s8  }
0x11: {  	[smem:$0x3FAF] =	sst s9;
	s0 =	simm.s32 @!p0 $0x0  }
0x12: {  	s1 =	sld [smem:$0x3F95];
	s0 =	simm.s32 @p0 $0x1  }
0x13: {  	[smem:$0x3FB0] =	sst s0;
	s0 =	simm.s32 @!p1 $0x0  }
0x14: {  	s2 =	sld [smem:$0x3F94];
	s0 =	simm.s32 @p1 $0x1  }
0x15: {  	[smem:$0x3FB1] =	sst s0;
	s0 =	simm.s32 @!p2 $0x0  }
0x16: {  	s3 =	sld [smem:$0x3FDB];
	s0 =	simm.s32 @p2 $0x1  }
0x17: {  	s4 =	simm.s32 $0x1BF5;
	[smem:$0x3FB3] =	sst s0  }
0x18: {  	s0 =	sld [smem:$0x3F96];
	_ =	swait.ge [sflag:s4], $0x0  }
0x19: {  	s7 =	sld [smem:$0x3F97]  }
0x1a: {  	s8 =	sadd.s32 $0xFFFFE003, lr  }
0x1b: {  	s9 =	sadd.s32 $0xFFFFFEF7, lr;
	s5 =	simm.s32 $0xFFFFFFFF;
	p2 =	slt.u32 s8, $0xFFFFF086  }
0x1c: {  	p1 =	slt.u32 s9, $0xF7A;
	s5 =	simm.s32 @!p2 $0x0  }
0x1d: {  	s5 =	simm.s32 @p1 $0x1;
	p0 =	seq.s32 s7, s2  }
0x1e: {  	s7 =	smul.u32 @!p0 $0xF7A, s2;
	p2 =	seq.s32 @!p0 s5, $0x0  }
0x1f: {  	s9 =	smul.u32 $0xF7A, s1;
	s8 =	simm.s32 @!p0 $0x1BF5;
	p2 =	por !p2, p0  }
0x20: {  	[sflag:s8] =	ssyncset.s32 @!p0 $0xFFFFF086;
	s6 =	sadd.s32 @!p0 s3, s7;
	s7 =	simm.s32 @!p0 $0x108  }
0x21: {  	s3 =	sadd.s32 s3, s9;
	s6 =	sadd.s32 @!p0 $0x88, s6;
	s7 =	simm.s32 @p2 $0x1082  }
0x22: {  	[simem:s7], [sflag:s8] =	dma.local @!p0 [hbm:s6], $0xF7A  }
0x23: {  	s9 =	sor.u32 $0xD0000000, s2;
	s6 =	simm.s32 $0x108;
	_ =	swait.ge @!p0 [sflag:s8], $0x0  }
0x24: {  	s3 =	sadd.s32 $0x88, s3;
	s6 =	simm.s32 @!p1 $0x1082;
	[sflag:s4] =	ssyncset.s32 $0xFFFFF086  }
0x25: {  	[simem:s6], [sflag:s4] =	dma.local [hbm:s3], $0xF7A  }
0x26: {  	[smem:$0x3F97] =	sst s1;
	(tag) =	ssettag s2;
	_ =	strace s9  }
0x27: {  	s1 =	sld [smem:$0x3FA7]  }
0x28: {  	s2 =	sld [smem:$0x3FA8]  }
0x29: {  	s4 =	sld [smem:$0x3FAA]  }
0x2a: {  	p0 =	seq.s32 s5, $0x0;
	s5 =	sld [smem:$0x3FAB]  }
0x2b: {  	s6 =	sld [smem:$0x3FAC]  }
0x2c: {  	s7 =	sld [smem:$0x3FAD]  }
0x2d: {  	s3 =	simm.s32 $0x108;
	s8 =	sld [smem:$0x3FAE]  }
0x2e: {  	s3 =	simm.s32 @!p0 $0x1082;
	s9 =	sld [smem:$0x3FAF]  }
0x2f: {  	lr =	sadd.s32 s0, s3;
	s0 =	sld [smem:$0x3FA6]  }
0x30: {  	s3 =	sld [smem:$0x3FA9]  }
0x31: {  	[smem:$0x3FB2] =	sst s10  }
0x32: {  	s10 =	sld [smem:$0x3FB0];
	_ =	sdelay $0x3  }
0x33: {  	p0 =	seq.s32 s10, $0x1;
	s10 =	sld [smem:$0x3FB2];
	_ =	sdelay $0x3  }
0x34: {  	[smem:$0x3FB2] =	sst s10  }
0x35: {  	s10 =	sld [smem:$0x3FB1];
	_ =	sdelay $0x3  }
0x36: {  	p1 =	seq.s32 s10, $0x1;
	s10 =	sld [smem:$0x3FB2];
	_ =	sdelay $0x3  }
0x37: {  	[smem:$0x3FB2] =	sst s10  }
0x38: {  	s10 =	sld [smem:$0x3FB3]  }
0x39: {  	_ = 	snop;
	(pc) =	sbr.ind lr, $3  }
0x3a: {  	_ = 	snop  }
0x3b: {  	_ = 	snop  }
0x3c: {  	p2 =	seq.s32 s10, $0x1;
	s10 =	sld [smem:$0x3FB2]  }
0x3d: {  	_ =	shalt  }
0x3e: {  	_ =	shalt  }
0x3f: {  	_ =	shalt  }
0x40: {  	_ =	shalt  }
0x41: {  	_ =	shalt  }
0x42: {  	_ =	shalt  }
0x43: {  	_ =	shalt  }
0x44: {  	_ =	shalt  }
0x45: {  	_ =	shalt  }
0x46: {  	_ =	shalt  }
0x47: {  	_ =	shalt  }
0x48: {  	_ =	shalt  }
0x49: {  	_ =	shalt  }
0x4a: {  	_ =	shalt  }
0x4b: {  	_ =	shalt  }
0x4c: {  	_ =	shalt  }
0x4d: {  	_ =	shalt  }
0x4e: {  	_ =	shalt  }
0x4f: {  	_ =	shalt  }
0x50: {  	_ =	shalt  }
0x51: {  	_ =	shalt  }
0x52: {  	_ =	shalt  }
0x53: {  	_ =	shalt  }
0x54: {  	_ =	shalt  }
0x55: {  	_ =	shalt  }
0x56: {  	_ =	shalt  }
0x57: {  	_ =	shalt  }
0x58: {  	_ =	shalt  }
0x59: {  	_ =	shalt  }
0x5a: {  	_ =	shalt  }
0x5b: {  	_ =	shalt  }
0x5c: {  	_ =	shalt  }
0x5d: {  	_ =	shalt  }
0x5e: {  	_ =	shalt  }
0x5f: {  	_ =	shalt  }
0x60: {  	_ =	shalt  }
0x61: {  	_ =	shalt  }
0x62: {  	_ =	shalt  }
0x63: {  	_ =	shalt  }
0x64: {  	_ =	shalt  }
0x65: {  	_ =	shalt  }
0x66: {  	_ =	shalt  }
0x67: {  	_ =	shalt  }
0x68: {  	_ =	shalt  }
0x69: {  	_ =	shalt  }
0x6a: {  	_ =	shalt  }
0x6b: {  	_ =	shalt  }
0x6c: {  	_ =	shalt  }
0x6d: {  	_ =	shalt  }
0x6e: {  	_ =	shalt  }
0x6f: {  	_ =	shalt  }
0x70: {  	_ =	shalt  }
0x71: {  	_ =	shalt  }
0x72: {  	_ =	shalt  }
0x73: {  	_ =	shalt  }
0x74: {  	_ =	shalt  }
0x75: {  	_ =	shalt  }
0x76: {  	_ =	shalt  }
0x77: {  	_ =	shalt  }
0x78: {  	_ =	shalt  }
0x79: {  	_ =	shalt  }
0x7a: {  	_ =	shalt  }
0x7b: {  	_ =	shalt  }
0x7c: {  	_ =	shalt  }
0x7d: {  	_ =	shalt  }
0x7e: {  	_ =	shalt  }
0x7f: {  	_ =	shalt  }
0x80: {  	_ =	shalt  }
0x81: {  	_ =	shalt  }
0x82: {  	_ =	shalt  }
0x83: {  	_ =	shalt  }
0x84: {  	_ =	shalt  }
0x85: {  	_ =	shalt  }
0x86: {  	_ =	shalt  }
0x87: {  	_ =	shalt  }
.Lfunc_end0:
.L_simem_size_0:
called_computation.5_lowered:
.L_overlay_start_0:
0x88: {  	s2 =	sld [smem:$0x3FD9]  }
0x89: {  	s3 =	sld [smem:$0x3FFE];
	_ =	sdelay $0x1  }
0x8a: {  	s1 =	srdreg.scid  }
0x8b: {  	s0 =	sand.u32 $0x1, s1  }
0x8c: {  	s16 =	sshll.u32 s0, $0xA;
	s2 =	sadd.s32 s3, s2  }
0x8d: {  	s2 =	sadd.s32 s2, s16  }
0x8e: {  	[smem:$0x3FBE] =	sst s2  }
0x8f: {  	_ = 	snop  }
0x90: {  	(tm) =	ssettm $0x1  }
0x91: {  	s17 =	sld [smem:$0x3FFB];
	_ =	sdelay $0x3  }
0x92: {  	_ =	strace s17  }
0x93: {  	s2 =	sld [smem:$0x3FFC];
	_ =	sdelay $0x3  }
0x94: {  	_ =	strace s2  }
0x95: {  	s2 =	sld [smem:$0x3FFD];
	_ =	sdelay $0x3  }
0x96: {  	_ =	strace s2  }
0x97: {  	_ =	strace $0x8FFFFFFF  }
0x98: {  	s18 =	sld [smem:$0x3FDB];
	_ =	sdelay $0x1  }
0x99: {  	s19 =	simm.s32 $_scs_section_size  }
0x9a: {  	s4 =	simm.s32 $_size__tile_overlayer_lowered;
	s5 =	simm.s32 $_tile_overlayer_lowered  }
0x9b: {  	s22 =	simm.s32 $0x1BFF;
	s21 =	sshll.u32 s5, $0x1;
	s2 =	sadd.s32 s19, s18  }
0x9c: {  	s6 =	simm.s32 $0x0;
	s20 =	sshll.u32 s4, $0x1;
	s4 =	sadd.s32 s21, s2  }
0x9d: {  	[timem:s6], [sflag:s22] =	dma.local [hbm:s4], s20  }
0x9e: {  	_ =	swait.ge [sflag:s22], s20  }
0x9f: {  	s3 =	ssub.s32 $0x0, s20;
	[sflag:s22] =	ssyncset.done $0x0  }
0xa0: {  	[sflag:s22] =	ssyncadd.s32 s3;
	_ =	sdelay $0x1  }
0xa1: {  	s23 =	simm.s32 $0x1B8B  }
0xa2: {  	_ =	swait.ge [sflag:s23], $0x1  }
0xa3: {  	[sflag:s23] =	ssyncset.done $0x0  }
0xa4: {  	s25 =	simm.s32 $0x1B8E;
	s24 =	sld [smem:$0x3FFE];
	[sflag:s23] =	ssyncadd.s32 $0xFFFFFFFF  }
0xa5: {  	s26 =	simm.s32 $execute0_lowered;
	[smem:$0x3FD2] =	sst s25  }
0xa6: {  	s4 =	sshll.u32 s26, $0x1;
	_ =	strace $0x80000055;
	[dreg:$0x1] =	wrdreg $0xFFFFFFFF  }
0xa7: {  	s28 =	simm.s32 $_size_execute0_lowered;
	s2 =	sadd.s32 s2, s4;
	[dreg:$0x0] =	wrdreg $0x0  }
0xa8: {  	s4 =	sshll.u32 s28, $0x1;
	[dreg:$0x2] =	wrdreg s2  }
0xa9: {  	[dreg:$0x3] =	wrdreg s4  }
0xaa: {  	[dreg:$0x4] =	wrdreg $0xC0  }
0xab: {  	_ =	task [dreg:s6], $0x5FFFF  }
0xac: {  	[dreg:$0x1] =	wrdreg $0xFFFFFFFF  }
0xad: {  	[dreg:$0x0] =	wrdreg $0x60  }
0xae: {  	[dreg:$0x2] =	wrdreg s24  }
0xaf: {  	[dreg:$0x3] =	wrdreg $0xA9000  }
0xb0: {  	[dreg:$0x4] =	wrdreg $0x9  }
0xb1: {  	_ =	task.clear_ibuf [dreg:s6], $0x5FFFF;
	_ =	strace $0x90000055  }
0xb2: {  	s29 =	simm.s32 $0x9;
	_ =	strace $0x80000057  }
0xb3: {  	_ =	swait.ge [sflag:s29], $0x1  }
0xb4: {  	[sflag:s29] =	ssyncadd.s32 $0xFFFFFFFF  }
0xb5: {  	_ =	strace $0x90000057  }
0xb6: {  	_ =	sfence  }
0xb7: {  	s30 =	sld [smem:$0x0];
	_ =	sdelay $0x2  }
0xb8: {  	s31 =	sshll.u32 s1, $0xD;
	s1 =	sshrl.u32 s1, $0x2  }
0xb9: {  	s3 =	sand.u32 $0x4000, s31;
	s1 =	sadd.s32 s1, s30  }
0xba: {  	s0 =	sor.u32 s3, s0;
	s1 =	sshll.u32 s1, $0x11  }
0xbb: {  	s0 =	sor.u32 s1, s0  }
0xbc: {  	s0 =	sadd.s32 $0x8F2B, s0  }
0xbd: {  	[sflag:s0] =	ssyncadd.remote.s32 $0x1  }
0xbe: {  	_ =	sfence.sel $0xFFFF  }
0xbf: {  	[dreg:$0x0] =	wrdreg $0xFFFFFFFF;
	(pc) =	sbr.abs _section_cstart, $3  }
0xc0: {  	[dreg:$0x1] =	wrdreg $0xFFFFFFFF  }
0xc1: {  	_ =	task.clear_ibuf [dreg:s6], $0x2FFFF;
	_ =	strace $0x9FFFFFFF  }
0xc2: {  	(tm) =	ssettm $0x7FFFFFFF  }
0xc3: {  	_ =	shalt  }
tec
execute0_lowered:
.L_overlay_start_1:
0x0: {  	(tag) =	ssettag $0x1  }
0x1: {  	s1 =	srdreg.scid;
	s6 =	rddreg [dreg:$0x0]  }
0x2: {  	s0 =	stileid.u32;
	s2 =	rddreg [dreg:$0x1];
	s3 =	simm.s32 $0x0  }
0x3: {  	s17 =	simm.s32 $0x2800;
	s18 =	simm.s32 $0x2900;
	s19 =	simm.s32 $0x1  }
0x4: {  	s20 =	simm.s32 $0x2880;
	s21 =	simm.s32 $0x3;
	s22 =	simm.s32 $0x80  }
0x5: {  	s28 =	simm.s32 $0x2700;
	s29 =	simm.s32 $0x0;
	s10 =	smul.u32 $0x14000, s0  }
0x6: {  	s7 =	sand.u32 $0x1, s1;
	s23 =	sshll.u32 s0, $0x1;
	s12 =	smul.u32 $0x50000, s0  }
0x7: {  	[smem:$0x7FF] =	sst s3;
	s4 =	sadd.s32 $0x44A00, s6;
	s25 =	smul.u32 $0x5800, s0  }
0x8: {  	s13 =	sadd.s32 $0x5A00, s6;
	s31 =	sshll.u32 s0, $0x6;
	s9 =	smul.u32 $0x140000, s7  }
0x9: {  	s8 =	sor.u32 s7, s23;
	_ =	strace $0x80000056;
	s15 =	smul.u32 $0x2C00, s7  }
0xa: {  	s24 =	ssub.s32 $0x2, s7;
	s23 =	simm.s32 $0x6900;
	s5 =	smul.u32 $0x580, s8  }
0xb: {  	s14 =	sshrl.u32 s24, $0x1;
	s8 =	smul.u32 $0x2C00, s8;
	s12 =	sshrl.u32 s12, $0x2  }
0xc: {  	s9 =	sadd.s32 s10, s9;
	s10 =	ssub.s32 s24, s14;
	s16 =	sadd.s32 s12, s2  }
0xd: {  	s26 =	sadd.s32 s15, s25;
	s15 =	sor.u32 $0x1C04, s31;
	s24 =	simm.s32 $0x2  }
0xe: {  	s25 =	simm.s32 $0x2600;
	s11 =	sadd.s32 s5, s6;
	s5 =	sadd.s32 $0x1BA00, s6  }
0xf: {  	s9 =	sshrl.u32 s9, $0x3;
	s8 =	sshrl.u32 s8, $0x3;
	s10 =	smax.u32 s10, $0x1  }
0x10: {  	s30 =	sor.u32 $0x180, s26;
	s14 =	sor.u32 $0x100, s26;
	s16 =	sshrl.u32 s16, $0x3  }
0x11: {  	s26 =	simm.s32 $0x2680;
	s9 =	sadd.s32 s9, s6;
	s6 =	sadd.s32 $0x2FA00, s11  }
0x12: {  	s7 =	sadd.s32 s13, s8;
	s12 =	sshrl.u32 s30, $0x3;
	s14 =	sshrl.u32 s14, $0x3  }
0x13: {  	s8 =	sadd.s32 $0x10, s7;
	s9 =	sadd.s32 $0x6CA00, s9;
	s11 =	sadd.s32 $0x4E0, s7  }
0x14: {  	s12 =	sadd.s32 s12, s13;
	s13 =	sadd.s32 s14, s13;
	s14 =	simm.s32 $0x4  }
.LBB2_1:
0x15: {  	[tilespmem:s3], [sflag:$0x4] =	stream.linear.gather [hbm4b:s6+s3], $0x2800, $0x38;
	[tilespmem:$0x1E900] =	vst v63  }
0x16: {  	_ =	swait.ge [sflag:s14], $0x2800  }
0x17: {  	[sflag:s14] =	ssyncset.done $0x0  }
0x18: {  	[sflag:s14] =	ssyncadd.s32 $0xFFFFD800  }
0x19: {  	[spmem:s16], [sflag:s15] =	dma.local [hbm:s5], $0x2800  }
0x1a: {  	_ =	swait.ge [sflag:s14], $0x2800  }
0x1b: {  	[sflag:s14] =	ssyncset.done $0x0  }
0x1c: {  	[sflag:s14] =	ssyncadd.s32 $0xFFFFD800  }
0x1d: {  	[bflag:$0x0] =	sbarrier.arrive $0xFFFF  }
0x1e: {  	[tilespmem:s17], [sflag:$0x4] =	stream.linear.gather [hbm4b:s7+s3], $0x80, $0x38;
	[tilespmem:$0x1E900] =	vst v63  }
0x1f: {  	_ =	swait.ge [sflag:s14], $0x80  }
0x20: {  	[sflag:s14] =	ssyncset.done $0x0  }
0x21: {  	[sflag:s14] =	ssyncadd.s32 $0xFFFFFF80  }
0x22: {  	[tilespmem:s18], [sflag:$0x1] =	stream.indirect.gather [hbm4b:s4+s22], $0x80, s17, s22, $0xb8;
	[tilespmem:$0x1E900] =	vst v63  }
0x23: {  	_ =	swait.ge [sflag:s19], $0x4000  }
0x24: {  	[sflag:s19] =	ssyncset.done $0x0  }
0x25: {  	[sflag:s19] =	ssyncadd.s32 $0xFFFFC000  }
0x26: {  	[tilespmem:s20], [sflag:$0x3] =	stream.linear.gather [hbm4b:s8+s3], $0x80, $0x38;
	[tilespmem:$0x1E900] =	vst v63  }
0x27: {  	_ =	swait.ge [sflag:s21], $0x80  }
0x28: {  	[sflag:s21] =	ssyncset.done $0x0  }
0x29: {  	[sflag:s21] =	ssyncadd.s32 $0xFFFFFF80  }
0x2a: {  	[tilespmem:s23], [sflag:$0x1] =	stream.indirect.gather [hbm4b:s4+s22], $0x80, s20, s22, $0xb8;
	[tilespmem:$0x1E900] =	vst v63  }
0x2b: {  	s30 =	sadd.s32 $0x0, s13  }
0x2c: {  	[tilespmem:s17], [sflag:$0x3] =	stream.linear.gather [hbm4b:s30+s3], $0x80, $0x38;
	[tilespmem:$0x1E900] =	vst v63  }
0x2d: {  	s30 =	simm.s32 $0x0  }
0x2e: {  	[spmem:s2] =	stream.indirect.scatter.add.f32 [tilespmem:s18], [sflag:$0x2], $0x80, s30, s22, $0xb8;
	[tilespmem:$0x1E900] =	vst v63  }
0x2f: {  	_ =	swait.ge [sflag:s24], $0x4000  }
0x30: {  	[sflag:s24] =	ssyncset.done $0x0  }
0x31: {  	[sflag:s24] =	ssyncadd.s32 $0xFFFFC000  }
0x32: {  	_ =	swait.ge [sflag:s19], $0x4000  }
0x33: {  	[sflag:s19] =	ssyncset.done $0x0  }
0x34: {  	[sflag:s19] =	ssyncadd.s32 $0xFFFFC000  }
0x35: {  	_ =	swait.ge [sflag:s21], $0x80  }
0x36: {  	[sflag:s21] =	ssyncset.done $0x0  }
0x37: {  	[sflag:s21] =	ssyncadd.s32 $0xFFFFFF80  }
0x38: {  	[tilespmem:s18], [sflag:$0x1] =	stream.indirect.gather [hbm4b:s4+s22], $0x80, s17, s22, $0xb8;
	[tilespmem:$0x1E900] =	vst v63  }
0x39: {  	s30 =	sadd.s32 $0x0, s12  }
0x3a: {  	[tilespmem:s20], [sflag:$0x3] =	stream.linear.gather [hbm4b:s30+s3], $0x80, $0x38;
	[tilespmem:$0x1E900] =	vst v63  }
0x3b: {  	_ = 	snop  }
0x3c: {  	[spmem:s2] =	stream.indirect.scatter.add.f32 [tilespmem:s23], [sflag:$0x2], $0x80, s22, s22, $0xb8;
	[tilespmem:$0x1E900] =	vst v63  }
0x3d: {  	_ =	swait.ge [sflag:s24], $0x4000  }
0x3e: {  	[sflag:s24] =	ssyncset.done $0x0  }
0x3f: {  	[sflag:s24] =	ssyncadd.s32 $0xFFFFC000  }
0x40: {  	_ =	swait.ge [sflag:s19], $0x4000  }
0x41: {  	s31 =	simm.s32 $0x80;
	s30 =	simm.s32 $0x20;
	[sflag:s19] =	ssyncset.done $0x0  }
.LBB2_2:
0x42: {  	p0 =	sne.s32 s30, $0x4A0;
	[sflag:s19] =	ssyncadd.s32 $0xFFFFC000;
	s31 =	sadd.s32 $0x100, s31  }
0x43: {  	s1 =	smov.u32 s30;
	s30 =	sadd.s32 $0x20, s30;
	_ =	swait.ge [sflag:s21], $0x80  }
0x44: {  	[sflag:s21] =	ssyncset.done $0x0  }
0x45: {  	[sflag:s21] =	ssyncadd.s32 $0xFFFFFF80  }
0x46: {  	[tilespmem:s23], [sflag:$0x1] =	stream.indirect.gather [hbm4b:s4+s22], $0x80, s20, s22, $0xb8;
	[tilespmem:$0x1E900] =	vst v63  }
0x47: {  	s0 =	sadd.s32 s1, s13  }
0x48: {  	[tilespmem:s17], [sflag:$0x3] =	stream.linear.gather [hbm4b:s0+s3], $0x80, $0x38;
	[tilespmem:$0x1E900] =	vst v63  }
0x49: {  	s0 =	sadd.s32 $0xFFFFFF80, s31  }
0x4a: {  	[spmem:s2] =	stream.indirect.scatter.add.f32 [tilespmem:s18], [sflag:$0x2], $0x80, s0, s22, $0xb8;
	[tilespmem:$0x1E900] =	vst v63  }
0x4b: {  	_ =	swait.ge [sflag:s24], $0x4000  }
0x4c: {  	[sflag:s24] =	ssyncset.done $0x0  }
0x4d: {  	[sflag:s24] =	ssyncadd.s32 $0xFFFFC000  }
0x4e: {  	_ =	swait.ge [sflag:s19], $0x4000  }
0x4f: {  	[sflag:s19] =	ssyncset.done $0x0  }
0x50: {  	[sflag:s19] =	ssyncadd.s32 $0xFFFFC000  }
0x51: {  	_ =	swait.ge [sflag:s21], $0x80  }
0x52: {  	[sflag:s21] =	ssyncset.done $0x0  }
0x53: {  	[sflag:s21] =	ssyncadd.s32 $0xFFFFFF80  }
0x54: {  	[tilespmem:s18], [sflag:$0x1] =	stream.indirect.gather [hbm4b:s4+s22], $0x80, s17, s22, $0xb8;
	[tilespmem:$0x1E900] =	vst v63  }
0x55: {  	s0 =	sadd.s32 s1, s12  }
0x56: {  	[tilespmem:s20], [sflag:$0x3] =	stream.linear.gather [hbm4b:s0+s3], $0x80, $0x38;
	[tilespmem:$0x1E900] =	vst v63  }
0x57: {  	_ = 	snop  }
0x58: {  	[spmem:s2] =	stream.indirect.scatter.add.f32 [tilespmem:s23], [sflag:$0x2], $0x80, s31, s22, $0xb8;
	[tilespmem:$0x1E900] =	vst v63  }
.Ltmp0:
0x59: {  	_ =	swait.ge [sflag:s24], $0x4000;
	(pc) =	sbr.rel @p0 .LBB2_2-.Ltmp0, $4  }
0x5a: {  	[sflag:s24] =	ssyncset.done $0x0  }
0x5b: {  	[sflag:s24] =	ssyncadd.s32 $0xFFFFC000  }
0x5c: {  	_ =	swait.ge [sflag:s19], $0x4000  }
0x5d: {  	[sflag:s19] =	ssyncset.done $0x0  }
0x5e: {  	[sflag:s19] =	ssyncadd.s32 $0xFFFFC000  }
0x5f: {  	_ =	swait.ge [sflag:s21], $0x80  }
0x60: {  	[sflag:s21] =	ssyncset.done $0x0  }
0x61: {  	[sflag:s21] =	ssyncadd.s32 $0xFFFFFF80  }
0x62: {  	[tilespmem:s23], [sflag:$0x1] =	stream.indirect.gather [hbm4b:s4+s22], $0x80, s20, s22, $0xb8;
	[tilespmem:$0x1E900] =	vst v63  }
0x63: {  	_ = 	snop  }
0x64: {  	[tilespmem:s17], [sflag:$0x3] =	stream.linear.gather [hbm4b:s11+s3], $0x80, $0x38;
	[tilespmem:$0x1E900] =	vst v63  }
0x65: {  	_ = 	snop  }
0x66: {  	[spmem:s2] =	stream.indirect.scatter.add.f32 [tilespmem:s18], [sflag:$0x2], $0x80, s25, s22, $0xb8;
	[tilespmem:$0x1E900] =	vst v63  }
0x67: {  	_ =	swait.ge [sflag:s24], $0x4000  }
0x68: {  	[sflag:s24] =	ssyncset.done $0x0  }
0x69: {  	[sflag:s24] =	ssyncadd.s32 $0xFFFFC000  }
0x6a: {  	_ =	swait.ge [sflag:s19], $0x4000  }
0x6b: {  	[sflag:s19] =	ssyncset.done $0x0  }
0x6c: {  	[sflag:s19] =	ssyncadd.s32 $0xFFFFC000  }
0x6d: {  	_ =	swait.ge [sflag:s21], $0x80  }
0x6e: {  	[sflag:s21] =	ssyncset.done $0x0  }
0x6f: {  	[sflag:s21] =	ssyncadd.s32 $0xFFFFFF80  }
0x70: {  	[tilespmem:s18], [sflag:$0x1] =	stream.indirect.gather [hbm4b:s4+s22], $0x80, s17, s22, $0xb8;
	[tilespmem:$0x1E900] =	vst v63  }
0x71: {  	_ = 	snop  }
0x72: {  	[tilespmem:s20], [sflag:$0x3] =	stream.linear.gather [hbm4b:s7+s3], $0x80, $0x38;
	[tilespmem:$0x1E900] =	vst v63  }
0x73: {  	_ = 	snop  }
0x74: {  	[spmem:s2] =	stream.indirect.scatter.add.f32 [tilespmem:s23], [sflag:$0x2], $0x80, s26, s22, $0xb8;
	[tilespmem:$0x1E900] =	vst v63  }
0x75: {  	_ =	swait.ge [sflag:s24], $0x4000  }
0x76: {  	[sflag:s24] =	ssyncset.done $0x0  }
0x77: {  	[sflag:s24] =	ssyncadd.s32 $0xFFFFC000  }
0x78: {  	_ =	swait.ge [sflag:s19], $0x4000  }
0x79: {  	[sflag:s19] =	ssyncset.done $0x0  }
0x7a: {  	[sflag:s19] =	ssyncadd.s32 $0xFFFFC000  }
0x7b: {  	[spmem:s2] =	stream.indirect.scatter.add.f32 [tilespmem:s18], [sflag:$0x4], $0x80, s28, s22, $0xb8;
	[tilespmem:$0x1E900] =	vst v63  }
0x7c: {  	_ =	swait.ge [sflag:s14], $0x4000  }
0x7d: {  	[sflag:s14] =	ssyncset.done $0x0  }
0x7e: {  	[sflag:s14] =	ssyncadd.s32 $0xFFFFC000  }
0x7f: {  	_ =	swait.ge [sflag:s21], $0x80  }
0x80: {  	s29 =	sadd.s32 $0x1, s29;
	[sflag:s21] =	ssyncset.done $0x0  }
0x81: {  	p0 =	sne.s32 s29, s10;
	[sflag:s21] =	ssyncadd.s32 $0xFFFFFF80  }
.Ltmp1:
0x82: {  	[bflag:$0x0] =	sbarrier.arrive $0xFFFF;
	(pc) =	sbr.rel @p0 .LBB2_1-.Ltmp1, $4  }
0x83: {  	[hbm:s9], [sflag:s15] =	dma.local [spmem:s16], $0x2800  }
0x84: {  	_ =	swait.ge [sflag:s14], $0x2800  }
0x85: {  	[sflag:s14] =	ssyncset.done $0x0  }
0x86: {  	[sflag:s14] =	ssyncadd.s32 $0xFFFFD800  }
0x87: {  	_ =	sfence.sel $0x180000  }
0x88: {  	[bflag:$0x0] =	sbarrier.arrive $0xFFFF  }
0x89: {  	_ =	strace $0x90000056  }
0x8a: {  	s0 =	stileid.u32;
	[bflag:$0x2] =	sbarrier.arrive $0xFFFF  }
0x8b: {  	p0 =	sne.s32 s0, $0x0;
	s0 =	rddreg [dreg:$0x2]  }
0x8c: {  	s0 =	sadd.s32 @!p0 $0x100000, s0  }
0x8d: {  	[sflag:s0] =	ssyncadd.tile.s32 @!p0 $0x1;
	_ =	shalt  }
.Lfunc_end2:
_tile_overlayer_lowered:
.L_overlay_start_2:
0x8e: {  	(tag) =	ssettag $0x2  }
0x8f: {  	s0 =	rddreg [dreg:$0x0];
	s2 =	stileid.u32  }
0x90: {  	s1 =	rddreg [dreg:$0x1];
	p0 =	sne.s32 s2, $0x0  }
0x91: {  	s3 =	rddreg [dreg:$0x2];
	[bflag:$0x3] =	sbarrier.arrive $0xFFFF;
	s2 =	simm.s32 @!p0 $0x1C04  }
0x92: {  	[timem:s3], [sflag:s2] =	dma.local @!p0 [hbm:s0], s1  }
0x93: {  	s0 =	simm.s32 @!p0 $0x4  }
0x94: {  	_ =	swait.ge @!p0 [sflag:s0], s1  }
0x95: {  	s1 =	ssub.s32 @!p0 $0x0, s1;
	[sflag:s0] =	ssyncset.done @!p0 $0x0  }
0x96: {  	[sflag:s0] =	ssyncadd.s32 @!p0 s1  }
0x97: {  	[bflag:$0x3] =	sbarrier.arrive $0xFFFF  }
0x98: {  	_ =	shalt  }

</sc_bundles>
